<compile_context>
chip_gen: v7x
topology: tpu7x:2x2x1
jax: 0.10.2.dev20260603
libtpu: 0.0.44.dev20260713+nightly
codegen_flags: <defaults>
</compile_context>

<pallas_src>
import functools

import jax
import jax.numpy as jnp
from jax import lax
from jax.experimental import pallas as pl
from jax.experimental.pallas import tpu as pltpu
from jax.experimental.pallas import tpu_sc as plsc

N_CELLS = 10000
N_GENES = 2000
H = 128
E_CELL = 320000
E_GENE = 64000

NC = 2
NS = 16
NW = NC * NS
CHUNK = 128

KC = E_CELL // (NW * CHUNK) + (1 if E_CELL % (NW * CHUNK) else 0)
KC += KC % 2
KG = E_GENE // (NW * CHUNK) + (1 if E_GENE % (NW * CHUNK) else 0)

ZR_C = 632
ZR_G = 128
ACC_C = NS * ZR_C
ACC_G = NS * ZR_G

_EPS = 1e-5

_SC_MESH = plsc.VectorSubcoreMesh(core_axis_name="c", subcore_axis_name="s")


def _prep_edges(adj, n_nodes, k_chunks, spare):
    e = adj.shape[0]
    pad = NW * k_chunks * CHUNK - e
    pidx = jnp.arange(pad, dtype=jnp.int32)
    src = jnp.concatenate([adj[:, 0], pidx % n_nodes])
    dst = jnp.concatenate([adj[:, 1], n_nodes + pidx % spare])
    return (src.reshape(NW, k_chunks, CHUNK), dst.reshape(NW, k_chunks, CHUNK))


@functools.partial(
    pl.kernel,
    out_type=(
        jax.ShapeDtypeStruct((NC, ACC_C, H), jnp.float32),
        jax.ShapeDtypeStruct((NC, ACC_G, H), jnp.float32),
    ),
    mesh=_SC_MESH,
    scratch_types=[
        pltpu.VMEM((KC, CHUNK), jnp.int32),
        pltpu.VMEM((KG, CHUNK), jnp.int32),
        pltpu.VMEM((CHUNK, H), jnp.float32),
        pltpu.VMEM_SHARED((ACC_C, H), jnp.float32),
        pltpu.VMEM_SHARED((ACC_G, H), jnp.float32),
    ],
)
def _sc_hist(dstc_hbm, dstg_hbm, ones_hbm, zc_hbm, zg_hbm, outc_hbm, outg_hbm,
             dstc_v, dstg_v, ones_v, degc_sh, degg_sh):
    cid = lax.axis_index("c")
    sid = lax.axis_index("s")
    wid = cid * NS + sid
    pltpu.sync_copy(dstc_hbm.at[wid], dstc_v)
    pltpu.sync_copy(dstg_hbm.at[wid], dstg_v)
    pltpu.sync_copy(ones_hbm, ones_v)
    pltpu.sync_copy(zc_hbm, degc_sh.at[pl.ds(sid * ZR_C, ZR_C)])
    pltpu.sync_copy(zg_hbm, degg_sh.at[pl.ds(sid * ZR_G, ZR_G)])
    plsc.subcore_barrier()

    def cbody(j, carry):
        pltpu.sync_copy(ones_v, degc_sh.at[dstc_v.at[j]], add=True)
        return carry

    lax.fori_loop(0, KC, cbody, 0)

    def gbody(j, carry):
        pltpu.sync_copy(ones_v, degg_sh.at[dstg_v.at[j]], add=True)
        return carry

    lax.fori_loop(0, KG, gbody, 0)
    plsc.subcore_barrier()
    pltpu.sync_copy(degc_sh.at[pl.ds(sid * ZR_C, ZR_C)],
                    outc_hbm.at[cid, pl.ds(sid * ZR_C, ZR_C)])
    pltpu.sync_copy(degg_sh.at[pl.ds(sid * ZR_G, ZR_G)],
                    outg_hbm.at[cid, pl.ds(sid * ZR_G, ZR_G)])


def _make_scatter(acc_rows, zr, k_chunks):
    @functools.partial(
        pl.kernel,
        out_type=jax.ShapeDtypeStruct((NC, acc_rows, H), jnp.float32),
        mesh=_SC_MESH,
        scratch_types=[
            pltpu.VMEM((k_chunks, CHUNK), jnp.int32),
            pltpu.VMEM((k_chunks, CHUNK), jnp.int32),
            pltpu.VMEM((CHUNK, H), jnp.float32),
            pltpu.VMEM_SHARED((acc_rows, H), jnp.float32),
        ],
    )
    def _scatter(g_hbm, src_hbm, dst_hbm, z_hbm, out_hbm,
                 src_v, dst_v, rows_v, acc_sh):
        cid = lax.axis_index("c")
        sid = lax.axis_index("s")
        wid = cid * NS + sid
        pltpu.sync_copy(src_hbm.at[wid], src_v)
        pltpu.sync_copy(dst_hbm.at[wid], dst_v)
        pltpu.sync_copy(z_hbm, acc_sh.at[pl.ds(sid * zr, zr)])
        plsc.subcore_barrier()

        def body(j, carry):
            pltpu.sync_copy(g_hbm.at[src_v.at[j]], rows_v)
            pltpu.sync_copy(rows_v, acc_sh.at[dst_v.at[j]], add=True)
            return carry

        lax.fori_loop(0, k_chunks, body, 0)
        plsc.subcore_barrier()
        pltpu.sync_copy(acc_sh.at[pl.ds(sid * zr, zr)],
                        out_hbm.at[cid, pl.ds(sid * zr, zr)])

    return _scatter


_sc_scatter_c = _make_scatter(ACC_C, ZR_C, KC)
_sc_scatter_g = _make_scatter(ACC_G, ZR_G, KG)


def _dis_body(dc_ref, dg_ref, oc_ref, og_ref):
    dc = dc_ref[0] + dc_ref[1]
    oc_ref[...] = lax.rsqrt(dc[:N_CELLS, 0:1] + 1.0)
    dg = dg_ref[0] + dg_ref[1]
    og_ref[...] = lax.rsqrt(dg[:N_GENES, 0:1] + 1.0)


def _mm_body(x_ref, w_ref, o_ref):
    o_ref[...] = jnp.dot(x_ref[...], w_ref[...],
                         preferred_element_type=jnp.float32)


def _scale_body(h1_ref, dc_ref, h3_ref, dg_ref, g1_ref, g3_ref):
    g1_ref[...] = h1_ref[...] * dc_ref[...]
    g3_ref[...] = h3_ref[...] * dg_ref[...]


def _gn_narrow_body(ac_ref, g1_ref, dc_ref, b1_ref, w1_ref, bb1_ref, a1_ref,
                    ag_ref, g3_ref, dg_ref, b3_ref, w3_ref, bb3_ref, a3_ref,
                    g2_ref, g4_ref):
    def one(ac, g, dis, b, w, bb, a):
        n = g.shape[0]
        t = dis * (ac[0, :n] + ac[1, :n] + g) + b
        m = jnp.mean(t, axis=0, keepdims=True)
        c = t - a * m
        v = jnp.mean(c * c, axis=0, keepdims=True)
        h = jnp.maximum(c * lax.rsqrt(v + _EPS) * w + bb, 0.0)
        return dis * h

    g2_ref[...] = one(ac_ref[...], g1_ref[...], dc_ref[...], b1_ref[...],
                      w1_ref[...], bb1_ref[...], a1_ref[...])
    g4_ref[...] = one(ag_ref[...], g3_ref[...], dg_ref[...], b3_ref[...],
                      w3_ref[...], bb3_ref[...], a3_ref[...])


def _agg_body(ac_ref, g2_ref, dc_ref, ag_ref, g4_ref, dg_ref,
              aggc_ref, aggg_ref):
    aggc_ref[...] = dc_ref[...] * (ac_ref[0, :N_CELLS] + ac_ref[1, :N_CELLS]
                                   + g2_ref[...])
    aggg_ref[...] = dg_ref[...] * (ag_ref[0, :N_GENES] + ag_ref[1, :N_GENES]
                                   + g4_ref[...])


def _l2c_stats_body(agg_ref, w_ref, b_ref, s1_ref, s2_ref):
    i = pl.program_id(0)
    y = jnp.dot(agg_ref[...], w_ref[...],
                preferred_element_type=jnp.float32) + b_ref[...]
    s1 = jnp.sum(y, axis=0, keepdims=True)
    s2 = jnp.sum(y * y, axis=0, keepdims=True)

    @pl.when(i == 0)
    def _():
        s1_ref[...] = s1
        s2_ref[...] = s2

    @pl.when(i > 0)
    def _():
        s1_ref[...] += s1
        s2_ref[...] += s2


def _l2_fused_body(w4_ref, agg4_ref, b4_ref, a4_ref, gw4_ref, gb4_ref,
                   agg2_ref, w2_ref, b2_ref, s1_ref, s2_ref, a2_ref,
                   gw2_ref, gb2_ref, o_ref):
    y = jnp.dot(agg2_ref[...], w2_ref[...],
                preferred_element_type=jnp.float32) + b2_ref[...]
    m = s1_ref[...] * (1.0 / N_CELLS)
    ey2 = s2_ref[...] * (1.0 / N_CELLS)
    am = a2_ref[...] * m
    v = ey2 - 2.0 * am * m + am * am
    h = jnp.maximum((y - am) * lax.rsqrt(v + _EPS) * gw2_ref[...]
                    + gb2_ref[...], 0.0)
    yt = lax.dot_general(w4_ref[...], agg4_ref[...], (((0,), (1,)), ((), ())),
                         preferred_element_type=jnp.float32) + b4_ref[...]
    mt = jnp.mean(yt, axis=1, keepdims=True)
    ct = yt - a4_ref[...] * mt
    vt = jnp.mean(ct * ct, axis=1, keepdims=True)
    htt = jnp.maximum(ct * lax.rsqrt(vt + _EPS) * gw4_ref[...] + gb4_ref[...],
                      0.0)
    o_ref[...] = h + htt


def kernel(data, x, adj, x_t, adj_t, clustering, W1, b1, W2, b2, W3, b3, W4,
           b4, gn1_w, gn1_b, gn1_a, gn2_w, gn2_b, gn2_a, gn3_w, gn3_b, gn3_a,
           gn4_w, gn4_b, gn4_a, bn1_g, bn1_b, bn2_g, bn2_b):
    f32 = jnp.float32
    srcc, dstc = _prep_edges(adj, N_CELLS, KC, ACC_C - N_CELLS)
    srcg, dstg = _prep_edges(adj_t, N_GENES, KG, ACC_G - N_GENES)
    zc_rows = jnp.zeros((ZR_C, H), f32)
    zg_rows = jnp.zeros((ZR_G, H), f32)
    ones_rows = jnp.ones((CHUNK, H), f32)

    degc_p, degg_p = _sc_hist(dstc, dstg, ones_rows, zc_rows, zg_rows)

    disC, disG = pl.pallas_call(
        _dis_body,
        out_shape=(jax.ShapeDtypeStruct((N_CELLS, 1), f32),
                   jax.ShapeDtypeStruct((N_GENES, 1), f32)),
    )(degc_p, degg_p)

    h1 = pl.pallas_call(
        _mm_body,
        grid=(10,),
        in_specs=[pl.BlockSpec((N_CELLS // 10, N_GENES), lambda i: (i, 0)),
                  pl.BlockSpec((N_GENES, H), lambda i: (0, 0))],
        out_specs=pl.BlockSpec((N_CELLS // 10, H), lambda i: (i, 0)),
        out_shape=jax.ShapeDtypeStruct((N_CELLS, H), f32),
    )(x, W1)
    h3 = pl.pallas_call(
        _mm_body,
        grid=(10,),
        in_specs=[pl.BlockSpec((N_GENES // 10, N_CELLS), lambda i: (i, 0)),
                  pl.BlockSpec((N_CELLS, H), lambda i: (0, 0))],
        out_specs=pl.BlockSpec((N_GENES // 10, H), lambda i: (i, 0)),
        out_shape=jax.ShapeDtypeStruct((N_GENES, H), f32),
    )(x_t, W3)

    g1, g3 = pl.pallas_call(
        _scale_body,
        out_shape=(jax.ShapeDtypeStruct((N_CELLS, H), f32),
                   jax.ShapeDtypeStruct((N_GENES, H), f32)),
    )(h1, disC, h3, disG)

    acc1_p = _sc_scatter_c(g1, srcc, dstc, zc_rows)
    acc3_p = _sc_scatter_g(g3, srcg, dstg, zg_rows)

    rb1 = b1.reshape(1, H)
    rw1, rbb1, ra1 = (gn1_w.reshape(1, H), gn1_b.reshape(1, H),
                      gn1_a.reshape(1, H))
    rb3 = b3.reshape(1, H)
    rw3, rbb3, ra3 = (gn3_w.reshape(1, H), gn3_b.reshape(1, H),
                      gn3_a.reshape(1, H))
    g2, g4 = pl.pallas_call(
        _gn_narrow_body,
        out_shape=(jax.ShapeDtypeStruct((N_CELLS, H), f32),
                   jax.ShapeDtypeStruct((N_GENES, H), f32)),
    )(acc1_p, g1, disC, rb1, rw1, rbb1, ra1,
      acc3_p, g3, disG, rb3, rw3, rbb3, ra3)

    acc2_p = _sc_scatter_c(g2, srcc, dstc, zc_rows)
    acc4_p = _sc_scatter_g(g4, srcg, dstg, zg_rows)

    agg2, agg4 = pl.pallas_call(
        _agg_body,
        out_shape=(jax.ShapeDtypeStruct((N_CELLS, H), f32),
                   jax.ShapeDtypeStruct((N_GENES, H), f32)),
    )(acc2_p, g2, disC, acc4_p, g4, disG)

    SB = 1000
    rb2, ra2 = b2.reshape(1, N_GENES), gn2_a.reshape(1, N_GENES)
    rw2, rbb2 = gn2_w.reshape(1, N_GENES), gn2_b.reshape(1, N_GENES)
    s1, s2 = pl.pallas_call(
        _l2c_stats_body,
        grid=(N_CELLS // SB,),
        in_specs=[pl.BlockSpec((SB, H), lambda i: (i, 0)),
                  pl.BlockSpec((H, N_GENES), lambda i: (0, 0)),
                  pl.BlockSpec((1, N_GENES), lambda i: (0, 0))],
        out_specs=(pl.BlockSpec((1, N_GENES), lambda i: (0, 0)),
                   pl.BlockSpec((1, N_GENES), lambda i: (0, 0))),
        out_shape=(jax.ShapeDtypeStruct((1, N_GENES), f32),
                   jax.ShapeDtypeStruct((1, N_GENES), f32)),
    )(agg2, W2, rb2)

    RB = 512
    cb4 = b4.reshape(N_CELLS, 1)
    ca4, cw4, cbb4 = (gn4_a.reshape(N_CELLS, 1), gn4_w.reshape(N_CELLS, 1),
                      gn4_b.reshape(N_CELLS, 1))
    res = pl.pallas_call(
        _l2_fused_body,
        grid=(pl.cdiv(N_CELLS, RB),),
        in_specs=[pl.BlockSpec((H, RB), lambda i: (0, i)),
                  pl.BlockSpec((N_GENES, H), lambda i: (0, 0)),
                  pl.BlockSpec((RB, 1), lambda i: (i, 0)),
                  pl.BlockSpec((RB, 1), lambda i: (i, 0)),
                  pl.BlockSpec((RB, 1), lambda i: (i, 0)),
                  pl.BlockSpec((RB, 1), lambda i: (i, 0)),
                  pl.BlockSpec((RB, H), lambda i: (i, 0)),
                  pl.BlockSpec((H, N_GENES), lambda i: (0, 0)),
                  pl.BlockSpec((1, N_GENES), lambda i: (0, 0)),
                  pl.BlockSpec((1, N_GENES), lambda i: (0, 0)),
                  pl.BlockSpec((1, N_GENES), lambda i: (0, 0)),
                  pl.BlockSpec((1, N_GENES), lambda i: (0, 0)),
                  pl.BlockSpec((1, N_GENES), lambda i: (0, 0)),
                  pl.BlockSpec((1, N_GENES), lambda i: (0, 0))],
        out_specs=pl.BlockSpec((RB, N_GENES), lambda i: (i, 0)),
        out_shape=jax.ShapeDtypeStruct((N_CELLS, N_GENES), f32),
    )(W4, agg4, cb4, ca4, cw4, cbb4,
      agg2, W2, rb2, s1, s2, ra2, rw2, rbb2)

    def _clustered():
        def bn(v, g, beta):
            m = jnp.mean(v, axis=0, keepdims=True)
            var = jnp.var(v, axis=0, keepdims=True)
            return (v - m) / jnp.sqrt(var + _EPS) * g + beta

        return bn(data, bn1_g, bn1_b) + bn(data.T, bn2_g, bn2_b).T

    return lax.cond(clustering != 0, _clustered, lambda: res)

# --- scband reference (transcript-rebuilt; emitter-appended) ---
"""Pipeline reference for scband-ae-gcn-12300786336363 (READ-ONLY COPY).

The authoritative reference and input builder live on the scoring server;
editing this copy changes nothing except your own understanding.
"""

import jax, jax.numpy as jnp
import numpy as np

N_CELLS = 10000
N_GENES = 2000
H2 = 128
H3 = 128
E_CELL = 320000
E_GENE = 64000


def gcn_conv(x, edge_index, W, b):
    # PyG GCNConv: add self-loops, symmetric normalization, linear transform.
    N = x.shape[0]
    loop = jnp.arange(N, dtype=edge_index.dtype)
    src = jnp.concatenate([edge_index[0], loop])
    dst = jnp.concatenate([edge_index[1], loop])
    deg = jnp.zeros((N,), x.dtype).at[dst].add(1.0)
    dis = jnp.where(deg > 0, 1.0 / jnp.sqrt(deg), 0.0)
    norm = dis[src] * dis[dst]
    in_dim, out_dim = W.shape
    if in_dim <= out_dim:
        # propagate in the narrower width, then transform (both ops are linear, so they commute)
        agg = jnp.zeros((N, in_dim), x.dtype).at[dst].add(x[src] * norm[:, None])
        out = agg @ W
    else:
        h = x @ W
        out = jnp.zeros((N, out_dim), x.dtype).at[dst].add(h[src] * norm[:, None])
    return out + b


def graph_norm(x, w, b, mean_scale, eps=1e-5):
    # PyG GraphNorm over a single graph (all nodes in one batch)
    mean = jnp.mean(x, axis=0, keepdims=True)
    out = x - mean_scale * mean
    var = jnp.mean(out * out, axis=0, keepdims=True)
    return out / jnp.sqrt(var + eps) * w + b


def batch_norm(x, g, beta, eps=1e-5):
    m = jnp.mean(x, axis=0, keepdims=True)
    v = jnp.var(x, axis=0, keepdims=True)
    return (x - m) / jnp.sqrt(v + eps) * g + beta


def setup_inputs(seed: int = 0):
    key = jax.random.key(seed)
    ks = jax.random.split(key, 12)
    data = jax.random.normal(ks[0], (N_CELLS, N_GENES), jnp.float32)
    x = jax.random.normal(ks[1], (N_CELLS, N_GENES), jnp.float32)
    adj = jax.random.randint(ks[2], (E_CELL, 2), 0, N_CELLS, dtype=jnp.int32)
    x_t = jax.random.normal(ks[3], (N_GENES, N_CELLS), jnp.float32)
    adj_t = jax.random.randint(ks[4], (E_GENE, 2), 0, N_GENES, dtype=jnp.int32)

    def lin(k, fi, fo):
        lim = 1.0 / np.sqrt(fi)
        return jax.random.uniform(k, (fi, fo), jnp.float32, -lim, lim)

    inp = {
        'data': data, 'x': x, 'adj': adj, 'x_t': x_t, 'adj_t': adj_t, 'clustering': 0,
        'W1': lin(ks[5], N_GENES, H2), 'b1': jnp.zeros((H2,), jnp.float32),
        'W2': lin(ks[6], H2, N_GENES), 'b2': jnp.zeros((N_GENES,), jnp.float32),
        'W3': lin(ks[7], N_CELLS, H3), 'b3': jnp.zeros((H3,), jnp.float32),
        'W4': lin(ks[8], H3, N_CELLS), 'b4': jnp.zeros((N_CELLS,), jnp.float32),
        'gn1_w': jnp.ones((H2,), jnp.float32), 'gn1_b': jnp.zeros((H2,), jnp.float32), 'gn1_a': jnp.ones((H2,), jnp.float32),
        'gn2_w': jnp.ones((N_GENES,), jnp.float32), 'gn2_b': jnp.zeros((N_GENES,), jnp.float32), 'gn2_a': jnp.ones((N_GENES,), jnp.float32),
        'gn3_w': jnp.ones((H3,), jnp.float32), 'gn3_b': jnp.zeros((H3,), jnp.float32), 'gn3_a': jnp.ones((H3,), jnp.float32),
        'gn4_w': jnp.ones((N_CELLS,), jnp.float32), 'gn4_b': jnp.zeros((N_CELLS,), jnp.float32), 'gn4_a': jnp.ones((N_CELLS,), jnp.float32),
        'bn1_g': jnp.ones((N_GENES,), jnp.float32), 'bn1_b': jnp.zeros((N_GENES,), jnp.float32),
        'bn2_g': jnp.ones((N_CELLS,), jnp.float32), 'bn2_b': jnp.zeros((N_CELLS,), jnp.float32),
    }
    return inp


def reference(data, x, adj, x_t, adj_t, clustering, W1, b1, W2, b2, W3, b3, W4, b4,
              gn1_w, gn1_b, gn1_a, gn2_w, gn2_b, gn2_a, gn3_w, gn3_b, gn3_a, gn4_w, gn4_b, gn4_a,
              bn1_g, bn1_b, bn2_g, bn2_b):
    # dropout layers act as identity (eval-mode reference)
    ei = adj.T
    eit = adj_t.T
    h = jax.nn.relu(graph_norm(gcn_conv(x, ei, W1, b1), gn1_w, gn1_b, gn1_a))
    h = jax.nn.relu(graph_norm(gcn_conv(h, ei, W2, b2), gn2_w, gn2_b, gn2_a))
    ht = jax.nn.relu(graph_norm(gcn_conv(x_t, eit, W3, b3), gn3_w, gn3_b, gn3_a))
    ht = jax.nn.relu(graph_norm(gcn_conv(ht, eit, W4, b4), gn4_w, gn4_b, gn4_a))
    res = h + ht.T
    clustered = batch_norm(data, bn1_g, bn1_b) + batch_norm(data.T, bn2_g, bn2_b).T
    res = jnp.where(clustering != 0, clustered, res)
    return res

if __name__ == "__main__":
    import jax
    _d = setup_inputs()
    print(jax.jit(kernel)(*tuple(_d.values())))

</pallas_src>

<mosaic_0001>
#map = affine_map<(d0, d1) -> (0, 0)>
#map1 = affine_map<(d0, d1) -> (0, 0, 0)>
module attributes {stable_mosaic.version = 14 : i64} {
  func.func @_scatter(%arg0: i32, %arg1: i32, %arg2: memref<2000x128xf32, #tpu.memory_space<hbm>>, %arg3: memref<32x16x128xi32, #tpu.memory_space<hbm>>, %arg4: memref<32x16x128xi32, #tpu.memory_space<hbm>>, %arg5: memref<128x128xf32, #tpu.memory_space<hbm>>, %arg6: memref<2x2048x128xf32, #tpu.memory_space<hbm>>, %arg7: memref<16x128xi32, #tpu.memory_space<vmem>>, %arg8: memref<16x128xi32, #tpu.memory_space<vmem>>, %arg9: memref<128x128xf32, #tpu.memory_space<vmem>>, %arg10: memref<2048x128xf32, #tpu.memory_space<vmem_shared>>) attributes {dimension_semantics = [#tpu.dimension_semantics<core_parallel>, #tpu.dimension_semantics<subcore_parallel>], iteration_bounds = array<i64: 2, 16>, scalar_prefetch = 0 : i64, scratch_operands = 4 : i64, tpu.core_type = #tpu.core_type<sc_vector_subcore>, window_params = [{transform_indices = #map}, {transform_indices = #map1}, {transform_indices = #map1}, {transform_indices = #map}, {transform_indices = #map1}]} {
    %mul3A = arith.constant 16 : i32
    %mul3A_0 = arith.muli %arg0, %mul3A : i32
    %add3A = arith.addi %mul3A_0, %arg1 : i32
    "tpu.region"() ({
      %run_scoped3A = tpu.sem_alloc : memref<!tpu.dma_semaphore, #tpu.memory_space<semaphore_mem>>
      %dma_start3A = arith.constant 0 : i32
      %dma_start3A_13 = arith.constant 0 : i32
      %dma_start3A_14 = tpu.memref_slice %arg3[%add3A, %dma_start3A, %dma_start3A_13] : memref<32x16x128xi32, #tpu.memory_space<hbm>> -> memref<1x16x128xi32, #tpu.memory_space<hbm>>
      %dma_start3A_15 = tpu.memref_squeeze %dma_start3A_14 : memref<1x16x128xi32, #tpu.memory_space<hbm>> -> memref<16x128xi32, #tpu.memory_space<hbm>>
      %dma_start3A_16 = arith.constant 0 : i32
      %dma_start3A_17 = arith.constant 0 : i32
      %dma_start3A_18 = tpu.memref_slice %arg3[%add3A, %dma_start3A_16, %dma_start3A_17] : memref<32x16x128xi32, #tpu.memory_space<hbm>> -> memref<1x16x128xi32, #tpu.memory_space<hbm>>
      %dma_start3A_19 = tpu.memref_squeeze %dma_start3A_18 : memref<1x16x128xi32, #tpu.memory_space<hbm>> -> memref<16x128xi32, #tpu.memory_space<hbm>>
      tpu.enqueue_dma source(%dma_start3A_19 : memref<16x128xi32, #tpu.memory_space<hbm>>) target(%arg7 : memref<16x128xi32, #tpu.memory_space<vmem>>) target_semaphore(%run_scoped3A : memref<!tpu.dma_semaphore, #tpu.memory_space<semaphore_mem>>)
      %dma_wait3A = arith.constant 0 : i32
      %dma_wait3A_20 = arith.constant 0 : i32
      %dma_wait3A_21 = tpu.memref_slice %arg3[%add3A, %dma_wait3A, %dma_wait3A_20] : memref<32x16x128xi32, #tpu.memory_space<hbm>> -> memref<1x16x128xi32, #tpu.memory_space<hbm>>
      %dma_wait3A_22 = tpu.memref_squeeze %dma_wait3A_21 : memref<1x16x128xi32, #tpu.memory_space<hbm>> -> memref<16x128xi32, #tpu.memory_space<hbm>>
      %dma_wait3A_23 = arith.constant 0 : i32
      %dma_wait3A_24 = arith.constant 0 : i32
      %dma_wait3A_25 = tpu.memref_slice %arg3[%add3A, %dma_wait3A_23, %dma_wait3A_24] : memref<32x16x128xi32, #tpu.memory_space<hbm>> -> memref<1x16x128xi32, #tpu.memory_space<hbm>>
      %dma_wait3A_26 = tpu.memref_squeeze %dma_wait3A_25 : memref<1x16x128xi32, #tpu.memory_space<hbm>> -> memref<16x128xi32, #tpu.memory_space<hbm>>
      tpu.wait_dma2 semaphore(%run_scoped3A : memref<!tpu.dma_semaphore, #tpu.memory_space<semaphore_mem>>) src(%dma_wait3A_26 : memref<16x128xi32, #tpu.memory_space<hbm>>) dst(%arg7 : memref<16x128xi32, #tpu.memory_space<vmem>>)
      tpu.yield
    }) : () -> ()
    "tpu.region"() ({
      %run_scoped3A = tpu.sem_alloc : memref<!tpu.dma_semaphore, #tpu.memory_space<semaphore_mem>>
      %dma_start3A = arith.constant 0 : i32
      %dma_start3A_13 = arith.constant 0 : i32
      %dma_start3A_14 = tpu.memref_slice %arg4[%add3A, %dma_start3A, %dma_start3A_13] : memref<32x16x128xi32, #tpu.memory_space<hbm>> -> memref<1x16x128xi32, #tpu.memory_space<hbm>>
      %dma_start3A_15 = tpu.memref_squeeze %dma_start3A_14 : memref<1x16x128xi32, #tpu.memory_space<hbm>> -> memref<16x128xi32, #tpu.memory_space<hbm>>
      %dma_start3A_16 = arith.constant 0 : i32
      %dma_start3A_17 = arith.constant 0 : i32
      %dma_start3A_18 = tpu.memref_slice %arg4[%add3A, %dma_start3A_16, %dma_start3A_17] : memref<32x16x128xi32, #tpu.memory_space<hbm>> -> memref<1x16x128xi32, #tpu.memory_space<hbm>>
      %dma_start3A_19 = tpu.memref_squeeze %dma_start3A_18 : memref<1x16x128xi32, #tpu.memory_space<hbm>> -> memref<16x128xi32, #tpu.memory_space<hbm>>
      tpu.enqueue_dma source(%dma_start3A_19 : memref<16x128xi32, #tpu.memory_space<hbm>>) target(%arg8 : memref<16x128xi32, #tpu.memory_space<vmem>>) target_semaphore(%run_scoped3A : memref<!tpu.dma_semaphore, #tpu.memory_space<semaphore_mem>>)
      %dma_wait3A = arith.constant 0 : i32
      %dma_wait3A_20 = arith.constant 0 : i32
      %dma_wait3A_21 = tpu.memref_slice %arg4[%add3A, %dma_wait3A, %dma_wait3A_20] : memref<32x16x128xi32, #tpu.memory_space<hbm>> -> memref<1x16x128xi32, #tpu.memory_space<hbm>>
      %dma_wait3A_22 = tpu.memref_squeeze %dma_wait3A_21 : memref<1x16x128xi32, #tpu.memory_space<hbm>> -> memref<16x128xi32, #tpu.memory_space<hbm>>
      %dma_wait3A_23 = arith.constant 0 : i32
      %dma_wait3A_24 = arith.constant 0 : i32
      %dma_wait3A_25 = tpu.memref_slice %arg4[%add3A, %dma_wait3A_23, %dma_wait3A_24] : memref<32x16x128xi32, #tpu.memory_space<hbm>> -> memref<1x16x128xi32, #tpu.memory_space<hbm>>
      %dma_wait3A_26 = tpu.memref_squeeze %dma_wait3A_25 : memref<1x16x128xi32, #tpu.memory_space<hbm>> -> memref<16x128xi32, #tpu.memory_space<hbm>>
      tpu.wait_dma2 semaphore(%run_scoped3A : memref<!tpu.dma_semaphore, #tpu.memory_space<semaphore_mem>>) src(%dma_wait3A_26 : memref<16x128xi32, #tpu.memory_space<hbm>>) dst(%arg8 : memref<16x128xi32, #tpu.memory_space<vmem>>)
      tpu.yield
    }) : () -> ()
    %mul3A_1 = arith.constant 128 : i32
    %mul3A_2 = arith.muli %arg1, %mul3A_1 : i32
    "tpu.region"() ({
      %run_scoped3A = tpu.sem_alloc : memref<!tpu.dma_semaphore, #tpu.memory_space<semaphore_mem>>
      %dma_start3A = arith.constant 0 : i32
      %dma_start3A_13 = tpu.memref_slice %arg10[%mul3A_2, %dma_start3A] : memref<2048x128xf32, #tpu.memory_space<vmem_shared>> -> memref<128x128xf32, #tpu.memory_space<vmem_shared>>
      tpu.enqueue_dma source(%arg5 : memref<128x128xf32, #tpu.memory_space<hbm>>) target(%dma_start3A_13 : memref<128x128xf32, #tpu.memory_space<vmem_shared>>) target_semaphore(%run_scoped3A : memref<!tpu.dma_semaphore, #tpu.memory_space<semaphore_mem>>)
      %dma_wait3A = arith.constant 0 : i32
      %dma_wait3A_14 = tpu.memref_slice %arg10[%mul3A_2, %dma_wait3A] : memref<2048x128xf32, #tpu.memory_space<vmem_shared>> -> memref<128x128xf32, #tpu.memory_space<vmem_shared>>
      tpu.wait_dma2 semaphore(%run_scoped3A : memref<!tpu.dma_semaphore, #tpu.memory_space<semaphore_mem>>) src(%arg5 : memref<128x128xf32, #tpu.memory_space<hbm>>) dst(%dma_wait3A_14 : memref<128x128xf32, #tpu.memory_space<vmem_shared>>)
      tpu.yield
    }) : () -> ()
    %barrier3A = arith.constant 0 : index
    tpu.barrier barrier_id(%barrier3A)
    %scan3A = arith.constant 0 : i32
    %scan3A_3 = arith.constant 0 : i32
    %scan3A_4 = arith.constant 16 : i32
    %scan3A_5 = arith.addi %scan3A_3, %scan3A_4 : i32
    %scan3A_6 = arith.constant 1 : i32
    scf.for %scan3A_13 = %scan3A_3 to %scan3A_5 step %scan3A_6  : i32 {
      "tpu.region"() ({
        %run_scoped3A = tpu.sem_alloc : memref<!tpu.dma_semaphore, #tpu.memory_space<semaphore_mem>>
        %dma_start3A = arith.constant 0 : i32
        %dma_start3A_14 = tpu.memref_slice %arg7[%scan3A_13, %dma_start3A] : memref<16x128xi32, #tpu.memory_space<vmem>> -> memref<1x128xi32, #tpu.memory_space<vmem>>
        %dma_start3A_15 = tpu.memref_squeeze %dma_start3A_14 : memref<1x128xi32, #tpu.memory_space<vmem>> -> memref<128xi32, #tpu.memory_space<vmem>>
        %dma_start3A_16 = arith.constant 0 : i32
        %dma_start3A_17 = arith.constant 0 : i32
        %dma_start3A_18 = tpu.memref_slice %arg2[%dma_start3A_16, %dma_start3A_17] : memref<2000x128xf32, #tpu.memory_space<hbm>> -> memref<2000x128xf32, #tpu.memory_space<hbm>>
        tpu.enqueue_indirect_dma source(%dma_start3A_18 : memref<2000x128xf32, #tpu.memory_space<hbm>>) target(%arg9 : memref<128x128xf32, #tpu.memory_space<vmem>>) offsets(%dma_start3A_15 : memref<128xi32, #tpu.memory_space<vmem>>) semaphore(%run_scoped3A : memref<!tpu.dma_semaphore, #tpu.memory_space<semaphore_mem>>)
        %dma_wait3A = arith.constant 0 : i32
        %dma_wait3A_19 = tpu.memref_slice %arg7[%scan3A_13, %dma_wait3A] : memref<16x128xi32, #tpu.memory_space<vmem>> -> memref<1x128xi32, #tpu.memory_space<vmem>>
        %dma_wait3A_20 = tpu.memref_squeeze %dma_wait3A_19 : memref<1x128xi32, #tpu.memory_space<vmem>> -> memref<128xi32, #tpu.memory_space<vmem>>
        %dma_wait3A_21 = arith.constant 0 : i32
        %dma_wait3A_22 = arith.constant 0 : i32
        %dma_wait3A_23 = tpu.memref_slice %arg2[%dma_wait3A_21, %dma_wait3A_22] : memref<2000x128xf32, #tpu.memory_space<hbm>> -> memref<2000x128xf32, #tpu.memory_space<hbm>>
        tpu.wait_indirect_dma semaphore(%run_scoped3A : memref<!tpu.dma_semaphore, #tpu.memory_space<semaphore_mem>>) src(%dma_wait3A_23 : memref<2000x128xf32, #tpu.memory_space<hbm>>) dst(%arg9 : memref<128x128xf32, #tpu.memory_space<vmem>>)
        tpu.yield
      }) : () -> ()
      "tpu.region"() ({
        %run_scoped3A = tpu.sem_alloc : memref<!tpu.dma_semaphore, #tpu.memory_space<semaphore_mem>>
        %dma_start3A = arith.constant 0 : i32
        %dma_start3A_14 = tpu.memref_slice %arg8[%scan3A_13, %dma_start3A] : memref<16x128xi32, #tpu.memory_space<vmem>> -> memref<1x128xi32, #tpu.memory_space<vmem>>
        %dma_start3A_15 = tpu.memref_squeeze %dma_start3A_14 : memref<1x128xi32, #tpu.memory_space<vmem>> -> memref<128xi32, #tpu.memory_space<vmem>>
        %dma_start3A_16 = arith.constant 0 : i32
        %dma_start3A_17 = arith.constant 0 : i32
        %dma_start3A_18 = tpu.memref_slice %arg10[%dma_start3A_16, %dma_start3A_17] : memref<2048x128xf32, #tpu.memory_space<vmem_shared>> -> memref<2048x128xf32, #tpu.memory_space<vmem_shared>>
        tpu.enqueue_indirect_dma source(%arg9 : memref<128x128xf32, #tpu.memory_space<vmem>>) target(%dma_start3A_18 : memref<2048x128xf32, #tpu.memory_space<vmem_shared>>) offsets(%dma_start3A_15 : memref<128xi32, #tpu.memory_space<vmem>>) semaphore(%run_scoped3A : memref<!tpu.dma_semaphore, #tpu.memory_space<semaphore_mem>>) {add = true}
        %dma_wait3A = arith.constant 0 : i32
        %dma_wait3A_19 = tpu.memref_slice %arg8[%scan3A_13, %dma_wait3A] : memref<16x128xi32, #tpu.memory_space<vmem>> -> memref<1x128xi32, #tpu.memory_space<vmem>>
        %dma_wait3A_20 = tpu.memref_squeeze %dma_wait3A_19 : memref<1x128xi32, #tpu.memory_space<vmem>> -> memref<128xi32, #tpu.memory_space<vmem>>
        %dma_wait3A_21 = arith.constant 0 : i32
        %dma_wait3A_22 = arith.constant 0 : i32
        %dma_wait3A_23 = tpu.memref_slice %arg10[%dma_wait3A_21, %dma_wait3A_22] : memref<2048x128xf32, #tpu.memory_space<vmem_shared>> -> memref<2048x128xf32, #tpu.memory_space<vmem_shared>>
        tpu.wait_indirect_dma semaphore(%run_scoped3A : memref<!tpu.dma_semaphore, #tpu.memory_space<semaphore_mem>>) src(%arg9 : memref<128x128xf32, #tpu.memory_space<vmem>>) dst(%dma_wait3A_23 : memref<2048x128xf32, #tpu.memory_space<vmem_shared>>)
        tpu.yield
      }) : () -> ()
    }
    %scan3A_7 = arith.constant 16 : i32
    %barrier3A_8 = arith.constant 0 : index
    tpu.barrier barrier_id(%barrier3A_8)
    %mul3A_9 = arith.constant 128 : i32
    %mul3A_10 = arith.muli %arg1, %mul3A_9 : i32
    %mul3A_11 = arith.constant 128 : i32
    %mul3A_12 = arith.muli %arg1, %mul3A_11 : i32
    "tpu.region"() ({
      %run_scoped3A = tpu.sem_alloc : memref<!tpu.dma_semaphore, #tpu.memory_space<semaphore_mem>>
      %dma_start3A = arith.constant 0 : i32
      %dma_start3A_13 = tpu.memref_slice %arg6[%arg0, %mul3A_12, %dma_start3A] : memref<2x2048x128xf32, #tpu.memory_space<hbm>> -> memref<1x128x128xf32, #tpu.memory_space<hbm>>
      %dma_start3A_14 = tpu.memref_squeeze %dma_start3A_13 : memref<1x128x128xf32, #tpu.memory_space<hbm>> -> memref<128x128xf32, #tpu.memory_space<hbm>>
      %dma_start3A_15 = arith.constant 0 : i32
      %dma_start3A_16 = tpu.memref_slice %arg10[%mul3A_10, %dma_start3A_15] : memref<2048x128xf32, #tpu.memory_space<vmem_shared>> -> memref<128x128xf32, #tpu.memory_space<vmem_shared>>
      tpu.enqueue_dma source(%dma_start3A_16 : memref<128x128xf32, #tpu.memory_space<vmem_shared>>) target(%dma_start3A_14 : memref<128x128xf32, #tpu.memory_space<hbm>>) target_semaphore(%run_scoped3A : memref<!tpu.dma_semaphore, #tpu.memory_space<semaphore_mem>>)
      %dma_wait3A = arith.constant 0 : i32
      %dma_wait3A_17 = tpu.memref_slice %arg6[%arg0, %mul3A_12, %dma_wait3A] : memref<2x2048x128xf32, #tpu.memory_space<hbm>> -> memref<1x128x128xf32, #tpu.memory_space<hbm>>
      %dma_wait3A_18 = tpu.memref_squeeze %dma_wait3A_17 : memref<1x128x128xf32, #tpu.memory_space<hbm>> -> memref<128x128xf32, #tpu.memory_space<hbm>>
      %dma_wait3A_19 = arith.constant 0 : i32
      %dma_wait3A_20 = tpu.memref_slice %arg10[%mul3A_10, %dma_wait3A_19] : memref<2048x128xf32, #tpu.memory_space<vmem_shared>> -> memref<128x128xf32, #tpu.memory_space<vmem_shared>>
      tpu.wait_dma2 semaphore(%run_scoped3A : memref<!tpu.dma_semaphore, #tpu.memory_space<semaphore_mem>>) src(%dma_wait3A_20 : memref<128x128xf32, #tpu.memory_space<vmem_shared>>) dst(%dma_wait3A_18 : memref<128x128xf32, #tpu.memory_space<hbm>>)
      tpu.yield
    }) : () -> ()
    return
  }
}

#map = affine_map<(d0, d1) -> (0, 0)>
#map1 = affine_map<(d0, d1) -> (0, 0, 0)>
module attributes {stable_mosaic.version = 14 : i64} {
  func.func @_scatter(%arg0: i32, %arg1: i32, %arg2: memref<10000x128xf32, #tpu.memory_space<hbm>>, %arg3: memref<32x80x128xi32, #tpu.memory_space<hbm>>, %arg4: memref<32x80x128xi32, #tpu.memory_space<hbm>>, %arg5: memref<632x128xf32, #tpu.memory_space<hbm>>, %arg6: memref<2x10112x128xf32, #tpu.memory_space<hbm>>, %arg7: memref<80x128xi32, #tpu.memory_space<vmem>>, %arg8: memref<80x128xi32, #tpu.memory_space<vmem>>, %arg9: memref<128x128xf32, #tpu.memory_space<vmem>>, %arg10: memref<10112x128xf32, #tpu.memory_space<vmem_shared>>) attributes {dimension_semantics = [#tpu.dimension_semantics<core_parallel>, #tpu.dimension_semantics<subcore_parallel>], iteration_bounds = array<i64: 2, 16>, scalar_prefetch = 0 : i64, scratch_operands = 4 : i64, tpu.core_type = #tpu.core_type<sc_vector_subcore>, window_params = [{transform_indices = #map}, {transform_indices = #map1}, {transform_indices = #map1}, {transform_indices = #map}, {transform_indices = #map1}]} {
    %mul3A = arith.constant 16 : i32
    %mul3A_0 = arith.muli %arg0, %mul3A : i32
    %add3A = arith.addi %mul3A_0, %arg1 : i32
    "tpu.region"() ({
      %run_scoped3A = tpu.sem_alloc : memref<!tpu.dma_semaphore, #tpu.memory_space<semaphore_mem>>
      %dma_start3A = arith.constant 0 : i32
      %dma_start3A_13 = arith.constant 0 : i32
      %dma_start3A_14 = tpu.memref_slice %arg3[%add3A, %dma_start3A, %dma_start3A_13] : memref<32x80x128xi32, #tpu.memory_space<hbm>> -> memref<1x80x128xi32, #tpu.memory_space<hbm>>
      %dma_start3A_15 = tpu.memref_squeeze %dma_start3A_14 : memref<1x80x128xi32, #tpu.memory_space<hbm>> -> memref<80x128xi32, #tpu.memory_space<hbm>>
      %dma_start3A_16 = arith.constant 0 : i32
      %dma_start3A_17 = arith.constant 0 : i32
      %dma_start3A_18 = tpu.memref_slice %arg3[%add3A, %dma_start3A_16, %dma_start3A_17] : memref<32x80x128xi32, #tpu.memory_space<hbm>> -> memref<1x80x128xi32, #tpu.memory_space<hbm>>
      %dma_start3A_19 = tpu.memref_squeeze %dma_start3A_18 : memref<1x80x128xi32, #tpu.memory_space<hbm>> -> memref<80x128xi32, #tpu.memory_space<hbm>>
      tpu.enqueue_dma source(%dma_start3A_19 : memref<80x128xi32, #tpu.memory_space<hbm>>) target(%arg7 : memref<80x128xi32, #tpu.memory_space<vmem>>) target_semaphore(%run_scoped3A : memref<!tpu.dma_semaphore, #tpu.memory_space<semaphore_mem>>)
      %dma_wait3A = arith.constant 0 : i32
      %dma_wait3A_20 = arith.constant 0 : i32
      %dma_wait3A_21 = tpu.memref_slice %arg3[%add3A, %dma_wait3A, %dma_wait3A_20] : memref<32x80x128xi32, #tpu.memory_space<hbm>> -> memref<1x80x128xi32, #tpu.memory_space<hbm>>
      %dma_wait3A_22 = tpu.memref_squeeze %dma_wait3A_21 : memref<1x80x128xi32, #tpu.memory_space<hbm>> -> memref<80x128xi32, #tpu.memory_space<hbm>>
      %dma_wait3A_23 = arith.constant 0 : i32
      %dma_wait3A_24 = arith.constant 0 : i32
      %dma_wait3A_25 = tpu.memref_slice %arg3[%add3A, %dma_wait3A_23, %dma_wait3A_24] : memref<32x80x128xi32, #tpu.memory_space<hbm>> -> memref<1x80x128xi32, #tpu.memory_space<hbm>>
      %dma_wait3A_26 = tpu.memref_squeeze %dma_wait3A_25 : memref<1x80x128xi32, #tpu.memory_space<hbm>> -> memref<80x128xi32, #tpu.memory_space<hbm>>
      tpu.wait_dma2 semaphore(%run_scoped3A : memref<!tpu.dma_semaphore, #tpu.memory_space<semaphore_mem>>) src(%dma_wait3A_26 : memref<80x128xi32, #tpu.memory_space<hbm>>) dst(%arg7 : memref<80x128xi32, #tpu.memory_space<vmem>>)
      tpu.yield
    }) : () -> ()
    "tpu.region"() ({
      %run_scoped3A = tpu.sem_alloc : memref<!tpu.dma_semaphore, #tpu.memory_space<semaphore_mem>>
      %dma_start3A = arith.constant 0 : i32
      %dma_start3A_13 = arith.constant 0 : i32
      %dma_start3A_14 = tpu.memref_slice %arg4[%add3A, %dma_start3A, %dma_start3A_13] : memref<32x80x128xi32, #tpu.memory_space<hbm>> -> memref<1x80x128xi32, #tpu.memory_space<hbm>>
      %dma_start3A_15 = tpu.memref_squeeze %dma_start3A_14 : memref<1x80x128xi32, #tpu.memory_space<hbm>> -> memref<80x128xi32, #tpu.memory_space<hbm>>
      %dma_start3A_16 = arith.constant 0 : i32
      %dma_start3A_17 = arith.constant 0 : i32
      %dma_start3A_18 = tpu.memref_slice %arg4[%add3A, %dma_start3A_16, %dma_start3A_17] : memref<32x80x128xi32, #tpu.memory_space<hbm>> -> memref<1x80x128xi32, #tpu.memory_space<hbm>>
      %dma_start3A_19 = tpu.memref_squeeze %dma_start3A_18 : memref<1x80x128xi32, #tpu.memory_space<hbm>> -> memref<80x128xi32, #tpu.memory_space<hbm>>
      tpu.enqueue_dma source(%dma_start3A_19 : memref<80x128xi32, #tpu.memory_space<hbm>>) target(%arg8 : memref<80x128xi32, #tpu.memory_space<vmem>>) target_semaphore(%run_scoped3A : memref<!tpu.dma_semaphore, #tpu.memory_space<semaphore_mem>>)
      %dma_wait3A = arith.constant 0 : i32
      %dma_wait3A_20 = arith.constant 0 : i32
      %dma_wait3A_21 = tpu.memref_slice %arg4[%add3A, %dma_wait3A, %dma_wait3A_20] : memref<32x80x128xi32, #tpu.memory_space<hbm>> -> memref<1x80x128xi32, #tpu.memory_space<hbm>>
      %dma_wait3A_22 = tpu.memref_squeeze %dma_wait3A_21 : memref<1x80x128xi32, #tpu.memory_space<hbm>> -> memref<80x128xi32, #tpu.memory_space<hbm>>
      %dma_wait3A_23 = arith.constant 0 : i32
      %dma_wait3A_24 = arith.constant 0 : i32
      %dma_wait3A_25 = tpu.memref_slice %arg4[%add3A, %dma_wait3A_23, %dma_wait3A_24] : memref<32x80x128xi32, #tpu.memory_space<hbm>> -> memref<1x80x128xi32, #tpu.memory_space<hbm>>
      %dma_wait3A_26 = tpu.memref_squeeze %dma_wait3A_25 : memref<1x80x128xi32, #tpu.memory_space<hbm>> -> memref<80x128xi32, #tpu.memory_space<hbm>>
      tpu.wait_dma2 semaphore(%run_scoped3A : memref<!tpu.dma_semaphore, #tpu.memory_space<semaphore_mem>>) src(%dma_wait3A_26 : memref<80x128xi32, #tpu.memory_space<hbm>>) dst(%arg8 : memref<80x128xi32, #tpu.memory_space<vmem>>)
      tpu.yield
    }) : () -> ()
    %mul3A_1 = arith.constant 632 : i32
    %mul3A_2 = arith.muli %arg1, %mul3A_1 : i32
    "tpu.region"() ({
      %run_scoped3A = tpu.sem_alloc : memref<!tpu.dma_semaphore, #tpu.memory_space<semaphore_mem>>
      %dma_start3A = arith.constant 0 : i32
      %dma_start3A_13 = tpu.memref_slice %arg10[%mul3A_2, %dma_start3A] : memref<10112x128xf32, #tpu.memory_space<vmem_shared>> -> memref<632x128xf32, #tpu.memory_space<vmem_shared>>
      tpu.enqueue_dma source(%arg5 : memref<632x128xf32, #tpu.memory_space<hbm>>) target(%dma_start3A_13 : memref<632x128xf32, #tpu.memory_space<vmem_shared>>) target_semaphore(%run_scoped3A : memref<!tpu.dma_semaphore, #tpu.memory_space<semaphore_mem>>)
      %dma_wait3A = arith.constant 0 : i32
      %dma_wait3A_14 = tpu.memref_slice %arg10[%mul3A_2, %dma_wait3A] : memref<10112x128xf32, #tpu.memory_space<vmem_shared>> -> memref<632x128xf32, #tpu.memory_space<vmem_shared>>
      tpu.wait_dma2 semaphore(%run_scoped3A : memref<!tpu.dma_semaphore, #tpu.memory_space<semaphore_mem>>) src(%arg5 : memref<632x128xf32, #tpu.memory_space<hbm>>) dst(%dma_wait3A_14 : memref<632x128xf32, #tpu.memory_space<vmem_shared>>)
      tpu.yield
    }) : () -> ()
    %barrier3A = arith.constant 0 : index
    tpu.barrier barrier_id(%barrier3A)
    %scan3A = arith.constant 0 : i32
    %scan3A_3 = arith.constant 0 : i32
    %scan3A_4 = arith.constant 80 : i32
    %scan3A_5 = arith.addi %scan3A_3, %scan3A_4 : i32
    %scan3A_6 = arith.constant 1 : i32
    scf.for %scan3A_13 = %scan3A_3 to %scan3A_5 step %scan3A_6  : i32 {
      "tpu.region"() ({
        %run_scoped3A = tpu.sem_alloc : memref<!tpu.dma_semaphore, #tpu.memory_space<semaphore_mem>>
        %dma_start3A = arith.constant 0 : i32
        %dma_start3A_14 = tpu.memref_slice %arg7[%scan3A_13, %dma_start3A] : memref<80x128xi32, #tpu.memory_space<vmem>> -> memref<1x128xi32, #tpu.memory_space<vmem>>
        %dma_start3A_15 = tpu.memref_squeeze %dma_start3A_14 : memref<1x128xi32, #tpu.memory_space<vmem>> -> memref<128xi32, #tpu.memory_space<vmem>>
        %dma_start3A_16 = arith.constant 0 : i32
        %dma_start3A_17 = arith.constant 0 : i32
        %dma_start3A_18 = tpu.memref_slice %arg2[%dma_start3A_16, %dma_start3A_17] : memref<10000x128xf32, #tpu.memory_space<hbm>> -> memref<10000x128xf32, #tpu.memory_space<hbm>>
        tpu.enqueue_indirect_dma source(%dma_start3A_18 : memref<10000x128xf32, #tpu.memory_space<hbm>>) target(%arg9 : memref<128x128xf32, #tpu.memory_space<vmem>>) offsets(%dma_start3A_15 : memref<128xi32, #tpu.memory_space<vmem>>) semaphore(%run_scoped3A : memref<!tpu.dma_semaphore, #tpu.memory_space<semaphore_mem>>)
        %dma_wait3A = arith.constant 0 : i32
        %dma_wait3A_19 = tpu.memref_slice %arg7[%scan3A_13, %dma_wait3A] : memref<80x128xi32, #tpu.memory_space<vmem>> -> memref<1x128xi32, #tpu.memory_space<vmem>>
        %dma_wait3A_20 = tpu.memref_squeeze %dma_wait3A_19 : memref<1x128xi32, #tpu.memory_space<vmem>> -> memref<128xi32, #tpu.memory_space<vmem>>
        %dma_wait3A_21 = arith.constant 0 : i32
        %dma_wait3A_22 = arith.constant 0 : i32
        %dma_wait3A_23 = tpu.memref_slice %arg2[%dma_wait3A_21, %dma_wait3A_22] : memref<10000x128xf32, #tpu.memory_space<hbm>> -> memref<10000x128xf32, #tpu.memory_space<hbm>>
        tpu.wait_indirect_dma semaphore(%run_scoped3A : memref<!tpu.dma_semaphore, #tpu.memory_space<semaphore_mem>>) src(%dma_wait3A_23 : memref<10000x128xf32, #tpu.memory_space<hbm>>) dst(%arg9 : memref<128x128xf32, #tpu.memory_space<vmem>>)
        tpu.yield
      }) : () -> ()
      "tpu.region"() ({
        %run_scoped3A = tpu.sem_alloc : memref<!tpu.dma_semaphore, #tpu.memory_space<semaphore_mem>>
        %dma_start3A = arith.constant 0 : i32
        %dma_start3A_14 = tpu.memref_slice %arg8[%scan3A_13, %dma_start3A] : memref<80x128xi32, #tpu.memory_space<vmem>> -> memref<1x128xi32, #tpu.memory_space<vmem>>
        %dma_start3A_15 = tpu.memref_squeeze %dma_start3A_14 : memref<1x128xi32, #tpu.memory_space<vmem>> -> memref<128xi32, #tpu.memory_space<vmem>>
        %dma_start3A_16 = arith.constant 0 : i32
        %dma_start3A_17 = arith.constant 0 : i32
        %dma_start3A_18 = tpu.memref_slice %arg10[%dma_start3A_16, %dma_start3A_17] : memref<10112x128xf32, #tpu.memory_space<vmem_shared>> -> memref<10112x128xf32, #tpu.memory_space<vmem_shared>>
        tpu.enqueue_indirect_dma source(%arg9 : memref<128x128xf32, #tpu.memory_space<vmem>>) target(%dma_start3A_18 : memref<10112x128xf32, #tpu.memory_space<vmem_shared>>) offsets(%dma_start3A_15 : memref<128xi32, #tpu.memory_space<vmem>>) semaphore(%run_scoped3A : memref<!tpu.dma_semaphore, #tpu.memory_space<semaphore_mem>>) {add = true}
        %dma_wait3A = arith.constant 0 : i32
        %dma_wait3A_19 = tpu.memref_slice %arg8[%scan3A_13, %dma_wait3A] : memref<80x128xi32, #tpu.memory_space<vmem>> -> memref<1x128xi32, #tpu.memory_space<vmem>>
        %dma_wait3A_20 = tpu.memref_squeeze %dma_wait3A_19 : memref<1x128xi32, #tpu.memory_space<vmem>> -> memref<128xi32, #tpu.memory_space<vmem>>
        %dma_wait3A_21 = arith.constant 0 : i32
        %dma_wait3A_22 = arith.constant 0 : i32
        %dma_wait3A_23 = tpu.memref_slice %arg10[%dma_wait3A_21, %dma_wait3A_22] : memref<10112x128xf32, #tpu.memory_space<vmem_shared>> -> memref<10112x128xf32, #tpu.memory_space<vmem_shared>>
        tpu.wait_indirect_dma semaphore(%run_scoped3A : memref<!tpu.dma_semaphore, #tpu.memory_space<semaphore_mem>>) src(%arg9 : memref<128x128xf32, #tpu.memory_space<vmem>>) dst(%dma_wait3A_23 : memref<10112x128xf32, #tpu.memory_space<vmem_shared>>)
        tpu.yield
      }) : () -> ()
    }
    %scan3A_7 = arith.constant 80 : i32
    %barrier3A_8 = arith.constant 0 : index
    tpu.barrier barrier_id(%barrier3A_8)
    %mul3A_9 = arith.constant 632 : i32
    %mul3A_10 = arith.muli %arg1, %mul3A_9 : i32
    %mul3A_11 = arith.constant 632 : i32
    %mul3A_12 = arith.muli %arg1, %mul3A_11 : i32
    "tpu.region"() ({
      %run_scoped3A = tpu.sem_alloc : memref<!tpu.dma_semaphore, #tpu.memory_space<semaphore_mem>>
      %dma_start3A = arith.constant 0 : i32
      %dma_start3A_13 = tpu.memref_slice %arg6[%arg0, %mul3A_12, %dma_start3A] : memref<2x10112x128xf32, #tpu.memory_space<hbm>> -> memref<1x632x128xf32, #tpu.memory_space<hbm>>
      %dma_start3A_14 = tpu.memref_squeeze %dma_start3A_13 : memref<1x632x128xf32, #tpu.memory_space<hbm>> -> memref<632x128xf32, #tpu.memory_space<hbm>>
      %dma_start3A_15 = arith.constant 0 : i32
      %dma_start3A_16 = tpu.memref_slice %arg10[%mul3A_10, %dma_start3A_15] : memref<10112x128xf32, #tpu.memory_space<vmem_shared>> -> memref<632x128xf32, #tpu.memory_space<vmem_shared>>
      tpu.enqueue_dma source(%dma_start3A_16 : memref<632x128xf32, #tpu.memory_space<vmem_shared>>) target(%dma_start3A_14 : memref<632x128xf32, #tpu.memory_space<hbm>>) target_semaphore(%run_scoped3A : memref<!tpu.dma_semaphore, #tpu.memory_space<semaphore_mem>>)
      %dma_wait3A = arith.constant 0 : i32
      %dma_wait3A_17 = tpu.memref_slice %arg6[%arg0, %mul3A_12, %dma_wait3A] : memref<2x10112x128xf32, #tpu.memory_space<hbm>> -> memref<1x632x128xf32, #tpu.memory_space<hbm>>
      %dma_wait3A_18 = tpu.memref_squeeze %dma_wait3A_17 : memref<1x632x128xf32, #tpu.memory_space<hbm>> -> memref<632x128xf32, #tpu.memory_space<hbm>>
      %dma_wait3A_19 = arith.constant 0 : i32
      %dma_wait3A_20 = tpu.memref_slice %arg10[%mul3A_10, %dma_wait3A_19] : memref<10112x128xf32, #tpu.memory_space<vmem_shared>> -> memref<632x128xf32, #tpu.memory_space<vmem_shared>>
      tpu.wait_dma2 semaphore(%run_scoped3A : memref<!tpu.dma_semaphore, #tpu.memory_space<semaphore_mem>>) src(%dma_wait3A_20 : memref<632x128xf32, #tpu.memory_space<vmem_shared>>) dst(%dma_wait3A_18 : memref<632x128xf32, #tpu.memory_space<hbm>>)
      tpu.yield
    }) : () -> ()
    return
  }
}

#map = affine_map<(d0, d1) -> (0, 0, 0)>
#map1 = affine_map<(d0, d1) -> (0, 0)>
module attributes {stable_mosaic.version = 14 : i64} {
  func.func @_sc_hist(%arg0: i32, %arg1: i32, %arg2: memref<32x80x128xi32, #tpu.memory_space<hbm>>, %arg3: memref<32x16x128xi32, #tpu.memory_space<hbm>>, %arg4: memref<128x128xf32, #tpu.memory_space<hbm>>, %arg5: memref<632x128xf32, #tpu.memory_space<hbm>>, %arg6: memref<128x128xf32, #tpu.memory_space<hbm>>, %arg7: memref<2x10112x128xf32, #tpu.memory_space<hbm>>, %arg8: memref<2x2048x128xf32, #tpu.memory_space<hbm>>, %arg9: memref<80x128xi32, #tpu.memory_space<vmem>>, %arg10: memref<16x128xi32, #tpu.memory_space<vmem>>, %arg11: memref<128x128xf32, #tpu.memory_space<vmem>>, %arg12: memref<10112x128xf32, #tpu.memory_space<vmem_shared>>, %arg13: memref<2048x128xf32, #tpu.memory_space<vmem_shared>>) attributes {dimension_semantics = [#tpu.dimension_semantics<core_parallel>, #tpu.dimension_semantics<subcore_parallel>], iteration_bounds = array<i64: 2, 16>, scalar_prefetch = 0 : i64, scratch_operands = 5 : i64, tpu.core_type = #tpu.core_type<sc_vector_subcore>, window_params = [{transform_indices = #map}, {transform_indices = #map}, {transform_indices = #map1}, {transform_indices = #map1}, {transform_indices = #map1}, {transform_indices = #map}, {transform_indices = #map}]} {
    %mul3A = arith.constant 16 : i32
    %mul3A_0 = arith.muli %arg0, %mul3A : i32
    %add3A = arith.addi %mul3A_0, %arg1 : i32
    "tpu.region"() ({
      %run_scoped3A = tpu.sem_alloc : memref<!tpu.dma_semaphore, #tpu.memory_space<semaphore_mem>>
      %dma_start3A = arith.constant 0 : i32
      %dma_start3A_25 = arith.constant 0 : i32
      %dma_start3A_26 = tpu.memref_slice %arg2[%add3A, %dma_start3A, %dma_start3A_25] : memref<32x80x128xi32, #tpu.memory_space<hbm>> -> memref<1x80x128xi32, #tpu.memory_space<hbm>>
      %dma_start3A_27 = tpu.memref_squeeze %dma_start3A_26 : memref<1x80x128xi32, #tpu.memory_space<hbm>> -> memref<80x128xi32, #tpu.memory_space<hbm>>
      %dma_start3A_28 = arith.constant 0 : i32
      %dma_start3A_29 = arith.constant 0 : i32
      %dma_start3A_30 = tpu.memref_slice %arg2[%add3A, %dma_start3A_28, %dma_start3A_29] : memref<32x80x128xi32, #tpu.memory_space<hbm>> -> memref<1x80x128xi32, #tpu.memory_space<hbm>>
      %dma_start3A_31 = tpu.memref_squeeze %dma_start3A_30 : memref<1x80x128xi32, #tpu.memory_space<hbm>> -> memref<80x128xi32, #tpu.memory_space<hbm>>
      tpu.enqueue_dma source(%dma_start3A_31 : memref<80x128xi32, #tpu.memory_space<hbm>>) target(%arg9 : memref<80x128xi32, #tpu.memory_space<vmem>>) target_semaphore(%run_scoped3A : memref<!tpu.dma_semaphore, #tpu.memory_space<semaphore_mem>>)
      %dma_wait3A = arith.constant 0 : i32
      %dma_wait3A_32 = arith.constant 0 : i32
      %dma_wait3A_33 = tpu.memref_slice %arg2[%add3A, %dma_wait3A, %dma_wait3A_32] : memref<32x80x128xi32, #tpu.memory_space<hbm>> -> memref<1x80x128xi32, #tpu.memory_space<hbm>>
      %dma_wait3A_34 = tpu.memref_squeeze %dma_wait3A_33 : memref<1x80x128xi32, #tpu.memory_space<hbm>> -> memref<80x128xi32, #tpu.memory_space<hbm>>
      %dma_wait3A_35 = arith.constant 0 : i32
      %dma_wait3A_36 = arith.constant 0 : i32
      %dma_wait3A_37 = tpu.memref_slice %arg2[%add3A, %dma_wait3A_35, %dma_wait3A_36] : memref<32x80x128xi32, #tpu.memory_space<hbm>> -> memref<1x80x128xi32, #tpu.memory_space<hbm>>
      %dma_wait3A_38 = tpu.memref_squeeze %dma_wait3A_37 : memref<1x80x128xi32, #tpu.memory_space<hbm>> -> memref<80x128xi32, #tpu.memory_space<hbm>>
      tpu.wait_dma2 semaphore(%run_scoped3A : memref<!tpu.dma_semaphore, #tpu.memory_space<semaphore_mem>>) src(%dma_wait3A_38 : memref<80x128xi32, #tpu.memory_space<hbm>>) dst(%arg9 : memref<80x128xi32, #tpu.memory_space<vmem>>)
      tpu.yield
    }) : () -> ()
    "tpu.region"() ({
      %run_scoped3A = tpu.sem_alloc : memref<!tpu.dma_semaphore, #tpu.memory_space<semaphore_mem>>
      %dma_start3A = arith.constant 0 : i32
      %dma_start3A_25 = arith.constant 0 : i32
      %dma_start3A_26 = tpu.memref_slice %arg3[%add3A, %dma_start3A, %dma_start3A_25] : memref<32x16x128xi32, #tpu.memory_space<hbm>> -> memref<1x16x128xi32, #tpu.memory_space<hbm>>
      %dma_start3A_27 = tpu.memref_squeeze %dma_start3A_26 : memref<1x16x128xi32, #tpu.memory_space<hbm>> -> memref<16x128xi32, #tpu.memory_space<hbm>>
      %dma_start3A_28 = arith.constant 0 : i32
      %dma_start3A_29 = arith.constant 0 : i32
      %dma_start3A_30 = tpu.memref_slice %arg3[%add3A, %dma_start3A_28, %dma_start3A_29] : memref<32x16x128xi32, #tpu.memory_space<hbm>> -> memref<1x16x128xi32, #tpu.memory_space<hbm>>
      %dma_start3A_31 = tpu.memref_squeeze %dma_start3A_30 : memref<1x16x128xi32, #tpu.memory_space<hbm>> -> memref<16x128xi32, #tpu.memory_space<hbm>>
      tpu.enqueue_dma source(%dma_start3A_31 : memref<16x128xi32, #tpu.memory_space<hbm>>) target(%arg10 : memref<16x128xi32, #tpu.memory_space<vmem>>) target_semaphore(%run_scoped3A : memref<!tpu.dma_semaphore, #tpu.memory_space<semaphore_mem>>)
      %dma_wait3A = arith.constant 0 : i32
      %dma_wait3A_32 = arith.constant 0 : i32
      %dma_wait3A_33 = tpu.memref_slice %arg3[%add3A, %dma_wait3A, %dma_wait3A_32] : memref<32x16x128xi32, #tpu.memory_space<hbm>> -> memref<1x16x128xi32, #tpu.memory_space<hbm>>
      %dma_wait3A_34 = tpu.memref_squeeze %dma_wait3A_33 : memref<1x16x128xi32, #tpu.memory_space<hbm>> -> memref<16x128xi32, #tpu.memory_space<hbm>>
      %dma_wait3A_35 = arith.constant 0 : i32
      %dma_wait3A_36 = arith.constant 0 : i32
      %dma_wait3A_37 = tpu.memref_slice %arg3[%add3A, %dma_wait3A_35, %dma_wait3A_36] : memref<32x16x128xi32, #tpu.memory_space<hbm>> -> memref<1x16x128xi32, #tpu.memory_space<hbm>>
      %dma_wait3A_38 = tpu.memref_squeeze %dma_wait3A_37 : memref<1x16x128xi32, #tpu.memory_space<hbm>> -> memref<16x128xi32, #tpu.memory_space<hbm>>
      tpu.wait_dma2 semaphore(%run_scoped3A : memref<!tpu.dma_semaphore, #tpu.memory_space<semaphore_mem>>) src(%dma_wait3A_38 : memref<16x128xi32, #tpu.memory_space<hbm>>) dst(%arg10 : memref<16x128xi32, #tpu.memory_space<vmem>>)
      tpu.yield
    }) : () -> ()
    "tpu.region"() ({
      %run_scoped3A = tpu.sem_alloc : memref<!tpu.dma_semaphore, #tpu.memory_space<semaphore_mem>>
      tpu.enqueue_dma source(%arg4 : memref<128x128xf32, #tpu.memory_space<hbm>>) target(%arg11 : memref<128x128xf32, #tpu.memory_space<vmem>>) target_semaphore(%run_scoped3A : memref<!tpu.dma_semaphore, #tpu.memory_space<semaphore_mem>>)
      tpu.wait_dma2 semaphore(%run_scoped3A : memref<!tpu.dma_semaphore, #tpu.memory_space<semaphore_mem>>) src(%arg4 : memref<128x128xf32, #tpu.memory_space<hbm>>) dst(%arg11 : memref<128x128xf32, #tpu.memory_space<vmem>>)
      tpu.yield
    }) : () -> ()
    %mul3A_1 = arith.constant 632 : i32
    %mul3A_2 = arith.muli %arg1, %mul3A_1 : i32
    "tpu.region"() ({
      %run_scoped3A = tpu.sem_alloc : memref<!tpu.dma_semaphore, #tpu.memory_space<semaphore_mem>>
      %dma_start3A = arith.constant 0 : i32
      %dma_start3A_25 = tpu.memref_slice %arg12[%mul3A_2, %dma_start3A] : memref<10112x128xf32, #tpu.memory_space<vmem_shared>> -> memref<632x128xf32, #tpu.memory_space<vmem_shared>>
      tpu.enqueue_dma source(%arg5 : memref<632x128xf32, #tpu.memory_space<hbm>>) target(%dma_start3A_25 : memref<632x128xf32, #tpu.memory_space<vmem_shared>>) target_semaphore(%run_scoped3A : memref<!tpu.dma_semaphore, #tpu.memory_space<semaphore_mem>>)
      %dma_wait3A = arith.constant 0 : i32
      %dma_wait3A_26 = tpu.memref_slice %arg12[%mul3A_2, %dma_wait3A] : memref<10112x128xf32, #tpu.memory_space<vmem_shared>> -> memref<632x128xf32, #tpu.memory_space<vmem_shared>>
      tpu.wait_dma2 semaphore(%run_scoped3A : memref<!tpu.dma_semaphore, #tpu.memory_space<semaphore_mem>>) src(%arg5 : memref<632x128xf32, #tpu.memory_space<hbm>>) dst(%dma_wait3A_26 : memref<632x128xf32, #tpu.memory_space<vmem_shared>>)
      tpu.yield
    }) : () -> ()
    %mul3A_3 = arith.constant 128 : i32
    %mul3A_4 = arith.muli %arg1, %mul3A_3 : i32
    "tpu.region"() ({
      %run_scoped3A = tpu.sem_alloc : memref<!tpu.dma_semaphore, #tpu.memory_space<semaphore_mem>>
      %dma_start3A = arith.constant 0 : i32
      %dma_start3A_25 = tpu.memref_slice %arg13[%mul3A_4, %dma_start3A] : memref<2048x128xf32, #tpu.memory_space<vmem_shared>> -> memref<128x128xf32, #tpu.memory_space<vmem_shared>>
      tpu.enqueue_dma source(%arg6 : memref<128x128xf32, #tpu.memory_space<hbm>>) target(%dma_start3A_25 : memref<128x128xf32, #tpu.memory_space<vmem_shared>>) target_semaphore(%run_scoped3A : memref<!tpu.dma_semaphore, #tpu.memory_space<semaphore_mem>>)
      %dma_wait3A = arith.constant 0 : i32
      %dma_wait3A_26 = tpu.memref_slice %arg13[%mul3A_4, %dma_wait3A] : memref<2048x128xf32, #tpu.memory_space<vmem_shared>> -> memref<128x128xf32, #tpu.memory_space<vmem_shared>>
      tpu.wait_dma2 semaphore(%run_scoped3A : memref<!tpu.dma_semaphore, #tpu.memory_space<semaphore_mem>>) src(%arg6 : memref<128x128xf32, #tpu.memory_space<hbm>>) dst(%dma_wait3A_26 : memref<128x128xf32, #tpu.memory_space<vmem_shared>>)
      tpu.yield
    }) : () -> ()
    %barrier3A = arith.constant 0 : index
    tpu.barrier barrier_id(%barrier3A)
    %scan3A = arith.constant 0 : i32
    %scan3A_5 = arith.constant 0 : i32
    %scan3A_6 = arith.constant 80 : i32
    %scan3A_7 = arith.addi %scan3A_5, %scan3A_6 : i32
    %scan3A_8 = arith.constant 1 : i32
    scf.for %scan3A_25 = %scan3A_5 to %scan3A_7 step %scan3A_8  : i32 {
      "tpu.region"() ({
        %run_scoped3A = tpu.sem_alloc : memref<!tpu.dma_semaphore, #tpu.memory_space<semaphore_mem>>
        %dma_start3A = arith.constant 0 : i32
        %dma_start3A_26 = tpu.memref_slice %arg9[%scan3A_25, %dma_start3A] : memref<80x128xi32, #tpu.memory_space<vmem>> -> memref<1x128xi32, #tpu.memory_space<vmem>>
        %dma_start3A_27 = tpu.memref_squeeze %dma_start3A_26 : memref<1x128xi32, #tpu.memory_space<vmem>> -> memref<128xi32, #tpu.memory_space<vmem>>
        %dma_start3A_28 = arith.constant 0 : i32
        %dma_start3A_29 = arith.constant 0 : i32
        %dma_start3A_30 = tpu.memref_slice %arg12[%dma_start3A_28, %dma_start3A_29] : memref<10112x128xf32, #tpu.memory_space<vmem_shared>> -> memref<10112x128xf32, #tpu.memory_space<vmem_shared>>
        tpu.enqueue_indirect_dma source(%arg11 : memref<128x128xf32, #tpu.memory_space<vmem>>) target(%dma_start3A_30 : memref<10112x128xf32, #tpu.memory_space<vmem_shared>>) offsets(%dma_start3A_27 : memref<128xi32, #tpu.memory_space<vmem>>) semaphore(%run_scoped3A : memref<!tpu.dma_semaphore, #tpu.memory_space<semaphore_mem>>) {add = true}
        %dma_wait3A = arith.constant 0 : i32
        %dma_wait3A_31 = tpu.memref_slice %arg9[%scan3A_25, %dma_wait3A] : memref<80x128xi32, #tpu.memory_space<vmem>> -> memref<1x128xi32, #tpu.memory_space<vmem>>
        %dma_wait3A_32 = tpu.memref_squeeze %dma_wait3A_31 : memref<1x128xi32, #tpu.memory_space<vmem>> -> memref<128xi32, #tpu.memory_space<vmem>>
        %dma_wait3A_33 = arith.constant 0 : i32
        %dma_wait3A_34 = arith.constant 0 : i32
        %dma_wait3A_35 = tpu.memref_slice %arg12[%dma_wait3A_33, %dma_wait3A_34] : memref<10112x128xf32, #tpu.memory_space<vmem_shared>> -> memref<10112x128xf32, #tpu.memory_space<vmem_shared>>
        tpu.wait_indirect_dma semaphore(%run_scoped3A : memref<!tpu.dma_semaphore, #tpu.memory_space<semaphore_mem>>) src(%arg11 : memref<128x128xf32, #tpu.memory_space<vmem>>) dst(%dma_wait3A_35 : memref<10112x128xf32, #tpu.memory_space<vmem_shared>>)
        tpu.yield
      }) : () -> ()
    }
    %scan3A_9 = arith.constant 80 : i32
    %scan3A_10 = arith.constant 0 : i32
    %scan3A_11 = arith.constant 0 : i32
    %scan3A_12 = arith.constant 16 : i32
    %scan3A_13 = arith.addi %scan3A_11, %scan3A_12 : i32
    %scan3A_14 = arith.constant 1 : i32
    scf.for %scan3A_25 = %scan3A_11 to %scan3A_13 step %scan3A_14  : i32 {
      "tpu.region"() ({
        %run_scoped3A = tpu.sem_alloc : memref<!tpu.dma_semaphore, #tpu.memory_space<semaphore_mem>>
        %dma_start3A = arith.constant 0 : i32
        %dma_start3A_26 = tpu.memref_slice %arg10[%scan3A_25, %dma_start3A] : memref<16x128xi32, #tpu.memory_space<vmem>> -> memref<1x128xi32, #tpu.memory_space<vmem>>
        %dma_start3A_27 = tpu.memref_squeeze %dma_start3A_26 : memref<1x128xi32, #tpu.memory_space<vmem>> -> memref<128xi32, #tpu.memory_space<vmem>>
        %dma_start3A_28 = arith.constant 0 : i32
        %dma_start3A_29 = arith.constant 0 : i32
        %dma_start3A_30 = tpu.memref_slice %arg13[%dma_start3A_28, %dma_start3A_29] : memref<2048x128xf32, #tpu.memory_space<vmem_shared>> -> memref<2048x128xf32, #tpu.memory_space<vmem_shared>>
        tpu.enqueue_indirect_dma source(%arg11 : memref<128x128xf32, #tpu.memory_space<vmem>>) target(%dma_start3A_30 : memref<2048x128xf32, #tpu.memory_space<vmem_shared>>) offsets(%dma_start3A_27 : memref<128xi32, #tpu.memory_space<vmem>>) semaphore(%run_scoped3A : memref<!tpu.dma_semaphore, #tpu.memory_space<semaphore_mem>>) {add = true}
        %dma_wait3A = arith.constant 0 : i32
        %dma_wait3A_31 = tpu.memref_slice %arg10[%scan3A_25, %dma_wait3A] : memref<16x128xi32, #tpu.memory_space<vmem>> -> memref<1x128xi32, #tpu.memory_space<vmem>>
        %dma_wait3A_32 = tpu.memref_squeeze %dma_wait3A_31 : memref<1x128xi32, #tpu.memory_space<vmem>> -> memref<128xi32, #tpu.memory_space<vmem>>
        %dma_wait3A_33 = arith.constant 0 : i32
        %dma_wait3A_34 = arith.constant 0 : i32
        %dma_wait3A_35 = tpu.memref_slice %arg13[%dma_wait3A_33, %dma_wait3A_34] : memref<2048x128xf32, #tpu.memory_space<vmem_shared>> -> memref<2048x128xf32, #tpu.memory_space<vmem_shared>>
        tpu.wait_indirect_dma semaphore(%run_scoped3A : memref<!tpu.dma_semaphore, #tpu.memory_space<semaphore_mem>>) src(%arg11 : memref<128x128xf32, #tpu.memory_space<vmem>>) dst(%dma_wait3A_35 : memref<2048x128xf32, #tpu.memory_space<vmem_shared>>)
        tpu.yield
      }) : () -> ()
    }
    %scan3A_15 = arith.constant 16 : i32
    %barrier3A_16 = arith.constant 0 : index
    tpu.barrier barrier_id(%barrier3A_16)
    %mul3A_17 = arith.constant 632 : i32
    %mul3A_18 = arith.muli %arg1, %mul3A_17 : i32
    %mul3A_19 = arith.constant 632 : i32
    %mul3A_20 = arith.muli %arg1, %mul3A_19 : i32
    "tpu.region"() ({
      %run_scoped3A = tpu.sem_alloc : memref<!tpu.dma_semaphore, #tpu.memory_space<semaphore_mem>>
      %dma_start3A = arith.constant 0 : i32
      %dma_start3A_25 = tpu.memref_slice %arg7[%arg0, %mul3A_20, %dma_start3A] : memref<2x10112x128xf32, #tpu.memory_space<hbm>> -> memref<1x632x128xf32, #tpu.memory_space<hbm>>
      %dma_start3A_26 = tpu.memref_squeeze %dma_start3A_25 : memref<1x632x128xf32, #tpu.memory_space<hbm>> -> memref<632x128xf32, #tpu.memory_space<hbm>>
      %dma_start3A_27 = arith.constant 0 : i32
      %dma_start3A_28 = tpu.memref_slice %arg12[%mul3A_18, %dma_start3A_27] : memref<10112x128xf32, #tpu.memory_space<vmem_shared>> -> memref<632x128xf32, #tpu.memory_space<vmem_shared>>
      tpu.enqueue_dma source(%dma_start3A_28 : memref<632x128xf32, #tpu.memory_space<vmem_shared>>) target(%dma_start3A_26 : memref<632x128xf32, #tpu.memory_space<hbm>>) target_semaphore(%run_scoped3A : memref<!tpu.dma_semaphore, #tpu.memory_space<semaphore_mem>>)
      %dma_wait3A = arith.constant 0 : i32
      %dma_wait3A_29 = tpu.memref_slice %arg7[%arg0, %mul3A_20, %dma_wait3A] : memref<2x10112x128xf32, #tpu.memory_space<hbm>> -> memref<1x632x128xf32, #tpu.memory_space<hbm>>
      %dma_wait3A_30 = tpu.memref_squeeze %dma_wait3A_29 : memref<1x632x128xf32, #tpu.memory_space<hbm>> -> memref<632x128xf32, #tpu.memory_space<hbm>>
      %dma_wait3A_31 = arith.constant 0 : i32
      %dma_wait3A_32 = tpu.memref_slice %arg12[%mul3A_18, %dma_wait3A_31] : memref<10112x128xf32, #tpu.memory_space<vmem_shared>> -> memref<632x128xf32, #tpu.memory_space<vmem_shared>>
      tpu.wait_dma2 semaphore(%run_scoped3A : memref<!tpu.dma_semaphore, #tpu.memory_space<semaphore_mem>>) src(%dma_wait3A_32 : memref<632x128xf32, #tpu.memory_space<vmem_shared>>) dst(%dma_wait3A_30 : memref<632x128xf32, #tpu.memory_space<hbm>>)
      tpu.yield
    }) : () -> ()
    %mul3A_21 = arith.constant 128 : i32
    %mul3A_22 = arith.muli %arg1, %mul3A_21 : i32
    %mul3A_23 = arith.constant 128 : i32
    %mul3A_24 = arith.muli %arg1, %mul3A_23 : i32
    "tpu.region"() ({
      %run_scoped3A = tpu.sem_alloc : memref<!tpu.dma_semaphore, #tpu.memory_space<semaphore_mem>>
      %dma_start3A = arith.constant 0 : i32
      %dma_start3A_25 = tpu.memref_slice %arg8[%arg0, %mul3A_24, %dma_start3A] : memref<2x2048x128xf32, #tpu.memory_space<hbm>> -> memref<1x128x128xf32, #tpu.memory_space<hbm>>
      %dma_start3A_26 = tpu.memref_squeeze %dma_start3A_25 : memref<1x128x128xf32, #tpu.memory_space<hbm>> -> memref<128x128xf32, #tpu.memory_space<hbm>>
      %dma_start3A_27 = arith.constant 0 : i32
      %dma_start3A_28 = tpu.memref_slice %arg13[%mul3A_22, %dma_start3A_27] : memref<2048x128xf32, #tpu.memory_space<vmem_shared>> -> memref<128x128xf32, #tpu.memory_space<vmem_shared>>
      tpu.enqueue_dma source(%dma_start3A_28 : memref<128x128xf32, #tpu.memory_space<vmem_shared>>) target(%dma_start3A_26 : memref<128x128xf32, #tpu.memory_space<hbm>>) target_semaphore(%run_scoped3A : memref<!tpu.dma_semaphore, #tpu.memory_space<semaphore_mem>>)
      %dma_wait3A = arith.constant 0 : i32
      %dma_wait3A_29 = tpu.memref_slice %arg8[%arg0, %mul3A_24, %dma_wait3A] : memref<2x2048x128xf32, #tpu.memory_space<hbm>> -> memref<1x128x128xf32, #tpu.memory_space<hbm>>
      %dma_wait3A_30 = tpu.memref_squeeze %dma_wait3A_29 : memref<1x128x128xf32, #tpu.memory_space<hbm>> -> memref<128x128xf32, #tpu.memory_space<hbm>>
      %dma_wait3A_31 = arith.constant 0 : i32
      %dma_wait3A_32 = tpu.memref_slice %arg13[%mul3A_22, %dma_wait3A_31] : memref<2048x128xf32, #tpu.memory_space<vmem_shared>> -> memref<128x128xf32, #tpu.memory_space<vmem_shared>>
      tpu.wait_dma2 semaphore(%run_scoped3A : memref<!tpu.dma_semaphore, #tpu.memory_space<semaphore_mem>>) src(%dma_wait3A_32 : memref<128x128xf32, #tpu.memory_space<vmem_shared>>) dst(%dma_wait3A_30 : memref<128x128xf32, #tpu.memory_space<hbm>>)
      tpu.yield
    }) : () -> ()
    return
  }
}

#map = affine_map<(d0, d1) -> (0, 0)>
#map1 = affine_map<(d0, d1) -> (0, 0, 0)>
module attributes {stable_mosaic.version = 14 : i64} {
  func.func @_scatter(%arg0: i32, %arg1: i32, %arg2: memref<2000x128xf32, #tpu.memory_space<hbm>>, %arg3: memref<32x16x128xi32, #tpu.memory_space<hbm>>, %arg4: memref<32x16x128xi32, #tpu.memory_space<hbm>>, %arg5: memref<128x128xf32, #tpu.memory_space<hbm>>, %arg6: memref<2x2048x128xf32, #tpu.memory_space<hbm>>, %arg7: memref<16x128xi32, #tpu.memory_space<vmem>>, %arg8: memref<16x128xi32, #tpu.memory_space<vmem>>, %arg9: memref<128x128xf32, #tpu.memory_space<vmem>>, %arg10: memref<2048x128xf32, #tpu.memory_space<vmem_shared>>) attributes {dimension_semantics = [#tpu.dimension_semantics<core_parallel>, #tpu.dimension_semantics<subcore_parallel>], iteration_bounds = array<i64: 2, 16>, scalar_prefetch = 0 : i64, scratch_operands = 4 : i64, tpu.core_type = #tpu.core_type<sc_vector_subcore>, window_params = [{transform_indices = #map}, {transform_indices = #map1}, {transform_indices = #map1}, {transform_indices = #map}, {transform_indices = #map1}]} {
    %mul3A = arith.constant 16 : i32
    %mul3A_0 = arith.muli %arg0, %mul3A : i32
    %add3A = arith.addi %mul3A_0, %arg1 : i32
    "tpu.region"() ({
      %run_scoped3A = tpu.sem_alloc : memref<!tpu.dma_semaphore, #tpu.memory_space<semaphore_mem>>
      %dma_start3A = arith.constant 0 : i32
      %dma_start3A_13 = arith.constant 0 : i32
      %dma_start3A_14 = tpu.memref_slice %arg3[%add3A, %dma_start3A, %dma_start3A_13] : memref<32x16x128xi32, #tpu.memory_space<hbm>> -> memref<1x16x128xi32, #tpu.memory_space<hbm>>
      %dma_start3A_15 = tpu.memref_squeeze %dma_start3A_14 : memref<1x16x128xi32, #tpu.memory_space<hbm>> -> memref<16x128xi32, #tpu.memory_space<hbm>>
      %dma_start3A_16 = arith.constant 0 : i32
      %dma_start3A_17 = arith.constant 0 : i32
      %dma_start3A_18 = tpu.memref_slice %arg3[%add3A, %dma_start3A_16, %dma_start3A_17] : memref<32x16x128xi32, #tpu.memory_space<hbm>> -> memref<1x16x128xi32, #tpu.memory_space<hbm>>
      %dma_start3A_19 = tpu.memref_squeeze %dma_start3A_18 : memref<1x16x128xi32, #tpu.memory_space<hbm>> -> memref<16x128xi32, #tpu.memory_space<hbm>>
      tpu.enqueue_dma source(%dma_start3A_19 : memref<16x128xi32, #tpu.memory_space<hbm>>) target(%arg7 : memref<16x128xi32, #tpu.memory_space<vmem>>) target_semaphore(%run_scoped3A : memref<!tpu.dma_semaphore, #tpu.memory_space<semaphore_mem>>)
      %dma_wait3A = arith.constant 0 : i32
      %dma_wait3A_20 = arith.constant 0 : i32
      %dma_wait3A_21 = tpu.memref_slice %arg3[%add3A, %dma_wait3A, %dma_wait3A_20] : memref<32x16x128xi32, #tpu.memory_space<hbm>> -> memref<1x16x128xi32, #tpu.memory_space<hbm>>
      %dma_wait3A_22 = tpu.memref_squeeze %dma_wait3A_21 : memref<1x16x128xi32, #tpu.memory_space<hbm>> -> memref<16x128xi32, #tpu.memory_space<hbm>>
      %dma_wait3A_23 = arith.constant 0 : i32
      %dma_wait3A_24 = arith.constant 0 : i32
      %dma_wait3A_25 = tpu.memref_slice %arg3[%add3A, %dma_wait3A_23, %dma_wait3A_24] : memref<32x16x128xi32, #tpu.memory_space<hbm>> -> memref<1x16x128xi32, #tpu.memory_space<hbm>>
      %dma_wait3A_26 = tpu.memref_squeeze %dma_wait3A_25 : memref<1x16x128xi32, #tpu.memory_space<hbm>> -> memref<16x128xi32, #tpu.memory_space<hbm>>
      tpu.wait_dma2 semaphore(%run_scoped3A : memref<!tpu.dma_semaphore, #tpu.memory_space<semaphore_mem>>) src(%dma_wait3A_26 : memref<16x128xi32, #tpu.memory_space<hbm>>) dst(%arg7 : memref<16x128xi32, #tpu.memory_space<vmem>>)
      tpu.yield
    }) : () -> ()
    "tpu.region"() ({
      %run_scoped3A = tpu.sem_alloc : memref<!tpu.dma_semaphore, #tpu.memory_space<semaphore_mem>>
      %dma_start3A = arith.constant 0 : i32
      %dma_start3A_13 = arith.constant 0 : i32
      %dma_start3A_14 = tpu.memref_slice %arg4[%add3A, %dma_start3A, %dma_start3A_13] : memref<32x16x128xi32, #tpu.memory_space<hbm>> -> memref<1x16x128xi32, #tpu.memory_space<hbm>>
      %dma_start3A_15 = tpu.memref_squeeze %dma_start3A_14 : memref<1x16x128xi32, #tpu.memory_space<hbm>> -> memref<16x128xi32, #tpu.memory_space<hbm>>
      %dma_start3A_16 = arith.constant 0 : i32
      %dma_start3A_17 = arith.constant 0 : i32
      %dma_start3A_18 = tpu.memref_slice %arg4[%add3A, %dma_start3A_16, %dma_start3A_17] : memref<32x16x128xi32, #tpu.memory_space<hbm>> -> memref<1x16x128xi32, #tpu.memory_space<hbm>>
      %dma_start3A_19 = tpu.memref_squeeze %dma_start3A_18 : memref<1x16x128xi32, #tpu.memory_space<hbm>> -> memref<16x128xi32, #tpu.memory_space<hbm>>
      tpu.enqueue_dma source(%dma_start3A_19 : memref<16x128xi32, #tpu.memory_space<hbm>>) target(%arg8 : memref<16x128xi32, #tpu.memory_space<vmem>>) target_semaphore(%run_scoped3A : memref<!tpu.dma_semaphore, #tpu.memory_space<semaphore_mem>>)
      %dma_wait3A = arith.constant 0 : i32
      %dma_wait3A_20 = arith.constant 0 : i32
      %dma_wait3A_21 = tpu.memref_slice %arg4[%add3A, %dma_wait3A, %dma_wait3A_20] : memref<32x16x128xi32, #tpu.memory_space<hbm>> -> memref<1x16x128xi32, #tpu.memory_space<hbm>>
      %dma_wait3A_22 = tpu.memref_squeeze %dma_wait3A_21 : memref<1x16x128xi32, #tpu.memory_space<hbm>> -> memref<16x128xi32, #tpu.memory_space<hbm>>
      %dma_wait3A_23 = arith.constant 0 : i32
      %dma_wait3A_24 = arith.constant 0 : i32
      %dma_wait3A_25 = tpu.memref_slice %arg4[%add3A, %dma_wait3A_23, %dma_wait3A_24] : memref<32x16x128xi32, #tpu.memory_space<hbm>> -> memref<1x16x128xi32, #tpu.memory_space<hbm>>
      %dma_wait3A_26 = tpu.memref_squeeze %dma_wait3A_25 : memref<1x16x128xi32, #tpu.memory_space<hbm>> -> memref<16x128xi32, #tpu.memory_space<hbm>>
      tpu.wait_dma2 semaphore(%run_scoped3A : memref<!tpu.dma_semaphore, #tpu.memory_space<semaphore_mem>>) src(%dma_wait3A_26 : memref<16x128xi32, #tpu.memory_space<hbm>>) dst(%arg8 : memref<16x128xi32, #tpu.memory_space<vmem>>)
      tpu.yield
    }) : () -> ()
    %mul3A_1 = arith.constant 128 : i32
    %mul3A_2 = arith.muli %arg1, %mul3A_1 : i32
    "tpu.region"() ({
      %run_scoped3A = tpu.sem_alloc : memref<!tpu.dma_semaphore, #tpu.memory_space<semaphore_mem>>
      %dma_start3A = arith.constant 0 : i32
      %dma_start3A_13 = tpu.memref_slice %arg10[%mul3A_2, %dma_start3A] : memref<2048x128xf32, #tpu.memory_space<vmem_shared>> -> memref<128x128xf32, #tpu.memory_space<vmem_shared>>
      tpu.enqueue_dma source(%arg5 : memref<128x128xf32, #tpu.memory_space<hbm>>) target(%dma_start3A_13 : memref<128x128xf32, #tpu.memory_space<vmem_shared>>) target_semaphore(%run_scoped3A : memref<!tpu.dma_semaphore, #tpu.memory_space<semaphore_mem>>)
      %dma_wait3A = arith.constant 0 : i32
      %dma_wait3A_14 = tpu.memref_slice %arg10[%mul3A_2, %dma_wait3A] : memref<2048x128xf32, #tpu.memory_space<vmem_shared>> -> memref<128x128xf32, #tpu.memory_space<vmem_shared>>
      tpu.wait_dma2 semaphore(%run_scoped3A : memref<!tpu.dma_semaphore, #tpu.memory_space<semaphore_mem>>) src(%arg5 : memref<128x128xf32, #tpu.memory_space<hbm>>) dst(%dma_wait3A_14 : memref<128x128xf32, #tpu.memory_space<vmem_shared>>)
      tpu.yield
    }) : () -> ()
    %barrier3A = arith.constant 0 : index
    tpu.barrier barrier_id(%barrier3A)
    %scan3A = arith.constant 0 : i32
    %scan3A_3 = arith.constant 0 : i32
    %scan3A_4 = arith.constant 16 : i32
    %scan3A_5 = arith.addi %scan3A_3, %scan3A_4 : i32
    %scan3A_6 = arith.constant 1 : i32
    scf.for %scan3A_13 = %scan3A_3 to %scan3A_5 step %scan3A_6  : i32 {
      "tpu.region"() ({
        %run_scoped3A = tpu.sem_alloc : memref<!tpu.dma_semaphore, #tpu.memory_space<semaphore_mem>>
        %dma_start3A = arith.constant 0 : i32
        %dma_start3A_14 = tpu.memref_slice %arg7[%scan3A_13, %dma_start3A] : memref<16x128xi32, #tpu.memory_space<vmem>> -> memref<1x128xi32, #tpu.memory_space<vmem>>
        %dma_start3A_15 = tpu.memref_squeeze %dma_start3A_14 : memref<1x128xi32, #tpu.memory_space<vmem>> -> memref<128xi32, #tpu.memory_space<vmem>>
        %dma_start3A_16 = arith.constant 0 : i32
        %dma_start3A_17 = arith.constant 0 : i32
        %dma_start3A_18 = tpu.memref_slice %arg2[%dma_start3A_16, %dma_start3A_17] : memref<2000x128xf32, #tpu.memory_space<hbm>> -> memref<2000x128xf32, #tpu.memory_space<hbm>>
        tpu.enqueue_indirect_dma source(%dma_start3A_18 : memref<2000x128xf32, #tpu.memory_space<hbm>>) target(%arg9 : memref<128x128xf32, #tpu.memory_space<vmem>>) offsets(%dma_start3A_15 : memref<128xi32, #tpu.memory_space<vmem>>) semaphore(%run_scoped3A : memref<!tpu.dma_semaphore, #tpu.memory_space<semaphore_mem>>)
        %dma_wait3A = arith.constant 0 : i32
        %dma_wait3A_19 = tpu.memref_slice %arg7[%scan3A_13, %dma_wait3A] : memref<16x128xi32, #tpu.memory_space<vmem>> -> memref<1x128xi32, #tpu.memory_space<vmem>>
        %dma_wait3A_20 = tpu.memref_squeeze %dma_wait3A_19 : memref<1x128xi32, #tpu.memory_space<vmem>> -> memref<128xi32, #tpu.memory_space<vmem>>
        %dma_wait3A_21 = arith.constant 0 : i32
        %dma_wait3A_22 = arith.constant 0 : i32
        %dma_wait3A_23 = tpu.memref_slice %arg2[%dma_wait3A_21, %dma_wait3A_22] : memref<2000x128xf32, #tpu.memory_space<hbm>> -> memref<2000x128xf32, #tpu.memory_space<hbm>>
        tpu.wait_indirect_dma semaphore(%run_scoped3A : memref<!tpu.dma_semaphore, #tpu.memory_space<semaphore_mem>>) src(%dma_wait3A_23 : memref<2000x128xf32, #tpu.memory_space<hbm>>) dst(%arg9 : memref<128x128xf32, #tpu.memory_space<vmem>>)
        tpu.yield
      }) : () -> ()
      "tpu.region"() ({
        %run_scoped3A = tpu.sem_alloc : memref<!tpu.dma_semaphore, #tpu.memory_space<semaphore_mem>>
        %dma_start3A = arith.constant 0 : i32
        %dma_start3A_14 = tpu.memref_slice %arg8[%scan3A_13, %dma_start3A] : memref<16x128xi32, #tpu.memory_space<vmem>> -> memref<1x128xi32, #tpu.memory_space<vmem>>
        %dma_start3A_15 = tpu.memref_squeeze %dma_start3A_14 : memref<1x128xi32, #tpu.memory_space<vmem>> -> memref<128xi32, #tpu.memory_space<vmem>>
        %dma_start3A_16 = arith.constant 0 : i32
        %dma_start3A_17 = arith.constant 0 : i32
        %dma_start3A_18 = tpu.memref_slice %arg10[%dma_start3A_16, %dma_start3A_17] : memref<2048x128xf32, #tpu.memory_space<vmem_shared>> -> memref<2048x128xf32, #tpu.memory_space<vmem_shared>>
        tpu.enqueue_indirect_dma source(%arg9 : memref<128x128xf32, #tpu.memory_space<vmem>>) target(%dma_start3A_18 : memref<2048x128xf32, #tpu.memory_space<vmem_shared>>) offsets(%dma_start3A_15 : memref<128xi32, #tpu.memory_space<vmem>>) semaphore(%run_scoped3A : memref<!tpu.dma_semaphore, #tpu.memory_space<semaphore_mem>>) {add = true}
        %dma_wait3A = arith.constant 0 : i32
        %dma_wait3A_19 = tpu.memref_slice %arg8[%scan3A_13, %dma_wait3A] : memref<16x128xi32, #tpu.memory_space<vmem>> -> memref<1x128xi32, #tpu.memory_space<vmem>>
        %dma_wait3A_20 = tpu.memref_squeeze %dma_wait3A_19 : memref<1x128xi32, #tpu.memory_space<vmem>> -> memref<128xi32, #tpu.memory_space<vmem>>
        %dma_wait3A_21 = arith.constant 0 : i32
        %dma_wait3A_22 = arith.constant 0 : i32
        %dma_wait3A_23 = tpu.memref_slice %arg10[%dma_wait3A_21, %dma_wait3A_22] : memref<2048x128xf32, #tpu.memory_space<vmem_shared>> -> memref<2048x128xf32, #tpu.memory_space<vmem_shared>>
        tpu.wait_indirect_dma semaphore(%run_scoped3A : memref<!tpu.dma_semaphore, #tpu.memory_space<semaphore_mem>>) src(%arg9 : memref<128x128xf32, #tpu.memory_space<vmem>>) dst(%dma_wait3A_23 : memref<2048x128xf32, #tpu.memory_space<vmem_shared>>)
        tpu.yield
      }) : () -> ()
    }
    %scan3A_7 = arith.constant 16 : i32
    %barrier3A_8 = arith.constant 0 : index
    tpu.barrier barrier_id(%barrier3A_8)
    %mul3A_9 = arith.constant 128 : i32
    %mul3A_10 = arith.muli %arg1, %mul3A_9 : i32
    %mul3A_11 = arith.constant 128 : i32
    %mul3A_12 = arith.muli %arg1, %mul3A_11 : i32
    "tpu.region"() ({
      %run_scoped3A = tpu.sem_alloc : memref<!tpu.dma_semaphore, #tpu.memory_space<semaphore_mem>>
      %dma_start3A = arith.constant 0 : i32
      %dma_start3A_13 = tpu.memref_slice %arg6[%arg0, %mul3A_12, %dma_start3A] : memref<2x2048x128xf32, #tpu.memory_space<hbm>> -> memref<1x128x128xf32, #tpu.memory_space<hbm>>
      %dma_start3A_14 = tpu.memref_squeeze %dma_start3A_13 : memref<1x128x128xf32, #tpu.memory_space<hbm>> -> memref<128x128xf32, #tpu.memory_space<hbm>>
      %dma_start3A_15 = arith.constant 0 : i32
      %dma_start3A_16 = tpu.memref_slice %arg10[%mul3A_10, %dma_start3A_15] : memref<2048x128xf32, #tpu.memory_space<vmem_shared>> -> memref<128x128xf32, #tpu.memory_space<vmem_shared>>
      tpu.enqueue_dma source(%dma_start3A_16 : memref<128x128xf32, #tpu.memory_space<vmem_shared>>) target(%dma_start3A_14 : memref<128x128xf32, #tpu.memory_space<hbm>>) target_semaphore(%run_scoped3A : memref<!tpu.dma_semaphore, #tpu.memory_space<semaphore_mem>>)
      %dma_wait3A = arith.constant 0 : i32
      %dma_wait3A_17 = tpu.memref_slice %arg6[%arg0, %mul3A_12, %dma_wait3A] : memref<2x2048x128xf32, #tpu.memory_space<hbm>> -> memref<1x128x128xf32, #tpu.memory_space<hbm>>
      %dma_wait3A_18 = tpu.memref_squeeze %dma_wait3A_17 : memref<1x128x128xf32, #tpu.memory_space<hbm>> -> memref<128x128xf32, #tpu.memory_space<hbm>>
      %dma_wait3A_19 = arith.constant 0 : i32
      %dma_wait3A_20 = tpu.memref_slice %arg10[%mul3A_10, %dma_wait3A_19] : memref<2048x128xf32, #tpu.memory_space<vmem_shared>> -> memref<128x128xf32, #tpu.memory_space<vmem_shared>>
      tpu.wait_dma2 semaphore(%run_scoped3A : memref<!tpu.dma_semaphore, #tpu.memory_space<semaphore_mem>>) src(%dma_wait3A_20 : memref<128x128xf32, #tpu.memory_space<vmem_shared>>) dst(%dma_wait3A_18 : memref<128x128xf32, #tpu.memory_space<hbm>>)
      tpu.yield
    }) : () -> ()
    return
  }
}

#map = affine_map<(d0, d1) -> (0, 0)>
#map1 = affine_map<(d0, d1) -> (0, 0, 0)>
module attributes {stable_mosaic.version = 14 : i64} {
  func.func @_scatter(%arg0: i32, %arg1: i32, %arg2: memref<10000x128xf32, #tpu.memory_space<hbm>>, %arg3: memref<32x80x128xi32, #tpu.memory_space<hbm>>, %arg4: memref<32x80x128xi32, #tpu.memory_space<hbm>>, %arg5: memref<632x128xf32, #tpu.memory_space<hbm>>, %arg6: memref<2x10112x128xf32, #tpu.memory_space<hbm>>, %arg7: memref<80x128xi32, #tpu.memory_space<vmem>>, %arg8: memref<80x128xi32, #tpu.memory_space<vmem>>, %arg9: memref<128x128xf32, #tpu.memory_space<vmem>>, %arg10: memref<10112x128xf32, #tpu.memory_space<vmem_shared>>) attributes {dimension_semantics = [#tpu.dimension_semantics<core_parallel>, #tpu.dimension_semantics<subcore_parallel>], iteration_bounds = array<i64: 2, 16>, scalar_prefetch = 0 : i64, scratch_operands = 4 : i64, tpu.core_type = #tpu.core_type<sc_vector_subcore>, window_params = [{transform_indices = #map}, {transform_indices = #map1}, {transform_indices = #map1}, {transform_indices = #map}, {transform_indices = #map1}]} {
    %mul3A = arith.constant 16 : i32
    %mul3A_0 = arith.muli %arg0, %mul3A : i32
    %add3A = arith.addi %mul3A_0, %arg1 : i32
    "tpu.region"() ({
      %run_scoped3A = tpu.sem_alloc : memref<!tpu.dma_semaphore, #tpu.memory_space<semaphore_mem>>
      %dma_start3A = arith.constant 0 : i32
      %dma_start3A_13 = arith.constant 0 : i32
      %dma_start3A_14 = tpu.memref_slice %arg3[%add3A, %dma_start3A, %dma_start3A_13] : memref<32x80x128xi32, #tpu.memory_space<hbm>> -> memref<1x80x128xi32, #tpu.memory_space<hbm>>
      %dma_start3A_15 = tpu.memref_squeeze %dma_start3A_14 : memref<1x80x128xi32, #tpu.memory_space<hbm>> -> memref<80x128xi32, #tpu.memory_space<hbm>>
      %dma_start3A_16 = arith.constant 0 : i32
      %dma_start3A_17 = arith.constant 0 : i32
      %dma_start3A_18 = tpu.memref_slice %arg3[%add3A, %dma_start3A_16, %dma_start3A_17] : memref<32x80x128xi32, #tpu.memory_space<hbm>> -> memref<1x80x128xi32, #tpu.memory_space<hbm>>
      %dma_start3A_19 = tpu.memref_squeeze %dma_start3A_18 : memref<1x80x128xi32, #tpu.memory_space<hbm>> -> memref<80x128xi32, #tpu.memory_space<hbm>>
      tpu.enqueue_dma source(%dma_start3A_19 : memref<80x128xi32, #tpu.memory_space<hbm>>) target(%arg7 : memref<80x128xi32, #tpu.memory_space<vmem>>) target_semaphore(%run_scoped3A : memref<!tpu.dma_semaphore, #tpu.memory_space<semaphore_mem>>)
      %dma_wait3A = arith.constant 0 : i32
      %dma_wait3A_20 = arith.constant 0 : i32
      %dma_wait3A_21 = tpu.memref_slice %arg3[%add3A, %dma_wait3A, %dma_wait3A_20] : memref<32x80x128xi32, #tpu.memory_space<hbm>> -> memref<1x80x128xi32, #tpu.memory_space<hbm>>
      %dma_wait3A_22 = tpu.memref_squeeze %dma_wait3A_21 : memref<1x80x128xi32, #tpu.memory_space<hbm>> -> memref<80x128xi32, #tpu.memory_space<hbm>>
      %dma_wait3A_23 = arith.constant 0 : i32
      %dma_wait3A_24 = arith.constant 0 : i32
      %dma_wait3A_25 = tpu.memref_slice %arg3[%add3A, %dma_wait3A_23, %dma_wait3A_24] : memref<32x80x128xi32, #tpu.memory_space<hbm>> -> memref<1x80x128xi32, #tpu.memory_space<hbm>>
      %dma_wait3A_26 = tpu.memref_squeeze %dma_wait3A_25 : memref<1x80x128xi32, #tpu.memory_space<hbm>> -> memref<80x128xi32, #tpu.memory_space<hbm>>
      tpu.wait_dma2 semaphore(%run_scoped3A : memref<!tpu.dma_semaphore, #tpu.memory_space<semaphore_mem>>) src(%dma_wait3A_26 : memref<80x128xi32, #tpu.memory_space<hbm>>) dst(%arg7 : memref<80x128xi32, #tpu.memory_space<vmem>>)
      tpu.yield
    }) : () -> ()
    "tpu.region"() ({
      %run_scoped3A = tpu.sem_alloc : memref<!tpu.dma_semaphore, #tpu.memory_space<semaphore_mem>>
      %dma_start3A = arith.constant 0 : i32
      %dma_start3A_13 = arith.constant 0 : i32
      %dma_start3A_14 = tpu.memref_slice %arg4[%add3A, %dma_start3A, %dma_start3A_13] : memref<32x80x128xi32, #tpu.memory_space<hbm>> -> memref<1x80x128xi32, #tpu.memory_space<hbm>>
      %dma_start3A_15 = tpu.memref_squeeze %dma_start3A_14 : memref<1x80x128xi32, #tpu.memory_space<hbm>> -> memref<80x128xi32, #tpu.memory_space<hbm>>
      %dma_start3A_16 = arith.constant 0 : i32
      %dma_start3A_17 = arith.constant 0 : i32
      %dma_start3A_18 = tpu.memref_slice %arg4[%add3A, %dma_start3A_16, %dma_start3A_17] : memref<32x80x128xi32, #tpu.memory_space<hbm>> -> memref<1x80x128xi32, #tpu.memory_space<hbm>>
      %dma_start3A_19 = tpu.memref_squeeze %dma_start3A_18 : memref<1x80x128xi32, #tpu.memory_space<hbm>> -> memref<80x128xi32, #tpu.memory_space<hbm>>
      tpu.enqueue_dma source(%dma_start3A_19 : memref<80x128xi32, #tpu.memory_space<hbm>>) target(%arg8 : memref<80x128xi32, #tpu.memory_space<vmem>>) target_semaphore(%run_scoped3A : memref<!tpu.dma_semaphore, #tpu.memory_space<semaphore_mem>>)
      %dma_wait3A = arith.constant 0 : i32
      %dma_wait3A_20 = arith.constant 0 : i32
      %dma_wait3A_21 = tpu.memref_slice %arg4[%add3A, %dma_wait3A, %dma_wait3A_20] : memref<32x80x128xi32, #tpu.memory_space<hbm>> -> memref<1x80x128xi32, #tpu.memory_space<hbm>>
      %dma_wait3A_22 = tpu.memref_squeeze %dma_wait3A_21 : memref<1x80x128xi32, #tpu.memory_space<hbm>> -> memref<80x128xi32, #tpu.memory_space<hbm>>
      %dma_wait3A_23 = arith.constant 0 : i32
      %dma_wait3A_24 = arith.constant 0 : i32
      %dma_wait3A_25 = tpu.memref_slice %arg4[%add3A, %dma_wait3A_23, %dma_wait3A_24] : memref<32x80x128xi32, #tpu.memory_space<hbm>> -> memref<1x80x128xi32, #tpu.memory_space<hbm>>
      %dma_wait3A_26 = tpu.memref_squeeze %dma_wait3A_25 : memref<1x80x128xi32, #tpu.memory_space<hbm>> -> memref<80x128xi32, #tpu.memory_space<hbm>>
      tpu.wait_dma2 semaphore(%run_scoped3A : memref<!tpu.dma_semaphore, #tpu.memory_space<semaphore_mem>>) src(%dma_wait3A_26 : memref<80x128xi32, #tpu.memory_space<hbm>>) dst(%arg8 : memref<80x128xi32, #tpu.memory_space<vmem>>)
      tpu.yield
    }) : () -> ()
    %mul3A_1 = arith.constant 632 : i32
    %mul3A_2 = arith.muli %arg1, %mul3A_1 : i32
    "tpu.region"() ({
      %run_scoped3A = tpu.sem_alloc : memref<!tpu.dma_semaphore, #tpu.memory_space<semaphore_mem>>
      %dma_start3A = arith.constant 0 : i32
      %dma_start3A_13 = tpu.memref_slice %arg10[%mul3A_2, %dma_start3A] : memref<10112x128xf32, #tpu.memory_space<vmem_shared>> -> memref<632x128xf32, #tpu.memory_space<vmem_shared>>
      tpu.enqueue_dma source(%arg5 : memref<632x128xf32, #tpu.memory_space<hbm>>) target(%dma_start3A_13 : memref<632x128xf32, #tpu.memory_space<vmem_shared>>) target_semaphore(%run_scoped3A : memref<!tpu.dma_semaphore, #tpu.memory_space<semaphore_mem>>)
      %dma_wait3A = arith.constant 0 : i32
      %dma_wait3A_14 = tpu.memref_slice %arg10[%mul3A_2, %dma_wait3A] : memref<10112x128xf32, #tpu.memory_space<vmem_shared>> -> memref<632x128xf32, #tpu.memory_space<vmem_shared>>
      tpu.wait_dma2 semaphore(%run_scoped3A : memref<!tpu.dma_semaphore, #tpu.memory_space<semaphore_mem>>) src(%arg5 : memref<632x128xf32, #tpu.memory_space<hbm>>) dst(%dma_wait3A_14 : memref<632x128xf32, #tpu.memory_space<vmem_shared>>)
      tpu.yield
    }) : () -> ()
    %barrier3A = arith.constant 0 : index
    tpu.barrier barrier_id(%barrier3A)
    %scan3A = arith.constant 0 : i32
    %scan3A_3 = arith.constant 0 : i32
    %scan3A_4 = arith.constant 80 : i32
    %scan3A_5 = arith.addi %scan3A_3, %scan3A_4 : i32
    %scan3A_6 = arith.constant 1 : i32
    scf.for %scan3A_13 = %scan3A_3 to %scan3A_5 step %scan3A_6  : i32 {
      "tpu.region"() ({
        %run_scoped3A = tpu.sem_alloc : memref<!tpu.dma_semaphore, #tpu.memory_space<semaphore_mem>>
        %dma_start3A = arith.constant 0 : i32
        %dma_start3A_14 = tpu.memref_slice %arg7[%scan3A_13, %dma_start3A] : memref<80x128xi32, #tpu.memory_space<vmem>> -> memref<1x128xi32, #tpu.memory_space<vmem>>
        %dma_start3A_15 = tpu.memref_squeeze %dma_start3A_14 : memref<1x128xi32, #tpu.memory_space<vmem>> -> memref<128xi32, #tpu.memory_space<vmem>>
        %dma_start3A_16 = arith.constant 0 : i32
        %dma_start3A_17 = arith.constant 0 : i32
        %dma_start3A_18 = tpu.memref_slice %arg2[%dma_start3A_16, %dma_start3A_17] : memref<10000x128xf32, #tpu.memory_space<hbm>> -> memref<10000x128xf32, #tpu.memory_space<hbm>>
        tpu.enqueue_indirect_dma source(%dma_start3A_18 : memref<10000x128xf32, #tpu.memory_space<hbm>>) target(%arg9 : memref<128x128xf32, #tpu.memory_space<vmem>>) offsets(%dma_start3A_15 : memref<128xi32, #tpu.memory_space<vmem>>) semaphore(%run_scoped3A : memref<!tpu.dma_semaphore, #tpu.memory_space<semaphore_mem>>)
        %dma_wait3A = arith.constant 0 : i32
        %dma_wait3A_19 = tpu.memref_slice %arg7[%scan3A_13, %dma_wait3A] : memref<80x128xi32, #tpu.memory_space<vmem>> -> memref<1x128xi32, #tpu.memory_space<vmem>>
        %dma_wait3A_20 = tpu.memref_squeeze %dma_wait3A_19 : memref<1x128xi32, #tpu.memory_space<vmem>> -> memref<128xi32, #tpu.memory_space<vmem>>
        %dma_wait3A_21 = arith.constant 0 : i32
        %dma_wait3A_22 = arith.constant 0 : i32
        %dma_wait3A_23 = tpu.memref_slice %arg2[%dma_wait3A_21, %dma_wait3A_22] : memref<10000x128xf32, #tpu.memory_space<hbm>> -> memref<10000x128xf32, #tpu.memory_space<hbm>>
        tpu.wait_indirect_dma semaphore(%run_scoped3A : memref<!tpu.dma_semaphore, #tpu.memory_space<semaphore_mem>>) src(%dma_wait3A_23 : memref<10000x128xf32, #tpu.memory_space<hbm>>) dst(%arg9 : memref<128x128xf32, #tpu.memory_space<vmem>>)
        tpu.yield
      }) : () -> ()
      "tpu.region"() ({
        %run_scoped3A = tpu.sem_alloc : memref<!tpu.dma_semaphore, #tpu.memory_space<semaphore_mem>>
        %dma_start3A = arith.constant 0 : i32
        %dma_start3A_14 = tpu.memref_slice %arg8[%scan3A_13, %dma_start3A] : memref<80x128xi32, #tpu.memory_space<vmem>> -> memref<1x128xi32, #tpu.memory_space<vmem>>
        %dma_start3A_15 = tpu.memref_squeeze %dma_start3A_14 : memref<1x128xi32, #tpu.memory_space<vmem>> -> memref<128xi32, #tpu.memory_space<vmem>>
        %dma_start3A_16 = arith.constant 0 : i32
        %dma_start3A_17 = arith.constant 0 : i32
        %dma_start3A_18 = tpu.memref_slice %arg10[%dma_start3A_16, %dma_start3A_17] : memref<10112x128xf32, #tpu.memory_space<vmem_shared>> -> memref<10112x128xf32, #tpu.memory_space<vmem_shared>>
        tpu.enqueue_indirect_dma source(%arg9 : memref<128x128xf32, #tpu.memory_space<vmem>>) target(%dma_start3A_18 : memref<10112x128xf32, #tpu.memory_space<vmem_shared>>) offsets(%dma_start3A_15 : memref<128xi32, #tpu.memory_space<vmem>>) semaphore(%run_scoped3A : memref<!tpu.dma_semaphore, #tpu.memory_space<semaphore_mem>>) {add = true}
        %dma_wait3A = arith.constant 0 : i32
        %dma_wait3A_19 = tpu.memref_slice %arg8[%scan3A_13, %dma_wait3A] : memref<80x128xi32, #tpu.memory_space<vmem>> -> memref<1x128xi32, #tpu.memory_space<vmem>>
        %dma_wait3A_20 = tpu.memref_squeeze %dma_wait3A_19 : memref<1x128xi32, #tpu.memory_space<vmem>> -> memref<128xi32, #tpu.memory_space<vmem>>
        %dma_wait3A_21 = arith.constant 0 : i32
        %dma_wait3A_22 = arith.constant 0 : i32
        %dma_wait3A_23 = tpu.memref_slice %arg10[%dma_wait3A_21, %dma_wait3A_22] : memref<10112x128xf32, #tpu.memory_space<vmem_shared>> -> memref<10112x128xf32, #tpu.memory_space<vmem_shared>>
        tpu.wait_indirect_dma semaphore(%run_scoped3A : memref<!tpu.dma_semaphore, #tpu.memory_space<semaphore_mem>>) src(%arg9 : memref<128x128xf32, #tpu.memory_space<vmem>>) dst(%dma_wait3A_23 : memref<10112x128xf32, #tpu.memory_space<vmem_shared>>)
        tpu.yield
      }) : () -> ()
    }
    %scan3A_7 = arith.constant 80 : i32
    %barrier3A_8 = arith.constant 0 : index
    tpu.barrier barrier_id(%barrier3A_8)
    %mul3A_9 = arith.constant 632 : i32
    %mul3A_10 = arith.muli %arg1, %mul3A_9 : i32
    %mul3A_11 = arith.constant 632 : i32
    %mul3A_12 = arith.muli %arg1, %mul3A_11 : i32
    "tpu.region"() ({
      %run_scoped3A = tpu.sem_alloc : memref<!tpu.dma_semaphore, #tpu.memory_space<semaphore_mem>>
      %dma_start3A = arith.constant 0 : i32
      %dma_start3A_13 = tpu.memref_slice %arg6[%arg0, %mul3A_12, %dma_start3A] : memref<2x10112x128xf32, #tpu.memory_space<hbm>> -> memref<1x632x128xf32, #tpu.memory_space<hbm>>
      %dma_start3A_14 = tpu.memref_squeeze %dma_start3A_13 : memref<1x632x128xf32, #tpu.memory_space<hbm>> -> memref<632x128xf32, #tpu.memory_space<hbm>>
      %dma_start3A_15 = arith.constant 0 : i32
      %dma_start3A_16 = tpu.memref_slice %arg10[%mul3A_10, %dma_start3A_15] : memref<10112x128xf32, #tpu.memory_space<vmem_shared>> -> memref<632x128xf32, #tpu.memory_space<vmem_shared>>
      tpu.enqueue_dma source(%dma_start3A_16 : memref<632x128xf32, #tpu.memory_space<vmem_shared>>) target(%dma_start3A_14 : memref<632x128xf32, #tpu.memory_space<hbm>>) target_semaphore(%run_scoped3A : memref<!tpu.dma_semaphore, #tpu.memory_space<semaphore_mem>>)
      %dma_wait3A = arith.constant 0 : i32
      %dma_wait3A_17 = tpu.memref_slice %arg6[%arg0, %mul3A_12, %dma_wait3A] : memref<2x10112x128xf32, #tpu.memory_space<hbm>> -> memref<1x632x128xf32, #tpu.memory_space<hbm>>
      %dma_wait3A_18 = tpu.memref_squeeze %dma_wait3A_17 : memref<1x632x128xf32, #tpu.memory_space<hbm>> -> memref<632x128xf32, #tpu.memory_space<hbm>>
      %dma_wait3A_19 = arith.constant 0 : i32
      %dma_wait3A_20 = tpu.memref_slice %arg10[%mul3A_10, %dma_wait3A_19] : memref<10112x128xf32, #tpu.memory_space<vmem_shared>> -> memref<632x128xf32, #tpu.memory_space<vmem_shared>>
      tpu.wait_dma2 semaphore(%run_scoped3A : memref<!tpu.dma_semaphore, #tpu.memory_space<semaphore_mem>>) src(%dma_wait3A_20 : memref<632x128xf32, #tpu.memory_space<vmem_shared>>) dst(%dma_wait3A_18 : memref<632x128xf32, #tpu.memory_space<hbm>>)
      tpu.yield
    }) : () -> ()
    return
  }
}

module attributes {stable_mosaic.version = 14 : i64} {
  func.func @_mm_body(%arg0: i32, %arg1: memref<200x10000xf32, #tpu.memory_space<vmem>>, %arg2: memref<10000x128xf32, #tpu.memory_space<vmem>>, %arg3: memref<200x128xf32, #tpu.memory_space<vmem>>) attributes {dimension_semantics = [#tpu.dimension_semantics<arbitrary>], iteration_bounds = array<i64: 10>, scalar_prefetch = 0 : i64, scratch_operands = 0 : i64, tpu.core_type = #tpu.core_type<tc>, window_params = [{transform_indices = @transform_0, window_bounds = array<i64: 200, 10000>}, {pipeline_mode = #tpu.pipeline_mode<synchronous>, transform_indices = @transform_1, window_bounds = array<i64: 10000, 128>}, {transform_indices = @transform_2, window_bounds = array<i64: 200, 128>}]} {
    %get3A = arith.constant 0 : index
    %get3A_0 = arith.constant 0 : index
    %get3A_1 = vector.load %arg1[%get3A, %get3A_0] : memref<200x10000xf32, #tpu.memory_space<vmem>>, vector<200x10000xf32>
    %get3A_2 = arith.constant 0 : index
    %get3A_3 = arith.constant 0 : index
    %get3A_4 = vector.load %arg2[%get3A_2, %get3A_3] : memref<10000x128xf32, #tpu.memory_space<vmem>>, vector<10000x128xf32>
    %dot_general3A = arith.constant dense<0.000000e+00> : vector<200x128xf32>
    %dot_general3A_5 = tpu.matmul %get3A_1, %get3A_4, %dot_general3A {dimension_numbers = #tpu.dot_dimension_numbers<[1], [0], [0], [1], [0, 0, 1, 1], [], []>, transpose_lhs_hint = false} : vector<200x10000xf32>, vector<10000x128xf32>, vector<200x128xf32> -> vector<200x128xf32>
    %swap3A = arith.constant 0 : index
    %swap3A_6 = arith.constant 0 : index
    %swap3A_7 = vector.load %arg3[%swap3A, %swap3A_6] : memref<200x128xf32, #tpu.memory_space<vmem>>, vector<200x128xf32>
    tpu.vector_store %arg3[%swap3A, %swap3A_6], %dot_general3A_5 {strides = array<i32>} : memref<200x128xf32, #tpu.memory_space<vmem>>, vector<200x128xf32>,
    return
  }
  func.func @transform_0(%arg0: i32) -> (i32, i32) {
    %c0_i32 = arith.constant 0 : i32
    %c0_i32_0 = arith.constant 0 : i32
    return %arg0, %c0_i32 : i32, i32
  }
  func.func @transform_1(%arg0: i32) -> (i32, i32) {
    %c0_i32 = arith.constant 0 : i32
    %c0_i32_0 = arith.constant 0 : i32
    %c0_i32_1 = arith.constant 0 : i32
    return %c0_i32, %c0_i32_0 : i32, i32
  }
  func.func @transform_2(%arg0: i32) -> (i32, i32) {
    %c0_i32 = arith.constant 0 : i32
    %c0_i32_0 = arith.constant 0 : i32
    return %arg0, %c0_i32 : i32, i32
  }
}

module attributes {stable_mosaic.version = 14 : i64} {
  func.func @_mm_body(%arg0: i32, %arg1: memref<1000x2000xf32, #tpu.memory_space<vmem>>, %arg2: memref<2000x128xf32, #tpu.memory_space<vmem>>, %arg3: memref<1000x128xf32, #tpu.memory_space<vmem>>) attributes {dimension_semantics = [#tpu.dimension_semantics<arbitrary>], iteration_bounds = array<i64: 10>, scalar_prefetch = 0 : i64, scratch_operands = 0 : i64, tpu.core_type = #tpu.core_type<tc>, window_params = [{transform_indices = @transform_0, window_bounds = array<i64: 1000, 2000>}, {pipeline_mode = #tpu.pipeline_mode<synchronous>, transform_indices = @transform_1, window_bounds = array<i64: 2000, 128>}, {transform_indices = @transform_2, window_bounds = array<i64: 1000, 128>}]} {
    %get3A = arith.constant 0 : index
    %get3A_0 = arith.constant 0 : index
    %get3A_1 = vector.load %arg1[%get3A, %get3A_0] : memref<1000x2000xf32, #tpu.memory_space<vmem>>, vector<1000x2000xf32>
    %get3A_2 = arith.constant 0 : index
    %get3A_3 = arith.constant 0 : index
    %get3A_4 = vector.load %arg2[%get3A_2, %get3A_3] : memref<2000x128xf32, #tpu.memory_space<vmem>>, vector<2000x128xf32>
    %dot_general3A = arith.constant dense<0.000000e+00> : vector<1000x128xf32>
    %dot_general3A_5 = tpu.matmul %get3A_1, %get3A_4, %dot_general3A {dimension_numbers = #tpu.dot_dimension_numbers<[1], [0], [0], [1], [0, 0, 1, 1], [], []>, transpose_lhs_hint = false} : vector<1000x2000xf32>, vector<2000x128xf32>, vector<1000x128xf32> -> vector<1000x128xf32>
    %swap3A = arith.constant 0 : index
    %swap3A_6 = arith.constant 0 : index
    %swap3A_7 = vector.load %arg3[%swap3A, %swap3A_6] : memref<1000x128xf32, #tpu.memory_space<vmem>>, vector<1000x128xf32>
    tpu.vector_store %arg3[%swap3A, %swap3A_6], %dot_general3A_5 {strides = array<i32>} : memref<1000x128xf32, #tpu.memory_space<vmem>>, vector<1000x128xf32>,
    return
  }
  func.func @transform_0(%arg0: i32) -> (i32, i32) {
    %c0_i32 = arith.constant 0 : i32
    %c0_i32_0 = arith.constant 0 : i32
    return %arg0, %c0_i32 : i32, i32
  }
  func.func @transform_1(%arg0: i32) -> (i32, i32) {
    %c0_i32 = arith.constant 0 : i32
    %c0_i32_0 = arith.constant 0 : i32
    %c0_i32_1 = arith.constant 0 : i32
    return %c0_i32, %c0_i32_0 : i32, i32
  }
  func.func @transform_2(%arg0: i32) -> (i32, i32) {
    %c0_i32 = arith.constant 0 : i32
    %c0_i32_0 = arith.constant 0 : i32
    return %arg0, %c0_i32 : i32, i32
  }
}

module attributes {stable_mosaic.version = 14 : i64} {
  func.func @_dis_body(%arg0: memref<2x10112x128xf32, #tpu.memory_space<vmem>>, %arg1: memref<2x2048x128xf32, #tpu.memory_space<vmem>>, %arg2: memref<10000x1xf32, #tpu.memory_space<vmem>>, %arg3: memref<2000x1xf32, #tpu.memory_space<vmem>>) attributes {dimension_semantics = [], scalar_prefetch = 0 : i64, scratch_operands = 0 : i64, tpu.core_type = #tpu.core_type<tc>} {
    %get3A = arith.constant 0 : index
    %get3A_0 = arith.constant 0 : index
    %get3A_1 = arith.constant 0 : index
    %get3A_2 = vector.load %arg0[%get3A, %get3A_0, %get3A_1] : memref<2x10112x128xf32, #tpu.memory_space<vmem>>, vector<1x10112x128xf32>
    %get3A_3 = vector.shape_cast %get3A_2 : vector<1x10112x128xf32> to vector<10112x128xf32>
    %get3A_4 = arith.constant 1 : index
    %get3A_5 = arith.constant 0 : index
    %get3A_6 = arith.constant 0 : index
    %get3A_7 = vector.load %arg0[%get3A_4, %get3A_5, %get3A_6] : memref<2x10112x128xf32, #tpu.memory_space<vmem>>, vector<1x10112x128xf32>
    %get3A_8 = vector.shape_cast %get3A_7 : vector<1x10112x128xf32> to vector<10112x128xf32>
    %add3A = arith.addf %get3A_3, %get3A_8 : vector<10112x128xf32>
    %slice3A = vector.extract_strided_slice %add3A {offsets = [0, 0], sizes = [10000, 1], strides = [1, 1]} : vector<10112x128xf32> to vector<10000x1xf32>
    %add3A_9 = arith.constant 1.000000e+00 : f32
    %add3A_10 = vector.broadcast %add3A_9 : f32 to vector<10000x1xf32>
    %add3A_11 = arith.addf %slice3A, %add3A_10 : vector<10000x1xf32>
    %rsqrt3A = math.rsqrt %add3A_11 : vector<10000x1xf32>
    %swap3A = arith.constant 0 : index
    %swap3A_12 = arith.constant 0 : index
    %swap3A_13 = vector.load %arg2[%swap3A, %swap3A_12] : memref<10000x1xf32, #tpu.memory_space<vmem>>, vector<10000x1xf32>
    tpu.vector_store %arg2[%swap3A, %swap3A_12], %rsqrt3A {strides = array<i32>} : memref<10000x1xf32, #tpu.memory_space<vmem>>, vector<10000x1xf32>,
    %get3A_14 = arith.constant 0 : index
    %get3A_15 = arith.constant 0 : index
    %get3A_16 = arith.constant 0 : index
    %get3A_17 = vector.load %arg1[%get3A_14, %get3A_15, %get3A_16] : memref<2x2048x128xf32, #tpu.memory_space<vmem>>, vector<1x2048x128xf32>
    %get3A_18 = vector.shape_cast %get3A_17 : vector<1x2048x128xf32> to vector<2048x128xf32>
    %get3A_19 = arith.constant 1 : index
    %get3A_20 = arith.constant 0 : index
    %get3A_21 = arith.constant 0 : index
    %get3A_22 = vector.load %arg1[%get3A_19, %get3A_20, %get3A_21] : memref<2x2048x128xf32, #tpu.memory_space<vmem>>, vector<1x2048x128xf32>
    %get3A_23 = vector.shape_cast %get3A_22 : vector<1x2048x128xf32> to vector<2048x128xf32>
    %add3A_24 = arith.addf %get3A_18, %get3A_23 : vector<2048x128xf32>
    %slice3A_25 = vector.extract_strided_slice %add3A_24 {offsets = [0, 0], sizes = [2000, 1], strides = [1, 1]} : vector<2048x128xf32> to vector<2000x1xf32>
    %add3A_26 = arith.constant 1.000000e+00 : f32
    %add3A_27 = vector.broadcast %add3A_26 : f32 to vector<2000x1xf32>
    %add3A_28 = arith.addf %slice3A_25, %add3A_27 : vector<2000x1xf32>
    %rsqrt3A_29 = math.rsqrt %add3A_28 : vector<2000x1xf32>
    %swap3A_30 = arith.constant 0 : index
    %swap3A_31 = arith.constant 0 : index
    %swap3A_32 = vector.load %arg3[%swap3A_30, %swap3A_31] : memref<2000x1xf32, #tpu.memory_space<vmem>>, vector<2000x1xf32>
    tpu.vector_store %arg3[%swap3A_30, %swap3A_31], %rsqrt3A_29 {strides = array<i32>} : memref<2000x1xf32, #tpu.memory_space<vmem>>, vector<2000x1xf32>,
    return
  }
}

module attributes {stable_mosaic.version = 14 : i64} {
  func.func @_scale_body(%arg0: memref<10000x128xf32, #tpu.memory_space<vmem>>, %arg1: memref<10000x1xf32, #tpu.memory_space<vmem>>, %arg2: memref<2000x128xf32, #tpu.memory_space<vmem>>, %arg3: memref<2000x1xf32, #tpu.memory_space<vmem>>, %arg4: memref<10000x128xf32, #tpu.memory_space<vmem>>, %arg5: memref<2000x128xf32, #tpu.memory_space<vmem>>) attributes {dimension_semantics = [], scalar_prefetch = 0 : i64, scratch_operands = 0 : i64, tpu.core_type = #tpu.core_type<tc>} {
    %get3A = arith.constant 0 : index
    %get3A_0 = arith.constant 0 : index
    %get3A_1 = vector.load %arg0[%get3A, %get3A_0] : memref<10000x128xf32, #tpu.memory_space<vmem>>, vector<10000x128xf32>
    %get3A_2 = arith.constant 0 : index
    %get3A_3 = arith.constant 0 : index
    %get3A_4 = vector.load %arg1[%get3A_2, %get3A_3] : memref<10000x1xf32, #tpu.memory_space<vmem>>, vector<10000x1xf32>
    %mul3A = vector.broadcast %get3A_4 : vector<10000x1xf32> to vector<10000x128xf32>
    %mul3A_5 = arith.mulf %get3A_1, %mul3A : vector<10000x128xf32>
    %swap3A = arith.constant 0 : index
    %swap3A_6 = arith.constant 0 : index
    %swap3A_7 = vector.load %arg4[%swap3A, %swap3A_6] : memref<10000x128xf32, #tpu.memory_space<vmem>>, vector<10000x128xf32>
    tpu.vector_store %arg4[%swap3A, %swap3A_6], %mul3A_5 {strides = array<i32>} : memref<10000x128xf32, #tpu.memory_space<vmem>>, vector<10000x128xf32>,
    %get3A_8 = arith.constant 0 : index
    %get3A_9 = arith.constant 0 : index
    %get3A_10 = vector.load %arg2[%get3A_8, %get3A_9] : memref<2000x128xf32, #tpu.memory_space<vmem>>, vector<2000x128xf32>
    %get3A_11 = arith.constant 0 : index
    %get3A_12 = arith.constant 0 : index
    %get3A_13 = vector.load %arg3[%get3A_11, %get3A_12] : memref<2000x1xf32, #tpu.memory_space<vmem>>, vector<2000x1xf32>
    %mul3A_14 = vector.broadcast %get3A_13 : vector<2000x1xf32> to vector<2000x128xf32>
    %mul3A_15 = arith.mulf %get3A_10, %mul3A_14 : vector<2000x128xf32>
    %swap3A_16 = arith.constant 0 : index
    %swap3A_17 = arith.constant 0 : index
    %swap3A_18 = vector.load %arg5[%swap3A_16, %swap3A_17] : memref<2000x128xf32, #tpu.memory_space<vmem>>, vector<2000x128xf32>
    tpu.vector_store %arg5[%swap3A_16, %swap3A_17], %mul3A_15 {strides = array<i32>} : memref<2000x128xf32, #tpu.memory_space<vmem>>, vector<2000x128xf32>,
    return
  }
}

module attributes {stable_mosaic.version = 14 : i64} {
  func.func @_gn_narrow_body(%arg0: memref<2x10112x128xf32, #tpu.memory_space<vmem>>, %arg1: memref<10000x128xf32, #tpu.memory_space<vmem>>, %arg2: memref<10000x1xf32, #tpu.memory_space<vmem>>, %arg3: memref<1x128xf32, #tpu.memory_space<vmem>>, %arg4: memref<1x128xf32, #tpu.memory_space<vmem>>, %arg5: memref<1x128xf32, #tpu.memory_space<vmem>>, %arg6: memref<1x128xf32, #tpu.memory_space<vmem>>, %arg7: memref<2x2048x128xf32, #tpu.memory_space<vmem>>, %arg8: memref<2000x128xf32, #tpu.memory_space<vmem>>, %arg9: memref<2000x1xf32, #tpu.memory_space<vmem>>, %arg10: memref<1x128xf32, #tpu.memory_space<vmem>>, %arg11: memref<1x128xf32, #tpu.memory_space<vmem>>, %arg12: memref<1x128xf32, #tpu.memory_space<vmem>>, %arg13: memref<1x128xf32, #tpu.memory_space<vmem>>, %arg14: memref<10000x128xf32, #tpu.memory_space<vmem>>, %arg15: memref<2000x128xf32, #tpu.memory_space<vmem>>) attributes {dimension_semantics = [], scalar_prefetch = 0 : i64, scratch_operands = 0 : i64, tpu.core_type = #tpu.core_type<tc>} {
    %get3A = arith.constant 0 : index
    %get3A_0 = arith.constant 0 : index
    %get3A_1 = arith.constant 0 : index
    %get3A_2 = vector.load %arg0[%get3A, %get3A_0, %get3A_1] : memref<2x10112x128xf32, #tpu.memory_space<vmem>>, vector<2x10112x128xf32>
    %get3A_3 = arith.constant 0 : index
    %get3A_4 = arith.constant 0 : index
    %get3A_5 = vector.load %arg1[%get3A_3, %get3A_4] : memref<10000x128xf32, #tpu.memory_space<vmem>>, vector<10000x128xf32>
    %get3A_6 = arith.constant 0 : index
    %get3A_7 = arith.constant 0 : index
    %get3A_8 = vector.load %arg2[%get3A_6, %get3A_7] : memref<10000x1xf32, #tpu.memory_space<vmem>>, vector<10000x1xf32>
    %get3A_9 = arith.constant 0 : index
    %get3A_10 = arith.constant 0 : index
    %get3A_11 = vector.load %arg3[%get3A_9, %get3A_10] : memref<1x128xf32, #tpu.memory_space<vmem>>, vector<1x128xf32>
    %get3A_12 = arith.constant 0 : index
    %get3A_13 = arith.constant 0 : index
    %get3A_14 = vector.load %arg4[%get3A_12, %get3A_13] : memref<1x128xf32, #tpu.memory_space<vmem>>, vector<1x128xf32>
    %get3A_15 = arith.constant 0 : index
    %get3A_16 = arith.constant 0 : index
    %get3A_17 = vector.load %arg5[%get3A_15, %get3A_16] : memref<1x128xf32, #tpu.memory_space<vmem>>, vector<1x128xf32>
    %get3A_18 = arith.constant 0 : index
    %get3A_19 = arith.constant 0 : index
    %get3A_20 = vector.load %arg6[%get3A_18, %get3A_19] : memref<1x128xf32, #tpu.memory_space<vmem>>, vector<1x128xf32>
    %slice3A = vector.extract_strided_slice %get3A_2 {offsets = [0, 0, 0], sizes = [1, 10000, 128], strides = [1, 1, 1]} : vector<2x10112x128xf32> to vector<1x10000x128xf32>
    %squeeze3A = vector.shape_cast %slice3A : vector<1x10000x128xf32> to vector<10000x128xf32>
    %slice3A_21 = vector.extract_strided_slice %get3A_2 {offsets = [1, 0, 0], sizes = [1, 10000, 128], strides = [1, 1, 1]} : vector<2x10112x128xf32> to vector<1x10000x128xf32>
    %squeeze3A_22 = vector.shape_cast %slice3A_21 : vector<1x10000x128xf32> to vector<10000x128xf32>
    %add3A = arith.addf %squeeze3A, %squeeze3A_22 : vector<10000x128xf32>
    %add3A_23 = arith.addf %add3A, %get3A_5 : vector<10000x128xf32>
    %mul3A = vector.broadcast %get3A_8 : vector<10000x1xf32> to vector<10000x128xf32>
    %mul3A_24 = arith.mulf %mul3A, %add3A_23 : vector<10000x128xf32>
    %add3A_25 = vector.broadcast %get3A_11 : vector<1x128xf32> to vector<10000x128xf32>
    %add3A_26 = arith.addf %mul3A_24, %add3A_25 : vector<10000x128xf32>
    %reduce_sum3A = arith.constant dense<0.000000e+00> : vector<128xf32>
    %reduce_sum3A_27 = vector.multi_reduction <add>, %add3A_26, %reduce_sum3A [0] : vector<10000x128xf32> to vector<128xf32>
    %broadcast_in_dim3A = vector.shape_cast %reduce_sum3A_27 : vector<128xf32> to vector<1x128xf32>
    %div3A = arith.constant 1.000000e+04 : f32
    %div3A_28 = vector.broadcast %div3A : f32 to vector<1x128xf32>
    %div3A_29 = arith.divf %broadcast_in_dim3A, %div3A_28 : vector<1x128xf32>
    %mul3A_30 = arith.mulf %get3A_20, %div3A_29 : vector<1x128xf32>
    %sub3A = vector.broadcast %mul3A_30 : vector<1x128xf32> to vector<10000x128xf32>
    %sub3A_31 = arith.subf %add3A_26, %sub3A : vector<10000x128xf32>
    %mul3A_32 = arith.mulf %sub3A_31, %sub3A_31 : vector<10000x128xf32>
    %reduce_sum3A_33 = arith.constant dense<0.000000e+00> : vector<128xf32>
    %reduce_sum3A_34 = vector.multi_reduction <add>, %mul3A_32, %reduce_sum3A_33 [0] : vector<10000x128xf32> to vector<128xf32>
    %broadcast_in_dim3A_35 = vector.shape_cast %reduce_sum3A_34 : vector<128xf32> to vector<1x128xf32>
    %div3A_36 = arith.constant 1.000000e+04 : f32
    %div3A_37 = vector.broadcast %div3A_36 : f32 to vector<1x128xf32>
    %div3A_38 = arith.divf %broadcast_in_dim3A_35, %div3A_37 : vector<1x128xf32>
    %add3A_39 = arith.constant 9.99999974E-6 : f32
    %add3A_40 = vector.broadcast %add3A_39 : f32 to vector<1x128xf32>
    %add3A_41 = arith.addf %div3A_38, %add3A_40 : vector<1x128xf32>
    %rsqrt3A = math.rsqrt %add3A_41 : vector<1x128xf32>
    %mul3A_42 = vector.broadcast %rsqrt3A : vector<1x128xf32> to vector<10000x128xf32>
    %mul3A_43 = arith.mulf %sub3A_31, %mul3A_42 : vector<10000x128xf32>
    %mul3A_44 = vector.broadcast %get3A_14 : vector<1x128xf32> to vector<10000x128xf32>
    %mul3A_45 = arith.mulf %mul3A_43, %mul3A_44 : vector<10000x128xf32>
    %add3A_46 = vector.broadcast %get3A_17 : vector<1x128xf32> to vector<10000x128xf32>
    %add3A_47 = arith.addf %mul3A_45, %add3A_46 : vector<10000x128xf32>
    %max3A = arith.constant 0.000000e+00 : f32
    %max3A_48 = vector.broadcast %max3A : f32 to vector<10000x128xf32>
    %max3A_49 = arith.maximumf %add3A_47, %max3A_48 : vector<10000x128xf32>
    %mul3A_50 = vector.broadcast %get3A_8 : vector<10000x1xf32> to vector<10000x128xf32>
    %mul3A_51 = arith.mulf %mul3A_50, %max3A_49 : vector<10000x128xf32>
    %swap3A = arith.constant 0 : index
    %swap3A_52 = arith.constant 0 : index
    %swap3A_53 = vector.load %arg14[%swap3A, %swap3A_52] : memref<10000x128xf32, #tpu.memory_space<vmem>>, vector<10000x128xf32>
    tpu.vector_store %arg14[%swap3A, %swap3A_52], %mul3A_51 {strides = array<i32>} : memref<10000x128xf32, #tpu.memory_space<vmem>>, vector<10000x128xf32>,
    %get3A_54 = arith.constant 0 : index
    %get3A_55 = arith.constant 0 : index
    %get3A_56 = arith.constant 0 : index
    %get3A_57 = vector.load %arg7[%get3A_54, %get3A_55, %get3A_56] : memref<2x2048x128xf32, #tpu.memory_space<vmem>>, vector<2x2048x128xf32>
    %get3A_58 = arith.constant 0 : index
    %get3A_59 = arith.constant 0 : index
    %get3A_60 = vector.load %arg8[%get3A_58, %get3A_59] : memref<2000x128xf32, #tpu.memory_space<vmem>>, vector<2000x128xf32>
    %get3A_61 = arith.constant 0 : index
    %get3A_62 = arith.constant 0 : index
    %get3A_63 = vector.load %arg9[%get3A_61, %get3A_62] : memref<2000x1xf32, #tpu.memory_space<vmem>>, vector<2000x1xf32>
    %get3A_64 = arith.constant 0 : index
    %get3A_65 = arith.constant 0 : index
    %get3A_66 = vector.load %arg10[%get3A_64, %get3A_65] : memref<1x128xf32, #tpu.memory_space<vmem>>, vector<1x128xf32>
    %get3A_67 = arith.constant 0 : index
    %get3A_68 = arith.constant 0 : index
    %get3A_69 = vector.load %arg11[%get3A_67, %get3A_68] : memref<1x128xf32, #tpu.memory_space<vmem>>, vector<1x128xf32>
    %get3A_70 = arith.constant 0 : index
    %get3A_71 = arith.constant 0 : index
    %get3A_72 = vector.load %arg12[%get3A_70, %get3A_71] : memref<1x128xf32, #tpu.memory_space<vmem>>, vector<1x128xf32>
    %get3A_73 = arith.constant 0 : index
    %get3A_74 = arith.constant 0 : index
    %get3A_75 = vector.load %arg13[%get3A_73, %get3A_74] : memref<1x128xf32, #tpu.memory_space<vmem>>, vector<1x128xf32>
    %slice3A_76 = vector.extract_strided_slice %get3A_57 {offsets = [0, 0, 0], sizes = [1, 2000, 128], strides = [1, 1, 1]} : vector<2x2048x128xf32> to vector<1x2000x128xf32>
    %squeeze3A_77 = vector.shape_cast %slice3A_76 : vector<1x2000x128xf32> to vector<2000x128xf32>
    %slice3A_78 = vector.extract_strided_slice %get3A_57 {offsets = [1, 0, 0], sizes = [1, 2000, 128], strides = [1, 1, 1]} : vector<2x2048x128xf32> to vector<1x2000x128xf32>
    %squeeze3A_79 = vector.shape_cast %slice3A_78 : vector<1x2000x128xf32> to vector<2000x128xf32>
    %add3A_80 = arith.addf %squeeze3A_77, %squeeze3A_79 : vector<2000x128xf32>
    %add3A_81 = arith.addf %add3A_80, %get3A_60 : vector<2000x128xf32>
    %mul3A_82 = vector.broadcast %get3A_63 : vector<2000x1xf32> to vector<2000x128xf32>
    %mul3A_83 = arith.mulf %mul3A_82, %add3A_81 : vector<2000x128xf32>
    %add3A_84 = vector.broadcast %get3A_66 : vector<1x128xf32> to vector<2000x128xf32>
    %add3A_85 = arith.addf %mul3A_83, %add3A_84 : vector<2000x128xf32>
    %reduce_sum3A_86 = arith.constant dense<0.000000e+00> : vector<128xf32>
    %reduce_sum3A_87 = vector.multi_reduction <add>, %add3A_85, %reduce_sum3A_86 [0] : vector<2000x128xf32> to vector<128xf32>
    %broadcast_in_dim3A_88 = vector.shape_cast %reduce_sum3A_87 : vector<128xf32> to vector<1x128xf32>
    %div3A_89 = arith.constant 2.000000e+03 : f32
    %div3A_90 = vector.broadcast %div3A_89 : f32 to vector<1x128xf32>
    %div3A_91 = arith.divf %broadcast_in_dim3A_88, %div3A_90 : vector<1x128xf32>
    %mul3A_92 = arith.mulf %get3A_75, %div3A_91 : vector<1x128xf32>
    %sub3A_93 = vector.broadcast %mul3A_92 : vector<1x128xf32> to vector<2000x128xf32>
    %sub3A_94 = arith.subf %add3A_85, %sub3A_93 : vector<2000x128xf32>
    %mul3A_95 = arith.mulf %sub3A_94, %sub3A_94 : vector<2000x128xf32>
    %reduce_sum3A_96 = arith.constant dense<0.000000e+00> : vector<128xf32>
    %reduce_sum3A_97 = vector.multi_reduction <add>, %mul3A_95, %reduce_sum3A_96 [0] : vector<2000x128xf32> to vector<128xf32>
    %broadcast_in_dim3A_98 = vector.shape_cast %reduce_sum3A_97 : vector<128xf32> to vector<1x128xf32>
    %div3A_99 = arith.constant 2.000000e+03 : f32
    %div3A_100 = vector.broadcast %div3A_99 : f32 to vector<1x128xf32>
    %div3A_101 = arith.divf %broadcast_in_dim3A_98, %div3A_100 : vector<1x128xf32>
    %add3A_102 = arith.constant 9.99999974E-6 : f32
    %add3A_103 = vector.broadcast %add3A_102 : f32 to vector<1x128xf32>
    %add3A_104 = arith.addf %div3A_101, %add3A_103 : vector<1x128xf32>
    %rsqrt3A_105 = math.rsqrt %add3A_104 : vector<1x128xf32>
    %mul3A_106 = vector.broadcast %rsqrt3A_105 : vector<1x128xf32> to vector<2000x128xf32>
    %mul3A_107 = arith.mulf %sub3A_94, %mul3A_106 : vector<2000x128xf32>
    %mul3A_108 = vector.broadcast %get3A_69 : vector<1x128xf32> to vector<2000x128xf32>
    %mul3A_109 = arith.mulf %mul3A_107, %mul3A_108 : vector<2000x128xf32>
    %add3A_110 = vector.broadcast %get3A_72 : vector<1x128xf32> to vector<2000x128xf32>
    %add3A_111 = arith.addf %mul3A_109, %add3A_110 : vector<2000x128xf32>
    %max3A_112 = arith.constant 0.000000e+00 : f32
    %max3A_113 = vector.broadcast %max3A_112 : f32 to vector<2000x128xf32>
    %max3A_114 = arith.maximumf %add3A_111, %max3A_113 : vector<2000x128xf32>
    %mul3A_115 = vector.broadcast %get3A_63 : vector<2000x1xf32> to vector<2000x128xf32>
    %mul3A_116 = arith.mulf %mul3A_115, %max3A_114 : vector<2000x128xf32>
    %swap3A_117 = arith.constant 0 : index
    %swap3A_118 = arith.constant 0 : index
    %swap3A_119 = vector.load %arg15[%swap3A_117, %swap3A_118] : memref<2000x128xf32, #tpu.memory_space<vmem>>, vector<2000x128xf32>
    tpu.vector_store %arg15[%swap3A_117, %swap3A_118], %mul3A_116 {strides = array<i32>} : memref<2000x128xf32, #tpu.memory_space<vmem>>, vector<2000x128xf32>,
    return
  }
}

module attributes {stable_mosaic.version = 14 : i64} {
  func.func @_agg_body(%arg0: memref<2x10112x128xf32, #tpu.memory_space<vmem>>, %arg1: memref<10000x128xf32, #tpu.memory_space<vmem>>, %arg2: memref<10000x1xf32, #tpu.memory_space<vmem>>, %arg3: memref<2x2048x128xf32, #tpu.memory_space<vmem>>, %arg4: memref<2000x128xf32, #tpu.memory_space<vmem>>, %arg5: memref<2000x1xf32, #tpu.memory_space<vmem>>, %arg6: memref<10000x128xf32, #tpu.memory_space<vmem>>, %arg7: memref<2000x128xf32, #tpu.memory_space<vmem>>) attributes {dimension_semantics = [], scalar_prefetch = 0 : i64, scratch_operands = 0 : i64, tpu.core_type = #tpu.core_type<tc>} {
    %get3A = arith.constant 0 : index
    %get3A_0 = arith.constant 0 : index
    %get3A_1 = vector.load %arg2[%get3A, %get3A_0] : memref<10000x1xf32, #tpu.memory_space<vmem>>, vector<10000x1xf32>
    %get3A_2 = arith.constant 0 : index
    %get3A_3 = arith.constant 0 : index
    %get3A_4 = arith.constant 0 : index
    %get3A_5 = vector.load %arg0[%get3A_2, %get3A_3, %get3A_4] : memref<2x10112x128xf32, #tpu.memory_space<vmem>>, vector<1x10000x128xf32>
    %get3A_6 = vector.shape_cast %get3A_5 : vector<1x10000x128xf32> to vector<10000x128xf32>
    %get3A_7 = arith.constant 1 : index
    %get3A_8 = arith.constant 0 : index
    %get3A_9 = arith.constant 0 : index
    %get3A_10 = vector.load %arg0[%get3A_7, %get3A_8, %get3A_9] : memref<2x10112x128xf32, #tpu.memory_space<vmem>>, vector<1x10000x128xf32>
    %get3A_11 = vector.shape_cast %get3A_10 : vector<1x10000x128xf32> to vector<10000x128xf32>
    %add3A = arith.addf %get3A_6, %get3A_11 : vector<10000x128xf32>
    %get3A_12 = arith.constant 0 : index
    %get3A_13 = arith.constant 0 : index
    %get3A_14 = vector.load %arg1[%get3A_12, %get3A_13] : memref<10000x128xf32, #tpu.memory_space<vmem>>, vector<10000x128xf32>
    %add3A_15 = arith.addf %add3A, %get3A_14 : vector<10000x128xf32>
    %mul3A = vector.broadcast %get3A_1 : vector<10000x1xf32> to vector<10000x128xf32>
    %mul3A_16 = arith.mulf %mul3A, %add3A_15 : vector<10000x128xf32>
    %swap3A = arith.constant 0 : index
    %swap3A_17 = arith.constant 0 : index
    %swap3A_18 = vector.load %arg6[%swap3A, %swap3A_17] : memref<10000x128xf32, #tpu.memory_space<vmem>>, vector<10000x128xf32>
    tpu.vector_store %arg6[%swap3A, %swap3A_17], %mul3A_16 {strides = array<i32>} : memref<10000x128xf32, #tpu.memory_space<vmem>>, vector<10000x128xf32>,
    %get3A_19 = arith.constant 0 : index
    %get3A_20 = arith.constant 0 : index
    %get3A_21 = vector.load %arg5[%get3A_19, %get3A_20] : memref<2000x1xf32, #tpu.memory_space<vmem>>, vector<2000x1xf32>
    %get3A_22 = arith.constant 0 : index
    %get3A_23 = arith.constant 0 : index
    %get3A_24 = arith.constant 0 : index
    %get3A_25 = vector.load %arg3[%get3A_22, %get3A_23, %get3A_24] : memref<2x2048x128xf32, #tpu.memory_space<vmem>>, vector<1x2000x128xf32>
    %get3A_26 = vector.shape_cast %get3A_25 : vector<1x2000x128xf32> to vector<2000x128xf32>
    %get3A_27 = arith.constant 1 : index
    %get3A_28 = arith.constant 0 : index
    %get3A_29 = arith.constant 0 : index
    %get3A_30 = vector.load %arg3[%get3A_27, %get3A_28, %get3A_29] : memref<2x2048x128xf32, #tpu.memory_space<vmem>>, vector<1x2000x128xf32>
    %get3A_31 = vector.shape_cast %get3A_30 : vector<1x2000x128xf32> to vector<2000x128xf32>
    %add3A_32 = arith.addf %get3A_26, %get3A_31 : vector<2000x128xf32>
    %get3A_33 = arith.constant 0 : index
    %get3A_34 = arith.constant 0 : index
    %get3A_35 = vector.load %arg4[%get3A_33, %get3A_34] : memref<2000x128xf32, #tpu.memory_space<vmem>>, vector<2000x128xf32>
    %add3A_36 = arith.addf %add3A_32, %get3A_35 : vector<2000x128xf32>
    %mul3A_37 = vector.broadcast %get3A_21 : vector<2000x1xf32> to vector<2000x128xf32>
    %mul3A_38 = arith.mulf %mul3A_37, %add3A_36 : vector<2000x128xf32>
    %swap3A_39 = arith.constant 0 : index
    %swap3A_40 = arith.constant 0 : index
    %swap3A_41 = vector.load %arg7[%swap3A_39, %swap3A_40] : memref<2000x128xf32, #tpu.memory_space<vmem>>, vector<2000x128xf32>
    tpu.vector_store %arg7[%swap3A_39, %swap3A_40], %mul3A_38 {strides = array<i32>} : memref<2000x128xf32, #tpu.memory_space<vmem>>, vector<2000x128xf32>,
    return
  }
}

module attributes {stable_mosaic.version = 14 : i64} {
  func.func @_l2c_stats_body(%arg0: i32, %arg1: memref<1000x128xf32, #tpu.memory_space<vmem>>, %arg2: memref<128x2000xf32, #tpu.memory_space<vmem>>, %arg3: memref<1x2000xf32, #tpu.memory_space<vmem>>, %arg4: memref<1x2000xf32, #tpu.memory_space<vmem>>, %arg5: memref<1x2000xf32, #tpu.memory_space<vmem>>) attributes {dimension_semantics = [#tpu.dimension_semantics<arbitrary>], iteration_bounds = array<i64: 10>, scalar_prefetch = 0 : i64, scratch_operands = 0 : i64, tpu.core_type = #tpu.core_type<tc>, window_params = [{transform_indices = @transform_0, window_bounds = array<i64: 1000, 128>}, {pipeline_mode = #tpu.pipeline_mode<synchronous>, transform_indices = @transform_1, window_bounds = array<i64: 128, 2000>}, {pipeline_mode = #tpu.pipeline_mode<synchronous>, transform_indices = @transform_2, window_bounds = array<i64: 1, 2000>}, {pipeline_mode = #tpu.pipeline_mode<synchronous>, transform_indices = @transform_3, window_bounds = array<i64: 1, 2000>}, {pipeline_mode = #tpu.pipeline_mode<synchronous>, transform_indices = @transform_4, window_bounds = array<i64: 1, 2000>}]} {
    %get3A = arith.constant 0 : index
    %get3A_0 = arith.constant 0 : index
    %get3A_1 = vector.load %arg1[%get3A, %get3A_0] : memref<1000x128xf32, #tpu.memory_space<vmem>>, vector<1000x128xf32>
    %get3A_2 = arith.constant 0 : index
    %get3A_3 = arith.constant 0 : index
    %get3A_4 = vector.load %arg2[%get3A_2, %get3A_3] : memref<128x2000xf32, #tpu.memory_space<vmem>>, vector<128x2000xf32>
    %dot_general3A = arith.constant dense<0.000000e+00> : vector<1000x2000xf32>
    %dot_general3A_5 = tpu.matmul %get3A_1, %get3A_4, %dot_general3A {dimension_numbers = #tpu.dot_dimension_numbers<[1], [0], [0], [1], [0, 0, 1, 1], [], []>, transpose_lhs_hint = false} : vector<1000x128xf32>, vector<128x2000xf32>, vector<1000x2000xf32> -> vector<1000x2000xf32>
    %get3A_6 = arith.constant 0 : index
    %get3A_7 = arith.constant 0 : index
    %get3A_8 = vector.load %arg3[%get3A_6, %get3A_7] : memref<1x2000xf32, #tpu.memory_space<vmem>>, vector<1x2000xf32>
    %add3A = vector.broadcast %get3A_8 : vector<1x2000xf32> to vector<1000x2000xf32>
    %add3A_9 = arith.addf %dot_general3A_5, %add3A : vector<1000x2000xf32>
    %reduce_sum3A = arith.constant dense<0.000000e+00> : vector<2000xf32>
    %reduce_sum3A_10 = vector.multi_reduction <add>, %add3A_9, %reduce_sum3A [0] : vector<1000x2000xf32> to vector<2000xf32>
    %broadcast_in_dim3A = vector.shape_cast %reduce_sum3A_10 : vector<2000xf32> to vector<1x2000xf32>
    %mul3A = arith.mulf %add3A_9, %add3A_9 : vector<1000x2000xf32>
    %reduce_sum3A_11 = arith.constant dense<0.000000e+00> : vector<2000xf32>
    %reduce_sum3A_12 = vector.multi_reduction <add>, %mul3A, %reduce_sum3A_11 [0] : vector<1000x2000xf32> to vector<2000xf32>
    %broadcast_in_dim3A_13 = vector.shape_cast %reduce_sum3A_12 : vector<2000xf32> to vector<1x2000xf32>
    %eq3A = arith.constant 0 : i32
    %eq3A_14 = arith.cmpi eq, %arg0, %eq3A : i32
    %convert_element_type3A = arith.extui %eq3A_14 : i1 to i32
    %cond3A = arith.constant 0 : i32
    %cond3A_15 = arith.cmpi ne, %convert_element_type3A, %cond3A : i32
    scf.if %cond3A_15 {
      %swap3A = arith.constant 0 : index
      %swap3A_20 = arith.constant 0 : index
      %swap3A_21 = vector.load %arg4[%swap3A, %swap3A_20] : memref<1x2000xf32, #tpu.memory_space<vmem>>, vector<1x2000xf32>
      tpu.vector_store %arg4[%swap3A, %swap3A_20], %broadcast_in_dim3A {strides = array<i32>} : memref<1x2000xf32, #tpu.memory_space<vmem>>, vector<1x2000xf32>,
      %swap3A_22 = arith.constant 0 : index
      %swap3A_23 = arith.constant 0 : index
      %swap3A_24 = vector.load %arg5[%swap3A_22, %swap3A_23] : memref<1x2000xf32, #tpu.memory_space<vmem>>, vector<1x2000xf32>
      tpu.vector_store %arg5[%swap3A_22, %swap3A_23], %broadcast_in_dim3A_13 {strides = array<i32>} : memref<1x2000xf32, #tpu.memory_space<vmem>>, vector<1x2000xf32>,
    } else {
    }
    %gt3A = arith.constant 0 : i32
    %gt3A_16 = arith.cmpi sgt, %arg0, %gt3A : i32
    %convert_element_type3A_17 = arith.extui %gt3A_16 : i1 to i32
    %cond3A_18 = arith.constant 0 : i32
    %cond3A_19 = arith.cmpi ne, %convert_element_type3A_17, %cond3A_18 : i32
    scf.if %cond3A_19 {
      %get3A_20 = arith.constant 0 : index
      %get3A_21 = arith.constant 0 : index
      %get3A_22 = vector.load %arg4[%get3A_20, %get3A_21] : memref<1x2000xf32, #tpu.memory_space<vmem>>, vector<1x2000xf32>
      %add3A_23 = arith.addf %get3A_22, %broadcast_in_dim3A : vector<1x2000xf32>
      %swap3A = arith.constant 0 : index
      %swap3A_24 = arith.constant 0 : index
      %swap3A_25 = vector.load %arg4[%swap3A, %swap3A_24] : memref<1x2000xf32, #tpu.memory_space<vmem>>, vector<1x2000xf32>
      tpu.vector_store %arg4[%swap3A, %swap3A_24], %add3A_23 {strides = array<i32>} : memref<1x2000xf32, #tpu.memory_space<vmem>>, vector<1x2000xf32>,
      %get3A_26 = arith.constant 0 : index
      %get3A_27 = arith.constant 0 : index
      %get3A_28 = vector.load %arg5[%get3A_26, %get3A_27] : memref<1x2000xf32, #tpu.memory_space<vmem>>, vector<1x2000xf32>
      %add3A_29 = arith.addf %get3A_28, %broadcast_in_dim3A_13 : vector<1x2000xf32>
      %swap3A_30 = arith.constant 0 : index
      %swap3A_31 = arith.constant 0 : index
      %swap3A_32 = vector.load %arg5[%swap3A_30, %swap3A_31] : memref<1x2000xf32, #tpu.memory_space<vmem>>, vector<1x2000xf32>
      tpu.vector_store %arg5[%swap3A_30, %swap3A_31], %add3A_29 {strides = array<i32>} : memref<1x2000xf32, #tpu.memory_space<vmem>>, vector<1x2000xf32>,
    } else {
    }
    return
  }
  func.func @transform_0(%arg0: i32) -> (i32, i32) {
    %c0_i32 = arith.constant 0 : i32
    %c0_i32_0 = arith.constant 0 : i32
    return %arg0, %c0_i32 : i32, i32
  }
  func.func @transform_1(%arg0: i32) -> (i32, i32) {
    %c0_i32 = arith.constant 0 : i32
    %c0_i32_0 = arith.constant 0 : i32
    %c0_i32_1 = arith.constant 0 : i32
    return %c0_i32, %c0_i32_0 : i32, i32
  }
  func.func @transform_2(%arg0: i32) -> (i32, i32) {
    %c0_i32 = arith.constant 0 : i32
    %c0_i32_0 = arith.constant 0 : i32
    %c0_i32_1 = arith.constant 0 : i32
    return %c0_i32, %c0_i32_0 : i32, i32
  }
  func.func @transform_3(%arg0: i32) -> (i32, i32) {
    %c0_i32 = arith.constant 0 : i32
    %c0_i32_0 = arith.constant 0 : i32
    %c0_i32_1 = arith.constant 0 : i32
    return %c0_i32, %c0_i32_0 : i32, i32
  }
  func.func @transform_4(%arg0: i32) -> (i32, i32) {
    %c0_i32 = arith.constant 0 : i32
    %c0_i32_0 = arith.constant 0 : i32
    %c0_i32_1 = arith.constant 0 : i32
    return %c0_i32, %c0_i32_0 : i32, i32
  }
}

module attributes {stable_mosaic.version = 14 : i64} {
  func.func @_l2_fused_body(%arg0: i32, %arg1: memref<128x512xf32, #tpu.memory_space<vmem>>, %arg2: memref<2000x128xf32, #tpu.memory_space<vmem>>, %arg3: memref<512x1xf32, #tpu.memory_space<vmem>>, %arg4: memref<512x1xf32, #tpu.memory_space<vmem>>, %arg5: memref<512x1xf32, #tpu.memory_space<vmem>>, %arg6: memref<512x1xf32, #tpu.memory_space<vmem>>, %arg7: memref<512x128xf32, #tpu.memory_space<vmem>>, %arg8: memref<128x2000xf32, #tpu.memory_space<vmem>>, %arg9: memref<1x2000xf32, #tpu.memory_space<vmem>>, %arg10: memref<1x2000xf32, #tpu.memory_space<vmem>>, %arg11: memref<1x2000xf32, #tpu.memory_space<vmem>>, %arg12: memref<1x2000xf32, #tpu.memory_space<vmem>>, %arg13: memref<1x2000xf32, #tpu.memory_space<vmem>>, %arg14: memref<1x2000xf32, #tpu.memory_space<vmem>>, %arg15: memref<512x2000xf32, #tpu.memory_space<vmem>>) attributes {dimension_semantics = [#tpu.dimension_semantics<arbitrary>], iteration_bounds = array<i64: 20>, scalar_prefetch = 0 : i64, scratch_operands = 0 : i64, tpu.core_type = #tpu.core_type<tc>, window_params = [{transform_indices = @transform_0, window_bounds = array<i64: 128, 512>}, {pipeline_mode = #tpu.pipeline_mode<synchronous>, transform_indices = @transform_1, window_bounds = array<i64: 2000, 128>}, {transform_indices = @transform_2, window_bounds = array<i64: 512, 1>}, {transform_indices = @transform_3, window_bounds = array<i64: 512, 1>}, {transform_indices = @transform_4, window_bounds = array<i64: 512, 1>}, {transform_indices = @transform_5, window_bounds = array<i64: 512, 1>}, {transform_indices = @transform_6, window_bounds = array<i64: 512, 128>}, {pipeline_mode = #tpu.pipeline_mode<synchronous>, transform_indices = @transform_7, window_bounds = array<i64: 128, 2000>}, {pipeline_mode = #tpu.pipeline_mode<synchronous>, transform_indices = @transform_8, window_bounds = array<i64: 1, 2000>}, {pipeline_mode = #tpu.pipeline_mode<synchronous>, transform_indices = @transform_9, window_bounds = array<i64: 1, 2000>}, {pipeline_mode = #tpu.pipeline_mode<synchronous>, transform_indices = @transform_10, window_bounds = array<i64: 1, 2000>}, {pipeline_mode = #tpu.pipeline_mode<synchronous>, transform_indices = @transform_11, window_bounds = array<i64: 1, 2000>}, {pipeline_mode = #tpu.pipeline_mode<synchronous>, transform_indices = @transform_12, window_bounds = array<i64: 1, 2000>}, {pipeline_mode = #tpu.pipeline_mode<synchronous>, transform_indices = @transform_13, window_bounds = array<i64: 1, 2000>}, {transform_indices = @transform_14, window_bounds = array<i64: 512, 2000>}]} {
    %get3A = arith.constant 0 : index
    %get3A_0 = arith.constant 0 : index
    %get3A_1 = vector.load %arg7[%get3A, %get3A_0] : memref<512x128xf32, #tpu.memory_space<vmem>>, vector<512x128xf32>
    %get3A_2 = arith.constant 0 : index
    %get3A_3 = arith.constant 0 : index
    %get3A_4 = vector.load %arg8[%get3A_2, %get3A_3] : memref<128x2000xf32, #tpu.memory_space<vmem>>, vector<128x2000xf32>
    %dot_general3A = arith.constant dense<0.000000e+00> : vector<512x2000xf32>
    %dot_general3A_5 = tpu.matmul %get3A_1, %get3A_4, %dot_general3A {dimension_numbers = #tpu.dot_dimension_numbers<[1], [0], [0], [1], [0, 0, 1, 1], [], []>, transpose_lhs_hint = false} : vector<512x128xf32>, vector<128x2000xf32>, vector<512x2000xf32> -> vector<512x2000xf32>
    %get3A_6 = arith.constant 0 : index
    %get3A_7 = arith.constant 0 : index
    %get3A_8 = vector.load %arg9[%get3A_6, %get3A_7] : memref<1x2000xf32, #tpu.memory_space<vmem>>, vector<1x2000xf32>
    %add3A = vector.broadcast %get3A_8 : vector<1x2000xf32> to vector<512x2000xf32>
    %add3A_9 = arith.addf %dot_general3A_5, %add3A : vector<512x2000xf32>
    %get3A_10 = arith.constant 0 : index
    %get3A_11 = arith.constant 0 : index
    %get3A_12 = vector.load %arg10[%get3A_10, %get3A_11] : memref<1x2000xf32, #tpu.memory_space<vmem>>, vector<1x2000xf32>
    %mul3A = arith.constant 9.99999974E-5 : f32
    %mul3A_13 = vector.broadcast %mul3A : f32 to vector<1x2000xf32>
    %mul3A_14 = arith.mulf %get3A_12, %mul3A_13 : vector<1x2000xf32>
    %get3A_15 = arith.constant 0 : index
    %get3A_16 = arith.constant 0 : index
    %get3A_17 = vector.load %arg11[%get3A_15, %get3A_16] : memref<1x2000xf32, #tpu.memory_space<vmem>>, vector<1x2000xf32>
    %mul3A_18 = arith.constant 9.99999974E-5 : f32
    %mul3A_19 = vector.broadcast %mul3A_18 : f32 to vector<1x2000xf32>
    %mul3A_20 = arith.mulf %get3A_17, %mul3A_19 : vector<1x2000xf32>
    %get3A_21 = arith.constant 0 : index
    %get3A_22 = arith.constant 0 : index
    %get3A_23 = vector.load %arg12[%get3A_21, %get3A_22] : memref<1x2000xf32, #tpu.memory_space<vmem>>, vector<1x2000xf32>
    %mul3A_24 = arith.mulf %get3A_23, %mul3A_14 : vector<1x2000xf32>
    %mul3A_25 = arith.constant 2.000000e+00 : f32
    %mul3A_26 = vector.broadcast %mul3A_25 : f32 to vector<1x2000xf32>
    %mul3A_27 = arith.mulf %mul3A_26, %mul3A_24 : vector<1x2000xf32>
    %mul3A_28 = arith.mulf %mul3A_27, %mul3A_14 : vector<1x2000xf32>
    %sub3A = arith.subf %mul3A_20, %mul3A_28 : vector<1x2000xf32>
    %mul3A_29 = arith.mulf %mul3A_24, %mul3A_24 : vector<1x2000xf32>
    %add3A_30 = arith.addf %sub3A, %mul3A_29 : vector<1x2000xf32>
    %sub3A_31 = vector.broadcast %mul3A_24 : vector<1x2000xf32> to vector<512x2000xf32>
    %sub3A_32 = arith.subf %add3A_9, %sub3A_31 : vector<512x2000xf32>
    %add3A_33 = arith.constant 9.99999974E-6 : f32
    %add3A_34 = vector.broadcast %add3A_33 : f32 to vector<1x2000xf32>
    %add3A_35 = arith.addf %add3A_30, %add3A_34 : vector<1x2000xf32>
    %rsqrt3A = math.rsqrt %add3A_35 : vector<1x2000xf32>
    %mul3A_36 = vector.broadcast %rsqrt3A : vector<1x2000xf32> to vector<512x2000xf32>
    %mul3A_37 = arith.mulf %sub3A_32, %mul3A_36 : vector<512x2000xf32>
    %get3A_38 = arith.constant 0 : index
    %get3A_39 = arith.constant 0 : index
    %get3A_40 = vector.load %arg13[%get3A_38, %get3A_39] : memref<1x2000xf32, #tpu.memory_space<vmem>>, vector<1x2000xf32>
    %mul3A_41 = vector.broadcast %get3A_40 : vector<1x2000xf32> to vector<512x2000xf32>
    %mul3A_42 = arith.mulf %mul3A_37, %mul3A_41 : vector<512x2000xf32>
    %get3A_43 = arith.constant 0 : index
    %get3A_44 = arith.constant 0 : index
    %get3A_45 = vector.load %arg14[%get3A_43, %get3A_44] : memref<1x2000xf32, #tpu.memory_space<vmem>>, vector<1x2000xf32>
    %add3A_46 = vector.broadcast %get3A_45 : vector<1x2000xf32> to vector<512x2000xf32>
    %add3A_47 = arith.addf %mul3A_42, %add3A_46 : vector<512x2000xf32>
    %max3A = arith.constant 0.000000e+00 : f32
    %max3A_48 = vector.broadcast %max3A : f32 to vector<512x2000xf32>
    %max3A_49 = arith.maximumf %add3A_47, %max3A_48 : vector<512x2000xf32>
    %get3A_50 = arith.constant 0 : index
    %get3A_51 = arith.constant 0 : index
    %get3A_52 = vector.load %arg1[%get3A_50, %get3A_51] : memref<128x512xf32, #tpu.memory_space<vmem>>, vector<128x512xf32>
    %get3A_53 = arith.constant 0 : index
    %get3A_54 = arith.constant 0 : index
    %get3A_55 = vector.load %arg2[%get3A_53, %get3A_54] : memref<2000x128xf32, #tpu.memory_space<vmem>>, vector<2000x128xf32>
    %dot_general3A_56 = arith.constant dense<0.000000e+00> : vector<512x2000xf32>
    %dot_general3A_57 = tpu.matmul %get3A_52, %get3A_55, %dot_general3A_56 {dimension_numbers = #tpu.dot_dimension_numbers<[0], [1], [1], [0], [0, 1, 1, 0], [], []>, transpose_lhs_hint = false} : vector<128x512xf32>, vector<2000x128xf32>, vector<512x2000xf32> -> vector<512x2000xf32>
    %get3A_58 = arith.constant 0 : index
    %get3A_59 = arith.constant 0 : index
    %get3A_60 = vector.load %arg3[%get3A_58, %get3A_59] : memref<512x1xf32, #tpu.memory_space<vmem>>, vector<512x1xf32>
    %add3A_61 = vector.broadcast %get3A_60 : vector<512x1xf32> to vector<512x2000xf32>
    %add3A_62 = arith.addf %dot_general3A_57, %add3A_61 : vector<512x2000xf32>
    %reduce_sum3A = arith.constant dense<0.000000e+00> : vector<512xf32>
    %reduce_sum3A_63 = vector.multi_reduction <add>, %add3A_62, %reduce_sum3A [1] : vector<512x2000xf32> to vector<512xf32>
    %broadcast_in_dim3A = vector.shape_cast %reduce_sum3A_63 : vector<512xf32> to vector<512x1xf32>
    %div3A = arith.constant 2.000000e+03 : f32
    %div3A_64 = vector.broadcast %div3A : f32 to vector<512x1xf32>
    %div3A_65 = arith.divf %broadcast_in_dim3A, %div3A_64 : vector<512x1xf32>
    %get3A_66 = arith.constant 0 : index
    %get3A_67 = arith.constant 0 : index
    %get3A_68 = vector.load %arg4[%get3A_66, %get3A_67] : memref<512x1xf32, #tpu.memory_space<vmem>>, vector<512x1xf32>
    %mul3A_69 = arith.mulf %get3A_68, %div3A_65 : vector<512x1xf32>
    %sub3A_70 = vector.broadcast %mul3A_69 : vector<512x1xf32> to vector<512x2000xf32>
    %sub3A_71 = arith.subf %add3A_62, %sub3A_70 : vector<512x2000xf32>
    %mul3A_72 = arith.mulf %sub3A_71, %sub3A_71 : vector<512x2000xf32>
    %reduce_sum3A_73 = arith.constant dense<0.000000e+00> : vector<512xf32>
    %reduce_sum3A_74 = vector.multi_reduction <add>, %mul3A_72, %reduce_sum3A_73 [1] : vector<512x2000xf32> to vector<512xf32>
    %broadcast_in_dim3A_75 = vector.shape_cast %reduce_sum3A_74 : vector<512xf32> to vector<512x1xf32>
    %div3A_76 = arith.constant 2.000000e+03 : f32
    %div3A_77 = vector.broadcast %div3A_76 : f32 to vector<512x1xf32>
    %div3A_78 = arith.divf %broadcast_in_dim3A_75, %div3A_77 : vector<512x1xf32>
    %add3A_79 = arith.constant 9.99999974E-6 : f32
    %add3A_80 = vector.broadcast %add3A_79 : f32 to vector<512x1xf32>
    %add3A_81 = arith.addf %div3A_78, %add3A_80 : vector<512x1xf32>
    %rsqrt3A_82 = math.rsqrt %add3A_81 : vector<512x1xf32>
    %mul3A_83 = vector.broadcast %rsqrt3A_82 : vector<512x1xf32> to vector<512x2000xf32>
    %mul3A_84 = arith.mulf %sub3A_71, %mul3A_83 : vector<512x2000xf32>
    %get3A_85 = arith.constant 0 : index
    %get3A_86 = arith.constant 0 : index
    %get3A_87 = vector.load %arg5[%get3A_85, %get3A_86] : memref<512x1xf32, #tpu.memory_space<vmem>>, vector<512x1xf32>
    %mul3A_88 = vector.broadcast %get3A_87 : vector<512x1xf32> to vector<512x2000xf32>
    %mul3A_89 = arith.mulf %mul3A_84, %mul3A_88 : vector<512x2000xf32>
    %get3A_90 = arith.constant 0 : index
    %get3A_91 = arith.constant 0 : index
    %get3A_92 = vector.load %arg6[%get3A_90, %get3A_91] : memref<512x1xf32, #tpu.memory_space<vmem>>, vector<512x1xf32>
    %add3A_93 = vector.broadcast %get3A_92 : vector<512x1xf32> to vector<512x2000xf32>
    %add3A_94 = arith.addf %mul3A_89, %add3A_93 : vector<512x2000xf32>
    %max3A_95 = arith.constant 0.000000e+00 : f32
    %max3A_96 = vector.broadcast %max3A_95 : f32 to vector<512x2000xf32>
    %max3A_97 = arith.maximumf %add3A_94, %max3A_96 : vector<512x2000xf32>
    %add3A_98 = arith.addf %max3A_49, %max3A_97 : vector<512x2000xf32>
    %swap3A = arith.constant 0 : index
    %swap3A_99 = arith.constant 0 : index
    %swap3A_100 = vector.load %arg15[%swap3A, %swap3A_99] : memref<512x2000xf32, #tpu.memory_space<vmem>>, vector<512x2000xf32>
    tpu.vector_store %arg15[%swap3A, %swap3A_99], %add3A_98 {strides = array<i32>} : memref<512x2000xf32, #tpu.memory_space<vmem>>, vector<512x2000xf32>,
    return
  }
  func.func @transform_0(%arg0: i32) -> (i32, i32) {
    %c0_i32 = arith.constant 0 : i32
    %c0_i32_0 = arith.constant 0 : i32
    return %c0_i32, %arg0 : i32, i32
  }
  func.func @transform_1(%arg0: i32) -> (i32, i32) {
    %c0_i32 = arith.constant 0 : i32
    %c0_i32_0 = arith.constant 0 : i32
    %c0_i32_1 = arith.constant 0 : i32
    return %c0_i32, %c0_i32_0 : i32, i32
  }
  func.func @transform_2(%arg0: i32) -> (i32, i32) {
    %c0_i32 = arith.constant 0 : i32
    %c0_i32_0 = arith.constant 0 : i32
    return %arg0, %c0_i32 : i32, i32
  }
  func.func @transform_3(%arg0: i32) -> (i32, i32) {
    %c0_i32 = arith.constant 0 : i32
    %c0_i32_0 = arith.constant 0 : i32
    return %arg0, %c0_i32 : i32, i32
  }
  func.func @transform_4(%arg0: i32) -> (i32, i32) {
    %c0_i32 = arith.constant 0 : i32
    %c0_i32_0 = arith.constant 0 : i32
    return %arg0, %c0_i32 : i32, i32
  }
  func.func @transform_5(%arg0: i32) -> (i32, i32) {
    %c0_i32 = arith.constant 0 : i32
    %c0_i32_0 = arith.constant 0 : i32
    return %arg0, %c0_i32 : i32, i32
  }
  func.func @transform_6(%arg0: i32) -> (i32, i32) {
    %c0_i32 = arith.constant 0 : i32
    %c0_i32_0 = arith.constant 0 : i32
    return %arg0, %c0_i32 : i32, i32
  }
  func.func @transform_7(%arg0: i32) -> (i32, i32) {
    %c0_i32 = arith.constant 0 : i32
    %c0_i32_0 = arith.constant 0 : i32
    %c0_i32_1 = arith.constant 0 : i32
    return %c0_i32, %c0_i32_0 : i32, i32
  }
  func.func @transform_8(%arg0: i32) -> (i32, i32) {
    %c0_i32 = arith.constant 0 : i32
    %c0_i32_0 = arith.constant 0 : i32
    %c0_i32_1 = arith.constant 0 : i32
    return %c0_i32, %c0_i32_0 : i32, i32
  }
  func.func @transform_9(%arg0: i32) -> (i32, i32) {
    %c0_i32 = arith.constant 0 : i32
    %c0_i32_0 = arith.constant 0 : i32
    %c0_i32_1 = arith.constant 0 : i32
    return %c0_i32, %c0_i32_0 : i32, i32
  }
  func.func @transform_10(%arg0: i32) -> (i32, i32) {
    %c0_i32 = arith.constant 0 : i32
    %c0_i32_0 = arith.constant 0 : i32
    %c0_i32_1 = arith.constant 0 : i32
    return %c0_i32, %c0_i32_0 : i32, i32
  }
  func.func @transform_11(%arg0: i32) -> (i32, i32) {
    %c0_i32 = arith.constant 0 : i32
    %c0_i32_0 = arith.constant 0 : i32
    %c0_i32_1 = arith.constant 0 : i32
    return %c0_i32, %c0_i32_0 : i32, i32
  }
  func.func @transform_12(%arg0: i32) -> (i32, i32) {
    %c0_i32 = arith.constant 0 : i32
    %c0_i32_0 = arith.constant 0 : i32
    %c0_i32_1 = arith.constant 0 : i32
    return %c0_i32, %c0_i32_0 : i32, i32
  }
  func.func @transform_13(%arg0: i32) -> (i32, i32) {
    %c0_i32 = arith.constant 0 : i32
    %c0_i32_0 = arith.constant 0 : i32
    %c0_i32_1 = arith.constant 0 : i32
    return %c0_i32, %c0_i32_0 : i32, i32
  }
  func.func @transform_14(%arg0: i32) -> (i32, i32) {
    %c0_i32 = arith.constant 0 : i32
    %c0_i32_0 = arith.constant 0 : i32
    return %arg0, %c0_i32 : i32, i32
  }
}

</mosaic_0001>

<sc_bundles>
// kernel: kernel.15.cloned.1.call-start
scs
__scs_entry_jumppad:
0x0: {  	(pc) =	sbr.rel $0x88, $3  }
0x1: {  	(tag) =	ssettag $0x0;
	lr =	simm.s32 $0x1  }
0x2: {  	[smem:$0x3F83] =	sst lr;
	_ =	strace $0xD0000000  }
0x3: {  	_ = 	snop  }
0x4: {  	_ = 	snop  }
0x5: {  	_ = 	snop  }
0x6: {  	_ = 	snop  }
0x7: {  	_ = 	snop  }
__scs_overlays_trampoline_lowered:
0x8: {  	[smem:$0x3F92] =	sst s0  }
0x9: {  	[smem:$0x3F93] =	sst s1  }
0xa: {  	[smem:$0x3F94] =	sst s2  }
0xb: {  	[smem:$0x3F95] =	sst s3  }
0xc: {  	[smem:$0x3F96] =	sst s4  }
0xd: {  	[smem:$0x3F97] =	sst s5  }
0xe: {  	[smem:$0x3F98] =	sst s6  }
0xf: {  	[smem:$0x3F99] =	sst s7  }
0x10: {  	[smem:$0x3F9A] =	sst s8  }
0x11: {  	[smem:$0x3F9B] =	sst s9;
	s0 =	simm.s32 @!p0 $0x0  }
0x12: {  	s1 =	sld [smem:$0x3F81];
	s0 =	simm.s32 @p0 $0x1  }
0x13: {  	[smem:$0x3F9C] =	sst s0;
	s0 =	simm.s32 @!p1 $0x0  }
0x14: {  	s2 =	sld [smem:$0x3F80];
	s0 =	simm.s32 @p1 $0x1  }
0x15: {  	[smem:$0x3F9D] =	sst s0;
	s0 =	simm.s32 @!p2 $0x0  }
0x16: {  	s3 =	sld [smem:$0x3FDB];
	s0 =	simm.s32 @p2 $0x1  }
0x17: {  	s4 =	simm.s32 $0x1BF5;
	[smem:$0x3F9F] =	sst s0  }
0x18: {  	s0 =	sld [smem:$0x3F82];
	_ =	swait.ge [sflag:s4], $0x0  }
0x19: {  	s7 =	sld [smem:$0x3F83]  }
0x1a: {  	s8 =	sadd.s32 $0xFFFFE003, lr  }
0x1b: {  	s9 =	sadd.s32 $0xFFFFFEF7, lr;
	s5 =	simm.s32 $0xFFFFFFFF;
	p2 =	slt.u32 s8, $0xFFFFF086  }
0x1c: {  	p1 =	slt.u32 s9, $0xF7A;
	s5 =	simm.s32 @!p2 $0x0  }
0x1d: {  	s5 =	simm.s32 @p1 $0x1;
	p0 =	seq.s32 s7, s2  }
0x1e: {  	s7 =	smul.u32 @!p0 $0xF7A, s2;
	p2 =	seq.s32 @!p0 s5, $0x0  }
0x1f: {  	s9 =	smul.u32 $0xF7A, s1;
	s8 =	simm.s32 @!p0 $0x1BF5;
	p2 =	por !p2, p0  }
0x20: {  	[sflag:s8] =	ssyncset.s32 @!p0 $0xFFFFF086;
	s6 =	sadd.s32 @!p0 s3, s7;
	s7 =	simm.s32 @!p0 $0x108  }
0x21: {  	s3 =	sadd.s32 s3, s9;
	s6 =	sadd.s32 @!p0 $0x88, s6;
	s7 =	simm.s32 @p2 $0x1082  }
0x22: {  	[simem:s7], [sflag:s8] =	dma.local @!p0 [hbm:s6], $0xF7A  }
0x23: {  	s9 =	sor.u32 $0xD0000000, s2;
	s6 =	simm.s32 $0x108;
	_ =	swait.ge @!p0 [sflag:s8], $0x0  }
0x24: {  	s3 =	sadd.s32 $0x88, s3;
	s6 =	simm.s32 @!p1 $0x1082;
	[sflag:s4] =	ssyncset.s32 $0xFFFFF086  }
0x25: {  	[simem:s6], [sflag:s4] =	dma.local [hbm:s3], $0xF7A  }
0x26: {  	[smem:$0x3F83] =	sst s1;
	(tag) =	ssettag s2;
	_ =	strace s9  }
0x27: {  	s1 =	sld [smem:$0x3F93]  }
0x28: {  	s2 =	sld [smem:$0x3F94]  }
0x29: {  	s4 =	sld [smem:$0x3F96]  }
0x2a: {  	p0 =	seq.s32 s5, $0x0;
	s5 =	sld [smem:$0x3F97]  }
0x2b: {  	s6 =	sld [smem:$0x3F98]  }
0x2c: {  	s7 =	sld [smem:$0x3F99]  }
0x2d: {  	s3 =	simm.s32 $0x108;
	s8 =	sld [smem:$0x3F9A]  }
0x2e: {  	s3 =	simm.s32 @!p0 $0x1082;
	s9 =	sld [smem:$0x3F9B]  }
0x2f: {  	lr =	sadd.s32 s0, s3;
	s0 =	sld [smem:$0x3F92]  }
0x30: {  	s3 =	sld [smem:$0x3F95]  }
0x31: {  	[smem:$0x3F9E] =	sst s10  }
0x32: {  	s10 =	sld [smem:$0x3F9C];
	_ =	sdelay $0x3  }
0x33: {  	p0 =	seq.s32 s10, $0x1;
	s10 =	sld [smem:$0x3F9E];
	_ =	sdelay $0x3  }
0x34: {  	[smem:$0x3F9E] =	sst s10  }
0x35: {  	s10 =	sld [smem:$0x3F9D];
	_ =	sdelay $0x3  }
0x36: {  	p1 =	seq.s32 s10, $0x1;
	s10 =	sld [smem:$0x3F9E];
	_ =	sdelay $0x3  }
0x37: {  	[smem:$0x3F9E] =	sst s10  }
0x38: {  	s10 =	sld [smem:$0x3F9F]  }
0x39: {  	_ = 	snop;
	(pc) =	sbr.ind lr, $3  }
0x3a: {  	_ = 	snop  }
0x3b: {  	_ = 	snop  }
0x3c: {  	p2 =	seq.s32 s10, $0x1;
	s10 =	sld [smem:$0x3F9E]  }
0x3d: {  	_ =	shalt  }
0x3e: {  	_ =	shalt  }
0x3f: {  	_ =	shalt  }
0x40: {  	_ =	shalt  }
0x41: {  	_ =	shalt  }
0x42: {  	_ =	shalt  }
0x43: {  	_ =	shalt  }
0x44: {  	_ =	shalt  }
0x45: {  	_ =	shalt  }
0x46: {  	_ =	shalt  }
0x47: {  	_ =	shalt  }
0x48: {  	_ =	shalt  }
0x49: {  	_ =	shalt  }
0x4a: {  	_ =	shalt  }
0x4b: {  	_ =	shalt  }
0x4c: {  	_ =	shalt  }
0x4d: {  	_ =	shalt  }
0x4e: {  	_ =	shalt  }
0x4f: {  	_ =	shalt  }
0x50: {  	_ =	shalt  }
0x51: {  	_ =	shalt  }
0x52: {  	_ =	shalt  }
0x53: {  	_ =	shalt  }
0x54: {  	_ =	shalt  }
0x55: {  	_ =	shalt  }
0x56: {  	_ =	shalt  }
0x57: {  	_ =	shalt  }
0x58: {  	_ =	shalt  }
0x59: {  	_ =	shalt  }
0x5a: {  	_ =	shalt  }
0x5b: {  	_ =	shalt  }
0x5c: {  	_ =	shalt  }
0x5d: {  	_ =	shalt  }
0x5e: {  	_ =	shalt  }
0x5f: {  	_ =	shalt  }
0x60: {  	_ =	shalt  }
0x61: {  	_ =	shalt  }
0x62: {  	_ =	shalt  }
0x63: {  	_ =	shalt  }
0x64: {  	_ =	shalt  }
0x65: {  	_ =	shalt  }
0x66: {  	_ =	shalt  }
0x67: {  	_ =	shalt  }
0x68: {  	_ =	shalt  }
0x69: {  	_ =	shalt  }
0x6a: {  	_ =	shalt  }
0x6b: {  	_ =	shalt  }
0x6c: {  	_ =	shalt  }
0x6d: {  	_ =	shalt  }
0x6e: {  	_ =	shalt  }
0x6f: {  	_ =	shalt  }
0x70: {  	_ =	shalt  }
0x71: {  	_ =	shalt  }
0x72: {  	_ =	shalt  }
0x73: {  	_ =	shalt  }
0x74: {  	_ =	shalt  }
0x75: {  	_ =	shalt  }
0x76: {  	_ =	shalt  }
0x77: {  	_ =	shalt  }
0x78: {  	_ =	shalt  }
0x79: {  	_ =	shalt  }
0x7a: {  	_ =	shalt  }
0x7b: {  	_ =	shalt  }
0x7c: {  	_ =	shalt  }
0x7d: {  	_ =	shalt  }
0x7e: {  	_ =	shalt  }
0x7f: {  	_ =	shalt  }
0x80: {  	_ =	shalt  }
0x81: {  	_ =	shalt  }
0x82: {  	_ =	shalt  }
0x83: {  	_ =	shalt  }
0x84: {  	_ =	shalt  }
0x85: {  	_ =	shalt  }
0x86: {  	_ =	shalt  }
0x87: {  	_ =	shalt  }
.Lfunc_end0:
.L_simem_size_0:
called_computation.1_lowered:
.L_overlay_start_0:
0x88: {  	s2 =	sld [smem:$0x3FD9]  }
0x89: {  	s3 =	sld [smem:$0x3FFE];
	_ =	sdelay $0x1  }
0x8a: {  	s1 =	srdreg.scid  }
0x8b: {  	s0 =	sand.u32 $0x1, s1  }
0x8c: {  	s17 =	sshll.u32 s0, $0xA;
	s2 =	sadd.s32 s3, s2  }
0x8d: {  	s2 =	sadd.s32 s2, s17  }
0x8e: {  	[smem:$0x3FAA] =	sst s2  }
0x8f: {  	_ = 	snop  }
0x90: {  	s2 =	sld [smem:$0x3FD0];
	(tm) =	ssettm $0x1  }
0x91: {  	s18 =	sld [smem:$0x3FFB];
	_ =	sdelay $0x3  }
0x92: {  	_ =	strace s18  }
0x93: {  	s3 =	sld [smem:$0x3FFC];
	_ =	sdelay $0x3  }
0x94: {  	_ =	strace s3  }
0x95: {  	s3 =	sld [smem:$0x3FFD];
	_ =	sdelay $0x3  }
0x96: {  	_ =	strace s3  }
0x97: {  	_ =	strace $0x8FFFFFFF  }
0x98: {  	s19 =	sld [smem:$0x3FDB];
	_ =	sdelay $0x1  }
0x99: {  	s4 =	simm.s32 $_scs_section_size  }
0x9a: {  	s5 =	simm.s32 $_size__tile_overlayer_lowered;
	s6 =	simm.s32 $_tile_overlayer_lowered  }
0x9b: {  	s22 =	simm.s32 $0x1BFF;
	s21 =	sshll.u32 s6, $0x1;
	s3 =	sadd.s32 s4, s19  }
0x9c: {  	s7 =	simm.s32 $0x0;
	s20 =	sshll.u32 s5, $0x1;
	s5 =	sadd.s32 s21, s3  }
0x9d: {  	[timem:s7], [sflag:s22] =	dma.local [hbm:s5], s20  }
0x9e: {  	_ =	swait.ge [sflag:s22], s20  }
0x9f: {  	s4 =	ssub.s32 $0x0, s20;
	[sflag:s22] =	ssyncset.done $0x0  }
0xa0: {  	[sflag:s22] =	ssyncadd.s32 s4;
	_ =	sdelay $0x1  }
0xa1: {  	s23 =	simm.s32 $0x1B8B  }
0xa2: {  	_ =	swait.ge [sflag:s23], $0x1  }
0xa3: {  	[sflag:s23] =	ssyncset.done $0x0  }
0xa4: {  	s25 =	simm.s32 $0x1B8E;
	s24 =	sld [smem:$0x3FFE];
	[sflag:s23] =	ssyncadd.s32 $0xFFFFFFFF  }
0xa5: {  	s26 =	simm.s32 $execute0_lowered;
	[smem:$0x3FD2] =	sst s25  }
0xa6: {  	s5 =	sshll.u32 s26, $0x1;
	_ =	strace $0x80000049;
	[dreg:$0x1] =	wrdreg $0xFFFFFFFF  }
0xa7: {  	s28 =	simm.s32 $_size_execute0_lowered;
	s3 =	sadd.s32 s3, s5;
	[dreg:$0x0] =	wrdreg $0x0  }
0xa8: {  	s5 =	sshll.u32 s28, $0x1;
	[dreg:$0x2] =	wrdreg s3  }
0xa9: {  	[dreg:$0x3] =	wrdreg s5  }
0xaa: {  	[dreg:$0x4] =	wrdreg $0xC0  }
0xab: {  	_ =	task [dreg:s7], $0x5FFFF  }
0xac: {  	[dreg:$0x1] =	wrdreg $0xFFFFFFFF  }
0xad: {  	[dreg:$0x0] =	wrdreg $0x60  }
0xae: {  	[dreg:$0x2] =	wrdreg s24  }
0xaf: {  	[dreg:$0x3] =	wrdreg s2  }
0xb0: {  	[dreg:$0x4] =	wrdreg $0x70000  }
0xb1: {  	[dreg:$0x5] =	wrdreg $0x1AC000  }
0xb2: {  	[dreg:$0x6] =	wrdreg $0x9  }
0xb3: {  	_ =	task.clear_ibuf [dreg:s7], $0x7FFFF;
	_ =	strace $0x90000049  }
0xb4: {  	s29 =	simm.s32 $0x9;
	_ =	strace $0x8000004B  }
0xb5: {  	_ =	swait.ge [sflag:s29], $0x1  }
0xb6: {  	[sflag:s29] =	ssyncadd.s32 $0xFFFFFFFF  }
0xb7: {  	_ =	strace $0x9000004B  }
0xb8: {  	_ =	sfence  }
0xb9: {  	s30 =	sld [smem:$0x0];
	_ =	sdelay $0x2  }
0xba: {  	s31 =	sshll.u32 s1, $0xD;
	s1 =	sshrl.u32 s1, $0x2  }
0xbb: {  	s3 =	sand.u32 $0x4000, s31;
	s1 =	sadd.s32 s1, s30  }
0xbc: {  	s0 =	sor.u32 s3, s0;
	s1 =	sshll.u32 s1, $0x11  }
0xbd: {  	s0 =	sor.u32 s1, s0  }
0xbe: {  	s0 =	sadd.s32 $0x8F2B, s0  }
0xbf: {  	[sflag:s0] =	ssyncadd.remote.s32 $0x1  }
0xc0: {  	_ =	sfence.sel $0xFFFF  }
0xc1: {  	[dreg:$0x0] =	wrdreg $0xFFFFFFFF;
	(pc) =	sbr.abs _section_cstart, $3  }
0xc2: {  	[dreg:$0x1] =	wrdreg $0xFFFFFFFF  }
0xc3: {  	_ =	task.clear_ibuf [dreg:s7], $0x2FFFF;
	_ =	strace $0x9FFFFFFF  }
0xc4: {  	(tm) =	ssettm $0x7FFFFFFF  }
0xc5: {  	_ =	shalt  }
tec
execute0_lowered:
.L_overlay_start_1:
0x0: {  	(tag) =	ssettag $0x1  }
0x1: {  	s0 =	rddreg [dreg:$0x0]  }
0x2: {  	s1 =	srdreg.scid;
	s10 =	rddreg [dreg:$0x1]  }
0x3: {  	s2 =	rddreg [dreg:$0x2];
	s15 =	stileid.u32  }
0x4: {  	s3 =	rddreg [dreg:$0x3];
	s19 =	simm.s32 $0x80;
	s28 =	simm.s32 $0x2C00  }
0x5: {  	s29 =	simm.s32 $0x2C80;
	s30 =	simm.s32 $0x2D00;
	s31 =	simm.s32 $0x2D80  }
0x6: {  	s20 =	simm.s32 $0x2F00;
	s1 =	sand.u32 $0x1, s1;
	s13 =	smul.u32 $0x4F000, s15  }
0x7: {  	s7 =	sadd.s32 $0x1E600, s0;
	s11 =	sshll.u32 s15, $0xB;
	s23 =	smul.u32 $0x13C00, s15  }
0x8: {  	s24 =	sshll.u32 s15, $0xE;
	s26 =	sshll.u32 s15, $0x6;
	s4 =	sshll.u32 s1, $0x4  }
0x9: {  	s12 =	ssub.s32 $0x2, s1;
	s14 =	smul.u32 $0x13C000, s1;
	s1 =	sshll.u32 s1, $0xF  }
0xa: {  	s18 =	sadd.s32 s24, s3;
	s16 =	sor.u32 $0x1C01, s26;
	s26 =	simm.s32 $0x2B80  }
0xb: {  	s5 =	sor.u32 s15, s4;
	s4 =	simm.s32 $0x0;
	s21 =	sshrl.u32 s12, $0x1  }
0xc: {  	s22 =	sshrl.u32 s13, $0x2;
	s15 =	simm.s32 $0x3000;
	s18 =	sshrl.u32 s18, $0x3  }
0xd: {  	s6 =	smul.u32 $0x500, s5;
	[smem:$0x7FF] =	sst s4;
	s5 =	sshll.u32 s5, $0x8  }
0xe: {  	s12 =	ssub.s32 s12, s21;
	s17 =	sadd.s32 s22, s2;
	s13 =	sadd.s32 s23, s14  }
0xf: {  	s14 =	simm.s32 $0x2800;
	s21 =	simm.s32 $0x2F80;
	s22 =	simm.s32 $0x0  }
0x10: {  	_ =	strace $0x8000004A;
	s9 =	sadd.s32 s5, s0;
	s5 =	sadd.s32 $0x1EE00, s0  }
0x11: {  	s25 =	sshrl.u32 s13, $0x3;
	s12 =	smax.u32 s12, $0x1;
	s13 =	simm.s32 $0x1  }
0x12: {  	s17 =	sshrl.u32 s17, $0x3;
	s8 =	sadd.s32 s6, s0;
	s6 =	sadd.s32 $0x1F600, s0  }
0x13: {  	s0 =	sadd.s32 s11, s0;
	s9 =	sadd.s32 $0x6600, s9;
	s10 =	sadd.s32 s10, s25  }
0x14: {  	s25 =	simm.s32 $0x2B00;
	s8 =	sadd.s32 $0xA600, s8;
	s0 =	sadd.s32 s1, s0  }
0x15: {  	s1 =	simm.s32 $0x2E00;
	s11 =	sadd.s32 $0x21E00, s0;
	s0 =	simm.s32 $0x2E80  }
.LBB2_1:
0x16: {  	[tilespmem:s4], [sflag:$0x1] =	stream.linear.gather [hbm4b:s8+s4], $0x2800, $0x38;
	[tilespmem:$0x1EC00] =	vst v63  }
0x17: {  	_ =	swait.ge [sflag:s13], $0x2800  }
0x18: {  	[sflag:s13] =	ssyncset.done $0x0  }
0x19: {  	[sflag:s13] =	ssyncadd.s32 $0xFFFFD800  }
0x1a: {  	[tilespmem:s14], [sflag:$0x1] =	stream.linear.gather [hbm4b:s9+s4], $0x800, $0x38;
	[tilespmem:$0x1EC00] =	vst v63  }
0x1b: {  	_ =	swait.ge [sflag:s13], $0x800  }
0x1c: {  	[sflag:s13] =	ssyncset.done $0x0  }
0x1d: {  	[sflag:s13] =	ssyncadd.s32 $0xFFFFF800  }
0x1e: {  	[tilespmem:s15], [sflag:$0x1] =	stream.linear.gather [hbm4b:s5+s4], $0x4000, $0x38;
	[tilespmem:$0x1EC00] =	vst v63  }
0x1f: {  	_ =	swait.ge [sflag:s13], $0x4000  }
0x20: {  	[sflag:s13] =	ssyncset.done $0x0  }
0x21: {  	[sflag:s13] =	ssyncadd.s32 $0xFFFFC000  }
0x22: {  	[spmem:s17], [sflag:s16] =	dma.local [hbm:s6], $0x2780  }
0x23: {  	_ =	swait.ge [sflag:s13], $0x2780  }
0x24: {  	[sflag:s13] =	ssyncset.done $0x0  }
0x25: {  	[sflag:s13] =	ssyncadd.s32 $0xFFFFD880  }
0x26: {  	[spmem:s18], [sflag:s16] =	dma.local [hbm:s7], $0x800  }
0x27: {  	_ =	swait.ge [sflag:s13], $0x800  }
0x28: {  	[sflag:s13] =	ssyncset.done $0x0  }
0x29: {  	[sflag:s13] =	ssyncadd.s32 $0xFFFFF800  }
0x2a: {  	s23 =	simm.s32 $0x0;
	[bflag:$0x0] =	sbarrier.arrive $0xFFFF  }
0x2b: {  	[spmem:s2] =	stream.indirect.scatter.add.f32 [tilespmem:s15], [sflag:$0x1], $0x80, s23, s19, $0xb8;
	[tilespmem:$0x1EC00] =	vst v63  }
0x2c: {  	_ =	swait.ge [sflag:s13], $0x4000  }
0x2d: {  	s23 =	simm.s32 $0x200;
	[sflag:s13] =	ssyncset.done $0x0  }
.LBB2_2:
0x2e: {  	s24 =	sshra.s32 s23, $0x2;
	[sflag:s13] =	ssyncadd.s32 $0xFFFFC000;
	p0 =	sne.s32 s23, $0x9E00  }
0x2f: {  	[spmem:s2] =	stream.indirect.scatter.add.f32 [tilespmem:s15], [sflag:$0x1], $0x80, s24, s19, $0xb8;
	[tilespmem:$0x1EC00] =	vst v63  }
.Ltmp0:
0x30: {  	_ = 	snop;
	(pc) =	sbr.rel @p0 .LBB2_2-.Ltmp0, $4  }
0x31: {  	_ = 	snop  }
0x32: {  	s23 =	sadd.s32 $0x200, s23  }
0x33: {  	_ =	swait.ge [sflag:s13], $0x4000  }
0x34: {  	[sflag:s13] =	ssyncset.done $0x0  }
0x35: {  	[sflag:s13] =	ssyncadd.s32 $0xFFFFC000  }
0x36: {  	[spmem:s3] =	stream.indirect.scatter.add.f32 [tilespmem:s15], [sflag:$0x1], $0x80, s14, s19, $0xb8;
	[tilespmem:$0x1EC00] =	vst v63  }
0x37: {  	_ =	swait.ge [sflag:s13], $0x4000  }
0x38: {  	[sflag:s13] =	ssyncset.done $0x0  }
0x39: {  	s23 =	simm.s32 $0x2880;
	[sflag:s13] =	ssyncadd.s32 $0xFFFFC000  }
0x3a: {  	[spmem:s3] =	stream.indirect.scatter.add.f32 [tilespmem:s15], [sflag:$0x1], $0x80, s23, s19, $0xb8;
	[tilespmem:$0x1EC00] =	vst v63  }
0x3b: {  	_ =	swait.ge [sflag:s13], $0x4000  }
0x3c: {  	[sflag:s13] =	ssyncset.done $0x0  }
0x3d: {  	s24 =	simm.s32 $0x2900;
	[sflag:s13] =	ssyncadd.s32 $0xFFFFC000  }
0x3e: {  	[spmem:s3] =	stream.indirect.scatter.add.f32 [tilespmem:s15], [sflag:$0x1], $0x80, s24, s19, $0xb8;
	[tilespmem:$0x1EC00] =	vst v63  }
0x3f: {  	_ =	swait.ge [sflag:s13], $0x4000  }
0x40: {  	[sflag:s13] =	ssyncset.done $0x0  }
0x41: {  	s24 =	simm.s32 $0x2980;
	[sflag:s13] =	ssyncadd.s32 $0xFFFFC000  }
0x42: {  	[spmem:s3] =	stream.indirect.scatter.add.f32 [tilespmem:s15], [sflag:$0x1], $0x80, s24, s19, $0xb8;
	[tilespmem:$0x1EC00] =	vst v63  }
0x43: {  	_ =	swait.ge [sflag:s13], $0x4000  }
0x44: {  	[sflag:s13] =	ssyncset.done $0x0  }
0x45: {  	s24 =	simm.s32 $0x2A00;
	[sflag:s13] =	ssyncadd.s32 $0xFFFFC000  }
0x46: {  	[spmem:s3] =	stream.indirect.scatter.add.f32 [tilespmem:s15], [sflag:$0x1], $0x80, s24, s19, $0xb8;
	[tilespmem:$0x1EC00] =	vst v63  }
0x47: {  	_ =	swait.ge [sflag:s13], $0x4000  }
0x48: {  	[sflag:s13] =	ssyncset.done $0x0  }
0x49: {  	s24 =	simm.s32 $0x2A80;
	[sflag:s13] =	ssyncadd.s32 $0xFFFFC000  }
0x4a: {  	[spmem:s3] =	stream.indirect.scatter.add.f32 [tilespmem:s15], [sflag:$0x1], $0x80, s24, s19, $0xb8;
	[tilespmem:$0x1EC00] =	vst v63  }
0x4b: {  	_ =	swait.ge [sflag:s13], $0x4000  }
0x4c: {  	[sflag:s13] =	ssyncset.done $0x0  }
0x4d: {  	[sflag:s13] =	ssyncadd.s32 $0xFFFFC000  }
0x4e: {  	[spmem:s3] =	stream.indirect.scatter.add.f32 [tilespmem:s15], [sflag:$0x1], $0x80, s25, s19, $0xb8;
	[tilespmem:$0x1EC00] =	vst v63  }
0x4f: {  	_ =	swait.ge [sflag:s13], $0x4000  }
0x50: {  	[sflag:s13] =	ssyncset.done $0x0  }
0x51: {  	[sflag:s13] =	ssyncadd.s32 $0xFFFFC000  }
0x52: {  	[spmem:s3] =	stream.indirect.scatter.add.f32 [tilespmem:s15], [sflag:$0x1], $0x80, s26, s19, $0xb8;
	[tilespmem:$0x1EC00] =	vst v63  }
0x53: {  	_ =	swait.ge [sflag:s13], $0x4000  }
0x54: {  	[sflag:s13] =	ssyncset.done $0x0  }
0x55: {  	[sflag:s13] =	ssyncadd.s32 $0xFFFFC000  }
0x56: {  	[spmem:s3] =	stream.indirect.scatter.add.f32 [tilespmem:s15], [sflag:$0x1], $0x80, s28, s19, $0xb8;
	[tilespmem:$0x1EC00] =	vst v63  }
0x57: {  	_ =	swait.ge [sflag:s13], $0x4000  }
0x58: {  	[sflag:s13] =	ssyncset.done $0x0  }
0x59: {  	[sflag:s13] =	ssyncadd.s32 $0xFFFFC000  }
0x5a: {  	[spmem:s3] =	stream.indirect.scatter.add.f32 [tilespmem:s15], [sflag:$0x1], $0x80, s29, s19, $0xb8;
	[tilespmem:$0x1EC00] =	vst v63  }
0x5b: {  	_ =	swait.ge [sflag:s13], $0x4000  }
0x5c: {  	[sflag:s13] =	ssyncset.done $0x0  }
0x5d: {  	[sflag:s13] =	ssyncadd.s32 $0xFFFFC000  }
0x5e: {  	[spmem:s3] =	stream.indirect.scatter.add.f32 [tilespmem:s15], [sflag:$0x1], $0x80, s30, s19, $0xb8;
	[tilespmem:$0x1EC00] =	vst v63  }
0x5f: {  	_ =	swait.ge [sflag:s13], $0x4000  }
0x60: {  	[sflag:s13] =	ssyncset.done $0x0  }
0x61: {  	[sflag:s13] =	ssyncadd.s32 $0xFFFFC000  }
0x62: {  	[spmem:s3] =	stream.indirect.scatter.add.f32 [tilespmem:s15], [sflag:$0x1], $0x80, s31, s19, $0xb8;
	[tilespmem:$0x1EC00] =	vst v63  }
0x63: {  	_ =	swait.ge [sflag:s13], $0x4000  }
0x64: {  	[sflag:s13] =	ssyncset.done $0x0  }
0x65: {  	[sflag:s13] =	ssyncadd.s32 $0xFFFFC000  }
0x66: {  	[spmem:s3] =	stream.indirect.scatter.add.f32 [tilespmem:s15], [sflag:$0x1], $0x80, s1, s19, $0xb8;
	[tilespmem:$0x1EC00] =	vst v63  }
0x67: {  	_ =	swait.ge [sflag:s13], $0x4000  }
0x68: {  	[sflag:s13] =	ssyncset.done $0x0  }
0x69: {  	[sflag:s13] =	ssyncadd.s32 $0xFFFFC000  }
0x6a: {  	[spmem:s3] =	stream.indirect.scatter.add.f32 [tilespmem:s15], [sflag:$0x1], $0x80, s0, s19, $0xb8;
	[tilespmem:$0x1EC00] =	vst v63  }
0x6b: {  	_ =	swait.ge [sflag:s13], $0x4000  }
0x6c: {  	[sflag:s13] =	ssyncset.done $0x0  }
0x6d: {  	[sflag:s13] =	ssyncadd.s32 $0xFFFFC000  }
0x6e: {  	[spmem:s3] =	stream.indirect.scatter.add.f32 [tilespmem:s15], [sflag:$0x1], $0x80, s20, s19, $0xb8;
	[tilespmem:$0x1EC00] =	vst v63  }
0x6f: {  	_ =	swait.ge [sflag:s13], $0x4000  }
0x70: {  	[sflag:s13] =	ssyncset.done $0x0  }
0x71: {  	[sflag:s13] =	ssyncadd.s32 $0xFFFFC000  }
0x72: {  	[spmem:s3] =	stream.indirect.scatter.add.f32 [tilespmem:s15], [sflag:$0x1], $0x80, s21, s19, $0xb8;
	[tilespmem:$0x1EC00] =	vst v63  }
0x73: {  	_ =	swait.ge [sflag:s13], $0x4000  }
0x74: {  	[sflag:s13] =	ssyncset.done $0x0  }
0x75: {  	[sflag:s13] =	ssyncadd.s32 $0xFFFFC000  }
0x76: {  	[bflag:$0x0] =	sbarrier.arrive $0xFFFF  }
0x77: {  	[hbm:s10], [sflag:s16] =	dma.local [spmem:s17], $0x2780  }
0x78: {  	s22 =	sadd.s32 $0x1, s22;
	_ =	swait.ge [sflag:s13], $0x2780  }
0x79: {  	p0 =	sne.s32 s22, s12;
	[sflag:s13] =	ssyncset.done $0x0  }
.Ltmp1:
0x7a: {  	[sflag:s13] =	ssyncadd.s32 $0xFFFFD880;
	(pc) =	sbr.rel @p0 .LBB2_1-.Ltmp1, $4  }
0x7b: {  	[hbm:s11], [sflag:s16] =	dma.local [spmem:s18], $0x800  }
0x7c: {  	_ =	swait.ge [sflag:s13], $0x800  }
0x7d: {  	[sflag:s13] =	ssyncset.done $0x0  }
0x7e: {  	[sflag:s13] =	ssyncadd.s32 $0xFFFFF800  }
0x7f: {  	_ =	sfence.sel $0x180000  }
0x80: {  	[bflag:$0x0] =	sbarrier.arrive $0xFFFF  }
0x81: {  	_ =	strace $0x9000004A  }
0x82: {  	s0 =	stileid.u32;
	[bflag:$0x2] =	sbarrier.arrive $0xFFFF  }
0x83: {  	p0 =	sne.s32 s0, $0x0;
	s0 =	rddreg [dreg:$0x4]  }
0x84: {  	s0 =	sadd.s32 @!p0 $0x100000, s0  }
0x85: {  	[sflag:s0] =	ssyncadd.tile.s32 @!p0 $0x1;
	_ =	shalt  }
.Lfunc_end2:
_tile_overlayer_lowered:
.L_overlay_start_2:
0x86: {  	(tag) =	ssettag $0x2  }
0x87: {  	s0 =	rddreg [dreg:$0x0];
	s2 =	stileid.u32  }
0x88: {  	s1 =	rddreg [dreg:$0x1];
	p0 =	sne.s32 s2, $0x0  }
0x89: {  	s3 =	rddreg [dreg:$0x2];
	[bflag:$0x3] =	sbarrier.arrive $0xFFFF;
	s2 =	simm.s32 @!p0 $0x1C01  }
0x8a: {  	[timem:s3], [sflag:s2] =	dma.local @!p0 [hbm:s0], s1  }
0x8b: {  	s0 =	simm.s32 @!p0 $0x1  }
0x8c: {  	_ =	swait.ge @!p0 [sflag:s0], s1  }
0x8d: {  	s1 =	ssub.s32 @!p0 $0x0, s1;
	[sflag:s0] =	ssyncset.done @!p0 $0x0  }
0x8e: {  	[sflag:s0] =	ssyncadd.s32 @!p0 s1  }
0x8f: {  	[bflag:$0x3] =	sbarrier.arrive $0xFFFF  }
0x90: {  	_ =	shalt  }

// kernel: kernel.18.cloned.1.call-start
scs
__scs_entry_jumppad:
0x0: {  	(pc) =	sbr.rel $0x88, $3  }
0x1: {  	(tag) =	ssettag $0x0;
	lr =	simm.s32 $0x1  }
0x2: {  	[smem:$0x3F83] =	sst lr;
	_ =	strace $0xD0000000  }
0x3: {  	_ = 	snop  }
0x4: {  	_ = 	snop  }
0x5: {  	_ = 	snop  }
0x6: {  	_ = 	snop  }
0x7: {  	_ = 	snop  }
__scs_overlays_trampoline_lowered:
0x8: {  	[smem:$0x3F92] =	sst s0  }
0x9: {  	[smem:$0x3F93] =	sst s1  }
0xa: {  	[smem:$0x3F94] =	sst s2  }
0xb: {  	[smem:$0x3F95] =	sst s3  }
0xc: {  	[smem:$0x3F96] =	sst s4  }
0xd: {  	[smem:$0x3F97] =	sst s5  }
0xe: {  	[smem:$0x3F98] =	sst s6  }
0xf: {  	[smem:$0x3F99] =	sst s7  }
0x10: {  	[smem:$0x3F9A] =	sst s8  }
0x11: {  	[smem:$0x3F9B] =	sst s9;
	s0 =	simm.s32 @!p0 $0x0  }
0x12: {  	s1 =	sld [smem:$0x3F81];
	s0 =	simm.s32 @p0 $0x1  }
0x13: {  	[smem:$0x3F9C] =	sst s0;
	s0 =	simm.s32 @!p1 $0x0  }
0x14: {  	s2 =	sld [smem:$0x3F80];
	s0 =	simm.s32 @p1 $0x1  }
0x15: {  	[smem:$0x3F9D] =	sst s0;
	s0 =	simm.s32 @!p2 $0x0  }
0x16: {  	s3 =	sld [smem:$0x3FDB];
	s0 =	simm.s32 @p2 $0x1  }
0x17: {  	s4 =	simm.s32 $0x1BF5;
	[smem:$0x3F9F] =	sst s0  }
0x18: {  	s0 =	sld [smem:$0x3F82];
	_ =	swait.ge [sflag:s4], $0x0  }
0x19: {  	s7 =	sld [smem:$0x3F83]  }
0x1a: {  	s8 =	sadd.s32 $0xFFFFE003, lr  }
0x1b: {  	s9 =	sadd.s32 $0xFFFFFEF7, lr;
	s5 =	simm.s32 $0xFFFFFFFF;
	p2 =	slt.u32 s8, $0xFFFFF086  }
0x1c: {  	p1 =	slt.u32 s9, $0xF7A;
	s5 =	simm.s32 @!p2 $0x0  }
0x1d: {  	s5 =	simm.s32 @p1 $0x1;
	p0 =	seq.s32 s7, s2  }
0x1e: {  	s7 =	smul.u32 @!p0 $0xF7A, s2;
	p2 =	seq.s32 @!p0 s5, $0x0  }
0x1f: {  	s9 =	smul.u32 $0xF7A, s1;
	s8 =	simm.s32 @!p0 $0x1BF5;
	p2 =	por !p2, p0  }
0x20: {  	[sflag:s8] =	ssyncset.s32 @!p0 $0xFFFFF086;
	s6 =	sadd.s32 @!p0 s3, s7;
	s7 =	simm.s32 @!p0 $0x108  }
0x21: {  	s3 =	sadd.s32 s3, s9;
	s6 =	sadd.s32 @!p0 $0x88, s6;
	s7 =	simm.s32 @p2 $0x1082  }
0x22: {  	[simem:s7], [sflag:s8] =	dma.local @!p0 [hbm:s6], $0xF7A  }
0x23: {  	s9 =	sor.u32 $0xD0000000, s2;
	s6 =	simm.s32 $0x108;
	_ =	swait.ge @!p0 [sflag:s8], $0x0  }
0x24: {  	s3 =	sadd.s32 $0x88, s3;
	s6 =	simm.s32 @!p1 $0x1082;
	[sflag:s4] =	ssyncset.s32 $0xFFFFF086  }
0x25: {  	[simem:s6], [sflag:s4] =	dma.local [hbm:s3], $0xF7A  }
0x26: {  	[smem:$0x3F83] =	sst s1;
	(tag) =	ssettag s2;
	_ =	strace s9  }
0x27: {  	s1 =	sld [smem:$0x3F93]  }
0x28: {  	s2 =	sld [smem:$0x3F94]  }
0x29: {  	s4 =	sld [smem:$0x3F96]  }
0x2a: {  	p0 =	seq.s32 s5, $0x0;
	s5 =	sld [smem:$0x3F97]  }
0x2b: {  	s6 =	sld [smem:$0x3F98]  }
0x2c: {  	s7 =	sld [smem:$0x3F99]  }
0x2d: {  	s3 =	simm.s32 $0x108;
	s8 =	sld [smem:$0x3F9A]  }
0x2e: {  	s3 =	simm.s32 @!p0 $0x1082;
	s9 =	sld [smem:$0x3F9B]  }
0x2f: {  	lr =	sadd.s32 s0, s3;
	s0 =	sld [smem:$0x3F92]  }
0x30: {  	s3 =	sld [smem:$0x3F95]  }
0x31: {  	[smem:$0x3F9E] =	sst s10  }
0x32: {  	s10 =	sld [smem:$0x3F9C];
	_ =	sdelay $0x3  }
0x33: {  	p0 =	seq.s32 s10, $0x1;
	s10 =	sld [smem:$0x3F9E];
	_ =	sdelay $0x3  }
0x34: {  	[smem:$0x3F9E] =	sst s10  }
0x35: {  	s10 =	sld [smem:$0x3F9D];
	_ =	sdelay $0x3  }
0x36: {  	p1 =	seq.s32 s10, $0x1;
	s10 =	sld [smem:$0x3F9E];
	_ =	sdelay $0x3  }
0x37: {  	[smem:$0x3F9E] =	sst s10  }
0x38: {  	s10 =	sld [smem:$0x3F9F]  }
0x39: {  	_ = 	snop;
	(pc) =	sbr.ind lr, $3  }
0x3a: {  	_ = 	snop  }
0x3b: {  	_ = 	snop  }
0x3c: {  	p2 =	seq.s32 s10, $0x1;
	s10 =	sld [smem:$0x3F9E]  }
0x3d: {  	_ =	shalt  }
0x3e: {  	_ =	shalt  }
0x3f: {  	_ =	shalt  }
0x40: {  	_ =	shalt  }
0x41: {  	_ =	shalt  }
0x42: {  	_ =	shalt  }
0x43: {  	_ =	shalt  }
0x44: {  	_ =	shalt  }
0x45: {  	_ =	shalt  }
0x46: {  	_ =	shalt  }
0x47: {  	_ =	shalt  }
0x48: {  	_ =	shalt  }
0x49: {  	_ =	shalt  }
0x4a: {  	_ =	shalt  }
0x4b: {  	_ =	shalt  }
0x4c: {  	_ =	shalt  }
0x4d: {  	_ =	shalt  }
0x4e: {  	_ =	shalt  }
0x4f: {  	_ =	shalt  }
0x50: {  	_ =	shalt  }
0x51: {  	_ =	shalt  }
0x52: {  	_ =	shalt  }
0x53: {  	_ =	shalt  }
0x54: {  	_ =	shalt  }
0x55: {  	_ =	shalt  }
0x56: {  	_ =	shalt  }
0x57: {  	_ =	shalt  }
0x58: {  	_ =	shalt  }
0x59: {  	_ =	shalt  }
0x5a: {  	_ =	shalt  }
0x5b: {  	_ =	shalt  }
0x5c: {  	_ =	shalt  }
0x5d: {  	_ =	shalt  }
0x5e: {  	_ =	shalt  }
0x5f: {  	_ =	shalt  }
0x60: {  	_ =	shalt  }
0x61: {  	_ =	shalt  }
0x62: {  	_ =	shalt  }
0x63: {  	_ =	shalt  }
0x64: {  	_ =	shalt  }
0x65: {  	_ =	shalt  }
0x66: {  	_ =	shalt  }
0x67: {  	_ =	shalt  }
0x68: {  	_ =	shalt  }
0x69: {  	_ =	shalt  }
0x6a: {  	_ =	shalt  }
0x6b: {  	_ =	shalt  }
0x6c: {  	_ =	shalt  }
0x6d: {  	_ =	shalt  }
0x6e: {  	_ =	shalt  }
0x6f: {  	_ =	shalt  }
0x70: {  	_ =	shalt  }
0x71: {  	_ =	shalt  }
0x72: {  	_ =	shalt  }
0x73: {  	_ =	shalt  }
0x74: {  	_ =	shalt  }
0x75: {  	_ =	shalt  }
0x76: {  	_ =	shalt  }
0x77: {  	_ =	shalt  }
0x78: {  	_ =	shalt  }
0x79: {  	_ =	shalt  }
0x7a: {  	_ =	shalt  }
0x7b: {  	_ =	shalt  }
0x7c: {  	_ =	shalt  }
0x7d: {  	_ =	shalt  }
0x7e: {  	_ =	shalt  }
0x7f: {  	_ =	shalt  }
0x80: {  	_ =	shalt  }
0x81: {  	_ =	shalt  }
0x82: {  	_ =	shalt  }
0x83: {  	_ =	shalt  }
0x84: {  	_ =	shalt  }
0x85: {  	_ =	shalt  }
0x86: {  	_ =	shalt  }
0x87: {  	_ =	shalt  }
.Lfunc_end0:
.L_simem_size_0:
called_computation.2_lowered:
.L_overlay_start_0:
0x88: {  	s2 =	sld [smem:$0x3FD9]  }
0x89: {  	s3 =	sld [smem:$0x3FFE];
	_ =	sdelay $0x1  }
0x8a: {  	s1 =	srdreg.scid  }
0x8b: {  	s0 =	sand.u32 $0x1, s1  }
0x8c: {  	s17 =	sshll.u32 s0, $0xA;
	s2 =	sadd.s32 s3, s2  }
0x8d: {  	s2 =	sadd.s32 s2, s17  }
0x8e: {  	[smem:$0x3FAA] =	sst s2  }
0x8f: {  	_ = 	snop  }
0x90: {  	s18 =	sld [smem:$0x3FD0];
	(tm) =	ssettm $0x1  }
0x91: {  	s19 =	sld [smem:$0x3FFB];
	_ =	sdelay $0x3  }
0x92: {  	_ =	strace s19  }
0x93: {  	s2 =	sld [smem:$0x3FFC];
	_ =	sdelay $0x3  }
0x94: {  	_ =	strace s2  }
0x95: {  	s2 =	sld [smem:$0x3FFD];
	_ =	sdelay $0x3  }
0x96: {  	_ =	strace s2  }
0x97: {  	_ =	strace $0x8FFFFFFF  }
0x98: {  	s20 =	sld [smem:$0x3FDB];
	_ =	sdelay $0x1  }
0x99: {  	s4 =	simm.s32 $_scs_section_size  }
0x9a: {  	s5 =	simm.s32 $_size__tile_overlayer_lowered;
	s6 =	simm.s32 $_tile_overlayer_lowered  }
0x9b: {  	s7 =	simm.s32 $0x1BFF;
	s21 =	sshll.u32 s6, $0x1;
	s4 =	sadd.s32 s4, s20  }
0x9c: {  	s22 =	simm.s32 $0x0;
	s5 =	sshll.u32 s5, $0x1;
	s6 =	sadd.s32 s21, s4  }
0x9d: {  	[timem:s22], [sflag:s7] =	dma.local [hbm:s6], s5  }
0x9e: {  	_ =	swait.ge [sflag:s7], s5  }
0x9f: {  	s5 =	ssub.s32 $0x0, s5;
	[sflag:s7] =	ssyncset.done $0x0  }
0xa0: {  	[sflag:s7] =	ssyncadd.s32 s5;
	_ =	sdelay $0x1  }
0xa1: {  	s23 =	simm.s32 $0x1B8B  }
0xa2: {  	_ =	swait.ge [sflag:s23], $0x1  }
0xa3: {  	[sflag:s23] =	ssyncset.done $0x0  }
0xa4: {  	[sflag:s23] =	ssyncadd.s32 $0xFFFFFFFF  }
0xa5: {  	s5 =	sld [smem:$0x0]  }
0xa6: {  	s6 =	sand.u32 $0xFFFFFFFE, s1  }
0xa7: {  	p0 =	sne.s32 s1, s6  }
0xa8: {  	s6 =	sshll.u32 @p0 s6, $0xE  }
0xa9: {  	s6 =	sadd.s32 @p0 $0x11B8D, s6;
	s7 =	sshll.u32 @p0 s5, $0x11  }
0xaa: {  	s6 =	sor.u32 @p0 s7, s6  }
0xab: {  	[sflag:s6] =	ssyncadd.remote.s32 @p0 $0x1;
	_ =	sdelay $0x1  }
0xac: {  	s6 =	simm.s32 @p0 $0x1B8D  }
0xad: {  	_ =	swait.eq @p0 [sflag:s6], $0x1  }
0xae: {  	[sflag:s6] =	ssyncadd.s32 @p0 $0xFFFFFFFF  }
0xaf: {  	s7 =	sshll.u32 @!p0 s1, $0xE  }
0xb0: {  	s7 =	sor.u32 @!p0 $0x4000, s7;
	s6 =	simm.s32 @!p0 $0x1B8D  }
0xb1: {  	s5 =	sshll.u32 @!p0 s5, $0x11;
	s7 =	sadd.s32 @!p0 $0x11B8D, s7;
	_ =	swait.eq @!p0 [sflag:s6], $0x1  }
0xb2: {  	s5 =	sor.u32 @!p0 s5, s7;
	[sflag:s6] =	ssyncadd.s32 @!p0 $0xFFFFFFFF  }
0xb3: {  	s25 =	simm.s32 $0x1B8E;
	s24 =	sld [smem:$0x3FFE];
	[sflag:s5] =	ssyncadd.remote.s32 @!p0 $0x1  }
0xb4: {  	s26 =	simm.s32 $execute0_lowered;
	[smem:$0x3FD2] =	sst s25  }
0xb5: {  	s6 =	sshll.u32 s26, $0x1;
	_ =	strace $0x8000004F;
	[dreg:$0x1] =	wrdreg $0xFFFFFFFF  }
0xb6: {  	s28 =	simm.s32 $_size_execute0_lowered;
	s4 =	sadd.s32 s4, s6;
	[dreg:$0x0] =	wrdreg $0x0  }
0xb7: {  	s6 =	sshll.u32 s28, $0x1;
	[dreg:$0x2] =	wrdreg s4  }
0xb8: {  	[dreg:$0x3] =	wrdreg s6  }
0xb9: {  	[dreg:$0x4] =	wrdreg $0xC0  }
0xba: {  	_ =	task [dreg:s22], $0x5FFFF  }
0xbb: {  	[dreg:$0x1] =	wrdreg $0xFFFFFFFF  }
0xbc: {  	[dreg:$0x0] =	wrdreg $0x60  }
0xbd: {  	[dreg:$0x2] =	wrdreg s24  }
0xbe: {  	[dreg:$0x3] =	wrdreg s18  }
0xbf: {  	[dreg:$0x4] =	wrdreg $0x90000  }
0xc0: {  	[dreg:$0x5] =	wrdreg $0x9  }
0xc1: {  	_ =	task.clear_ibuf [dreg:s22], $0x6FFFF;
	_ =	strace $0x9000004F  }
0xc2: {  	s29 =	simm.s32 $0x9;
	_ =	strace $0x80000051  }
0xc3: {  	_ =	swait.ge [sflag:s29], $0x1  }
0xc4: {  	[sflag:s29] =	ssyncadd.s32 $0xFFFFFFFF  }
0xc5: {  	_ =	strace $0x90000051  }
0xc6: {  	_ =	sfence  }
0xc7: {  	s30 =	sld [smem:$0x0];
	_ =	sdelay $0x2  }
0xc8: {  	s31 =	sshll.u32 s1, $0xD;
	s1 =	sshrl.u32 s1, $0x2  }
0xc9: {  	s4 =	sand.u32 $0x4000, s31;
	s1 =	sadd.s32 s1, s30  }
0xca: {  	s0 =	sor.u32 s4, s0;
	s1 =	sshll.u32 s1, $0x11  }
0xcb: {  	s0 =	sor.u32 s1, s0  }
0xcc: {  	s0 =	sadd.s32 $0x8F2B, s0  }
0xcd: {  	[sflag:s0] =	ssyncadd.remote.s32 $0x1  }
0xce: {  	_ =	sfence.sel $0xFFFF  }
0xcf: {  	[dreg:$0x0] =	wrdreg $0xFFFFFFFF;
	(pc) =	sbr.abs _section_cstart, $3  }
0xd0: {  	[dreg:$0x1] =	wrdreg $0xFFFFFFFF  }
0xd1: {  	_ =	task.clear_ibuf [dreg:s22], $0x2FFFF;
	_ =	strace $0x9FFFFFFF  }
0xd2: {  	(tm) =	ssettm $0x7FFFFFFF  }
0xd3: {  	_ =	shalt  }
tec
execute0_lowered:
.L_overlay_start_1:
0x0: {  	(tag) =	ssettag $0x1  }
0x1: {  	s5 =	rddreg [dreg:$0x0]  }
0x2: {  	s0 =	srdreg.scid;
	s8 =	rddreg [dreg:$0x1]  }
0x3: {  	s2 =	rddreg [dreg:$0x2];
	s1 =	stileid.u32  }
0x4: {  	s3 =	simm.s32 $0x0;
	s14 =	simm.s32 $0x80;
	s15 =	simm.s32 $0x5000  }
0x5: {  	s6 =	sand.u32 $0x1, s0;
	s0 =	rddreg [dreg:$0x3];
	s10 =	smul.u32 $0x13C00, s1  }
0x6: {  	s16 =	simm.s32 $0x0;
	[smem:$0x7FF] =	sst s3;
	s12 =	smul.u32 $0x4F000, s1  }
0x7: {  	s31 =	sshll.u32 s1, $0x6;
	s4 =	sshll.u32 s6, $0x4;
	_ =	strace $0x80000050  }
0x8: {  	s9 =	smul.u32 $0x13C000, s6;
	s6 =	ssub.s32 $0x2, s6;
	s4 =	sor.u32 s1, s4  }
0x9: {  	s11 =	sshrl.u32 s6, $0x1;
	s30 =	sshrl.u32 s12, $0x2;
	s12 =	sor.u32 $0x1C01, s31  }
0xa: {  	s7 =	smul.u32 $0x500, s4;
	s4 =	sadd.s32 $0x29C00, s5;
	s11 =	ssub.s32 s6, s11  }
0xb: {  	s9 =	sadd.s32 s10, s9;
	s13 =	sadd.s32 s30, s2;
	s10 =	simm.s32 $0x1  }
0xc: {  	s9 =	sshrl.u32 s9, $0x3;
	s13 =	sshrl.u32 s13, $0x3;
	s7 =	sadd.s32 s7, s5  }
0xd: {  	s5 =	sadd.s32 $0x1F600, s5;
	s8 =	sadd.s32 s8, s9;
	s9 =	smax.u32 s11, $0x1  }
0xe: {  	s11 =	simm.s32 $0x2800;
	s6 =	sadd.s32 $0x14600, s7;
	s7 =	sadd.s32 $0xA600, s7  }
.LBB2_1:
0xf: {  	[tilespmem:s3], [sflag:$0x1] =	stream.linear.gather [hbm4b:s6+s3], $0x2800, $0x38;
	[tilespmem:$0x1CC00] =	vst v63  }
0x10: {  	_ =	swait.ge [sflag:s10], $0x2800  }
0x11: {  	[sflag:s10] =	ssyncset.done $0x0  }
0x12: {  	[sflag:s10] =	ssyncadd.s32 $0xFFFFD800  }
0x13: {  	[tilespmem:s11], [sflag:$0x1] =	stream.linear.gather [hbm4b:s7+s3], $0x2800, $0x38;
	[tilespmem:$0x1CC00] =	vst v63  }
0x14: {  	_ =	swait.ge [sflag:s10], $0x2800  }
0x15: {  	[sflag:s10] =	ssyncset.done $0x0  }
0x16: {  	[sflag:s10] =	ssyncadd.s32 $0xFFFFD800  }
0x17: {  	[spmem:s13], [sflag:s12] =	dma.local [hbm:s5], $0x2780  }
0x18: {  	_ =	swait.ge [sflag:s10], $0x2780  }
0x19: {  	[sflag:s10] =	ssyncset.done $0x0  }
0x1a: {  	[sflag:s10] =	ssyncadd.s32 $0xFFFFD880  }
0x1b: {  	s17 =	simm.s32 $0x0;
	[bflag:$0x0] =	sbarrier.arrive $0xFFFF  }
0x1c: {  	[tilespmem:s15], [sflag:$0x1] =	stream.indirect.gather [hbm4b:s4+s14], $0x80, s17, s14, $0xb8;
	[tilespmem:$0x1CC00] =	vst v63  }
0x1d: {  	_ =	swait.ge [sflag:s10], $0x4000  }
0x1e: {  	[sflag:s10] =	ssyncset.done $0x0  }
0x1f: {  	s31 =	simm.s32 $0x2800;
	[sflag:s10] =	ssyncadd.s32 $0xFFFFC000  }
0x20: {  	[spmem:s2] =	stream.indirect.scatter.add.f32 [tilespmem:s15], [sflag:$0x1], $0x80, s31, s14, $0xb8;
	[tilespmem:$0x1CC00] =	vst v63  }
0x21: {  	_ =	swait.ge [sflag:s10], $0x4000  }
0x22: {  	s18 =	simm.s32 $0x400;
	s17 =	simm.s32 $0x200;
	[sflag:s10] =	ssyncset.done $0x0  }
.LBB2_2:
0x23: {  	s19 =	sshra.s32 s17, $0x2  }
0x24: {  	[sflag:s10] =	ssyncadd.s32 $0xFFFFC000;
	s17 =	smov.u32 s18;
	s20 =	sadd.s32 $0x200, s18  }
0x25: {  	[tilespmem:s15], [sflag:$0x1] =	stream.indirect.gather [hbm4b:s4+s14], $0x80, s19, s14, $0xb8;
	[tilespmem:$0x1CC00] =	vst v63  }
0x26: {  	p0 =	sne.s32 s18, $0x9E00;
	_ =	swait.ge [sflag:s10], $0x4000  }
.Ltmp0:
0x27: {  	[sflag:s10] =	ssyncset.done $0x0;
	(pc) =	sbr.rel @p0 .LBB2_2-.Ltmp0, $4  }
0x28: {  	s18 =	sadd.s32 $0x2800, s19;
	[sflag:s10] =	ssyncadd.s32 $0xFFFFC000  }
0x29: {  	[spmem:s2] =	stream.indirect.scatter.add.f32 [tilespmem:s15], [sflag:$0x1], $0x80, s18, s14, $0xb8;
	[tilespmem:$0x1CC00] =	vst v63  }
0x2a: {  	_ =	swait.ge [sflag:s10], $0x4000  }
0x2b: {  	s18 =	smov.u32 s20;
	[sflag:s10] =	ssyncset.done $0x0  }
0x2c: {  	s17 =	sshra.s32 s17, $0x2;
	[sflag:s10] =	ssyncadd.s32 $0xFFFFC000  }
0x2d: {  	[tilespmem:s15], [sflag:$0x1] =	stream.indirect.gather [hbm4b:s4+s14], $0x80, s17, s14, $0xb8;
	[tilespmem:$0x1CC00] =	vst v63  }
0x2e: {  	_ =	swait.ge [sflag:s10], $0x4000  }
0x2f: {  	[sflag:s10] =	ssyncset.done $0x0  }
0x30: {  	s17 =	sadd.s32 $0x2800, s17;
	[sflag:s10] =	ssyncadd.s32 $0xFFFFC000  }
0x31: {  	[spmem:s2] =	stream.indirect.scatter.add.f32 [tilespmem:s15], [sflag:$0x1], $0x80, s17, s14, $0xb8;
	[tilespmem:$0x1CC00] =	vst v63  }
0x32: {  	_ =	swait.ge [sflag:s10], $0x4000  }
0x33: {  	s16 =	sadd.s32 $0x1, s16;
	[sflag:s10] =	ssyncset.done $0x0  }
0x34: {  	p0 =	sne.s32 s16, s9;
	[sflag:s10] =	ssyncadd.s32 $0xFFFFC000  }
.Ltmp1:
0x35: {  	[bflag:$0x0] =	sbarrier.arrive $0xFFFF;
	(pc) =	sbr.rel @p0 .LBB2_1-.Ltmp1, $4  }
0x36: {  	[hbm:s8], [sflag:s12] =	dma.local [spmem:s13], $0x2780  }
0x37: {  	_ =	swait.ge [sflag:s10], $0x2780  }
0x38: {  	[sflag:s10] =	ssyncset.done $0x0  }
0x39: {  	[sflag:s10] =	ssyncadd.s32 $0xFFFFD880  }
0x3a: {  	_ =	sfence.sel $0x180000  }
0x3b: {  	[bflag:$0x0] =	sbarrier.arrive $0xFFFF  }
0x3c: {  	p0 =	sne.s32 s1, $0x0;
	_ =	strace $0x90000050  }
0x3d: {  	s0 =	sadd.s32 @!p0 $0x100000, s0;
	[bflag:$0x2] =	sbarrier.arrive $0xFFFF  }
0x3e: {  	[sflag:s0] =	ssyncadd.tile.s32 @!p0 $0x1;
	_ =	shalt  }
.Lfunc_end2:
_tile_overlayer_lowered:
.L_overlay_start_2:
0x3f: {  	(tag) =	ssettag $0x2  }
0x40: {  	s0 =	rddreg [dreg:$0x0];
	s2 =	stileid.u32  }
0x41: {  	s1 =	rddreg [dreg:$0x1];
	p0 =	sne.s32 s2, $0x0  }
0x42: {  	s3 =	rddreg [dreg:$0x2];
	[bflag:$0x3] =	sbarrier.arrive $0xFFFF;
	s2 =	simm.s32 @!p0 $0x1C01  }
0x43: {  	[timem:s3], [sflag:s2] =	dma.local @!p0 [hbm:s0], s1  }
0x44: {  	s0 =	simm.s32 @!p0 $0x1  }
0x45: {  	_ =	swait.ge @!p0 [sflag:s0], s1  }
0x46: {  	s1 =	ssub.s32 @!p0 $0x0, s1;
	[sflag:s0] =	ssyncset.done @!p0 $0x0  }
0x47: {  	[sflag:s0] =	ssyncadd.s32 @!p0 s1  }
0x48: {  	[bflag:$0x3] =	sbarrier.arrive $0xFFFF  }
0x49: {  	_ =	shalt  }

// kernel: kernel.21.cloned.1.call-start
scs
__scs_entry_jumppad:
0x0: {  	(pc) =	sbr.rel $0x88, $3  }
0x1: {  	(tag) =	ssettag $0x0;
	lr =	simm.s32 $0x1  }
0x2: {  	[smem:$0x3F83] =	sst lr;
	_ =	strace $0xD0000000  }
0x3: {  	_ = 	snop  }
0x4: {  	_ = 	snop  }
0x5: {  	_ = 	snop  }
0x6: {  	_ = 	snop  }
0x7: {  	_ = 	snop  }
__scs_overlays_trampoline_lowered:
0x8: {  	[smem:$0x3F92] =	sst s0  }
0x9: {  	[smem:$0x3F93] =	sst s1  }
0xa: {  	[smem:$0x3F94] =	sst s2  }
0xb: {  	[smem:$0x3F95] =	sst s3  }
0xc: {  	[smem:$0x3F96] =	sst s4  }
0xd: {  	[smem:$0x3F97] =	sst s5  }
0xe: {  	[smem:$0x3F98] =	sst s6  }
0xf: {  	[smem:$0x3F99] =	sst s7  }
0x10: {  	[smem:$0x3F9A] =	sst s8  }
0x11: {  	[smem:$0x3F9B] =	sst s9;
	s0 =	simm.s32 @!p0 $0x0  }
0x12: {  	s1 =	sld [smem:$0x3F81];
	s0 =	simm.s32 @p0 $0x1  }
0x13: {  	[smem:$0x3F9C] =	sst s0;
	s0 =	simm.s32 @!p1 $0x0  }
0x14: {  	s2 =	sld [smem:$0x3F80];
	s0 =	simm.s32 @p1 $0x1  }
0x15: {  	[smem:$0x3F9D] =	sst s0;
	s0 =	simm.s32 @!p2 $0x0  }
0x16: {  	s3 =	sld [smem:$0x3FDB];
	s0 =	simm.s32 @p2 $0x1  }
0x17: {  	s4 =	simm.s32 $0x1BF5;
	[smem:$0x3F9F] =	sst s0  }
0x18: {  	s0 =	sld [smem:$0x3F82];
	_ =	swait.ge [sflag:s4], $0x0  }
0x19: {  	s7 =	sld [smem:$0x3F83]  }
0x1a: {  	s8 =	sadd.s32 $0xFFFFE003, lr  }
0x1b: {  	s9 =	sadd.s32 $0xFFFFFEF7, lr;
	s5 =	simm.s32 $0xFFFFFFFF;
	p2 =	slt.u32 s8, $0xFFFFF086  }
0x1c: {  	p1 =	slt.u32 s9, $0xF7A;
	s5 =	simm.s32 @!p2 $0x0  }
0x1d: {  	s5 =	simm.s32 @p1 $0x1;
	p0 =	seq.s32 s7, s2  }
0x1e: {  	s7 =	smul.u32 @!p0 $0xF7A, s2;
	p2 =	seq.s32 @!p0 s5, $0x0  }
0x1f: {  	s9 =	smul.u32 $0xF7A, s1;
	s8 =	simm.s32 @!p0 $0x1BF5;
	p2 =	por !p2, p0  }
0x20: {  	[sflag:s8] =	ssyncset.s32 @!p0 $0xFFFFF086;
	s6 =	sadd.s32 @!p0 s3, s7;
	s7 =	simm.s32 @!p0 $0x108  }
0x21: {  	s3 =	sadd.s32 s3, s9;
	s6 =	sadd.s32 @!p0 $0x88, s6;
	s7 =	simm.s32 @p2 $0x1082  }
0x22: {  	[simem:s7], [sflag:s8] =	dma.local @!p0 [hbm:s6], $0xF7A  }
0x23: {  	s9 =	sor.u32 $0xD0000000, s2;
	s6 =	simm.s32 $0x108;
	_ =	swait.ge @!p0 [sflag:s8], $0x0  }
0x24: {  	s3 =	sadd.s32 $0x88, s3;
	s6 =	simm.s32 @!p1 $0x1082;
	[sflag:s4] =	ssyncset.s32 $0xFFFFF086  }
0x25: {  	[simem:s6], [sflag:s4] =	dma.local [hbm:s3], $0xF7A  }
0x26: {  	[smem:$0x3F83] =	sst s1;
	(tag) =	ssettag s2;
	_ =	strace s9  }
0x27: {  	s1 =	sld [smem:$0x3F93]  }
0x28: {  	s2 =	sld [smem:$0x3F94]  }
0x29: {  	s4 =	sld [smem:$0x3F96]  }
0x2a: {  	p0 =	seq.s32 s5, $0x0;
	s5 =	sld [smem:$0x3F97]  }
0x2b: {  	s6 =	sld [smem:$0x3F98]  }
0x2c: {  	s7 =	sld [smem:$0x3F99]  }
0x2d: {  	s3 =	simm.s32 $0x108;
	s8 =	sld [smem:$0x3F9A]  }
0x2e: {  	s3 =	simm.s32 @!p0 $0x1082;
	s9 =	sld [smem:$0x3F9B]  }
0x2f: {  	lr =	sadd.s32 s0, s3;
	s0 =	sld [smem:$0x3F92]  }
0x30: {  	s3 =	sld [smem:$0x3F95]  }
0x31: {  	[smem:$0x3F9E] =	sst s10  }
0x32: {  	s10 =	sld [smem:$0x3F9C];
	_ =	sdelay $0x3  }
0x33: {  	p0 =	seq.s32 s10, $0x1;
	s10 =	sld [smem:$0x3F9E];
	_ =	sdelay $0x3  }
0x34: {  	[smem:$0x3F9E] =	sst s10  }
0x35: {  	s10 =	sld [smem:$0x3F9D];
	_ =	sdelay $0x3  }
0x36: {  	p1 =	seq.s32 s10, $0x1;
	s10 =	sld [smem:$0x3F9E];
	_ =	sdelay $0x3  }
0x37: {  	[smem:$0x3F9E] =	sst s10  }
0x38: {  	s10 =	sld [smem:$0x3F9F]  }
0x39: {  	_ = 	snop;
	(pc) =	sbr.ind lr, $3  }
0x3a: {  	_ = 	snop  }
0x3b: {  	_ = 	snop  }
0x3c: {  	p2 =	seq.s32 s10, $0x1;
	s10 =	sld [smem:$0x3F9E]  }
0x3d: {  	_ =	shalt  }
0x3e: {  	_ =	shalt  }
0x3f: {  	_ =	shalt  }
0x40: {  	_ =	shalt  }
0x41: {  	_ =	shalt  }
0x42: {  	_ =	shalt  }
0x43: {  	_ =	shalt  }
0x44: {  	_ =	shalt  }
0x45: {  	_ =	shalt  }
0x46: {  	_ =	shalt  }
0x47: {  	_ =	shalt  }
0x48: {  	_ =	shalt  }
0x49: {  	_ =	shalt  }
0x4a: {  	_ =	shalt  }
0x4b: {  	_ =	shalt  }
0x4c: {  	_ =	shalt  }
0x4d: {  	_ =	shalt  }
0x4e: {  	_ =	shalt  }
0x4f: {  	_ =	shalt  }
0x50: {  	_ =	shalt  }
0x51: {  	_ =	shalt  }
0x52: {  	_ =	shalt  }
0x53: {  	_ =	shalt  }
0x54: {  	_ =	shalt  }
0x55: {  	_ =	shalt  }
0x56: {  	_ =	shalt  }
0x57: {  	_ =	shalt  }
0x58: {  	_ =	shalt  }
0x59: {  	_ =	shalt  }
0x5a: {  	_ =	shalt  }
0x5b: {  	_ =	shalt  }
0x5c: {  	_ =	shalt  }
0x5d: {  	_ =	shalt  }
0x5e: {  	_ =	shalt  }
0x5f: {  	_ =	shalt  }
0x60: {  	_ =	shalt  }
0x61: {  	_ =	shalt  }
0x62: {  	_ =	shalt  }
0x63: {  	_ =	shalt  }
0x64: {  	_ =	shalt  }
0x65: {  	_ =	shalt  }
0x66: {  	_ =	shalt  }
0x67: {  	_ =	shalt  }
0x68: {  	_ =	shalt  }
0x69: {  	_ =	shalt  }
0x6a: {  	_ =	shalt  }
0x6b: {  	_ =	shalt  }
0x6c: {  	_ =	shalt  }
0x6d: {  	_ =	shalt  }
0x6e: {  	_ =	shalt  }
0x6f: {  	_ =	shalt  }
0x70: {  	_ =	shalt  }
0x71: {  	_ =	shalt  }
0x72: {  	_ =	shalt  }
0x73: {  	_ =	shalt  }
0x74: {  	_ =	shalt  }
0x75: {  	_ =	shalt  }
0x76: {  	_ =	shalt  }
0x77: {  	_ =	shalt  }
0x78: {  	_ =	shalt  }
0x79: {  	_ =	shalt  }
0x7a: {  	_ =	shalt  }
0x7b: {  	_ =	shalt  }
0x7c: {  	_ =	shalt  }
0x7d: {  	_ =	shalt  }
0x7e: {  	_ =	shalt  }
0x7f: {  	_ =	shalt  }
0x80: {  	_ =	shalt  }
0x81: {  	_ =	shalt  }
0x82: {  	_ =	shalt  }
0x83: {  	_ =	shalt  }
0x84: {  	_ =	shalt  }
0x85: {  	_ =	shalt  }
0x86: {  	_ =	shalt  }
0x87: {  	_ =	shalt  }
.Lfunc_end0:
.L_simem_size_0:
called_computation.3_lowered:
.L_overlay_start_0:
0x88: {  	s2 =	sld [smem:$0x3FD9]  }
0x89: {  	s3 =	sld [smem:$0x3FFE];
	_ =	sdelay $0x1  }
0x8a: {  	s1 =	srdreg.scid  }
0x8b: {  	s0 =	sand.u32 $0x1, s1  }
0x8c: {  	s16 =	sshll.u32 s0, $0xA;
	s2 =	sadd.s32 s3, s2  }
0x8d: {  	s2 =	sadd.s32 s2, s16  }
0x8e: {  	[smem:$0x3FAA] =	sst s2  }
0x8f: {  	_ = 	snop  }
0x90: {  	(tm) =	ssettm $0x1  }
0x91: {  	s17 =	sld [smem:$0x3FFB];
	_ =	sdelay $0x3  }
0x92: {  	_ =	strace s17  }
0x93: {  	s2 =	sld [smem:$0x3FFC];
	_ =	sdelay $0x3  }
0x94: {  	_ =	strace s2  }
0x95: {  	s2 =	sld [smem:$0x3FFD];
	_ =	sdelay $0x3  }
0x96: {  	_ =	strace s2  }
0x97: {  	_ =	strace $0x8FFFFFFF  }
0x98: {  	s18 =	sld [smem:$0x3FDB];
	_ =	sdelay $0x1  }
0x99: {  	s19 =	simm.s32 $_scs_section_size  }
0x9a: {  	s4 =	simm.s32 $_size__tile_overlayer_lowered;
	s5 =	simm.s32 $_tile_overlayer_lowered  }
0x9b: {  	s22 =	simm.s32 $0x1BFF;
	s21 =	sshll.u32 s5, $0x1;
	s2 =	sadd.s32 s19, s18  }
0x9c: {  	s6 =	simm.s32 $0x0;
	s20 =	sshll.u32 s4, $0x1;
	s4 =	sadd.s32 s21, s2  }
0x9d: {  	[timem:s6], [sflag:s22] =	dma.local [hbm:s4], s20  }
0x9e: {  	_ =	swait.ge [sflag:s22], s20  }
0x9f: {  	s3 =	ssub.s32 $0x0, s20;
	[sflag:s22] =	ssyncset.done $0x0  }
0xa0: {  	[sflag:s22] =	ssyncadd.s32 s3;
	_ =	sdelay $0x1  }
0xa1: {  	s23 =	simm.s32 $0x1B8B  }
0xa2: {  	_ =	swait.ge [sflag:s23], $0x1  }
0xa3: {  	[sflag:s23] =	ssyncset.done $0x0  }
0xa4: {  	s25 =	simm.s32 $0x1B8E;
	s24 =	sld [smem:$0x3FFE];
	[sflag:s23] =	ssyncadd.s32 $0xFFFFFFFF  }
0xa5: {  	s26 =	simm.s32 $execute0_lowered;
	[smem:$0x3FD2] =	sst s25  }
0xa6: {  	s4 =	sshll.u32 s26, $0x1;
	_ =	strace $0x8000004C;
	[dreg:$0x1] =	wrdreg $0xFFFFFFFF  }
0xa7: {  	s28 =	simm.s32 $_size_execute0_lowered;
	s2 =	sadd.s32 s2, s4;
	[dreg:$0x0] =	wrdreg $0x0  }
0xa8: {  	s4 =	sshll.u32 s28, $0x1;
	[dreg:$0x2] =	wrdreg s2  }
0xa9: {  	[dreg:$0x3] =	wrdreg s4  }
0xaa: {  	[dreg:$0x4] =	wrdreg $0xC0  }
0xab: {  	_ =	task [dreg:s6], $0x5FFFF  }
0xac: {  	[dreg:$0x1] =	wrdreg $0xFFFFFFFF  }
0xad: {  	[dreg:$0x0] =	wrdreg $0x60  }
0xae: {  	[dreg:$0x2] =	wrdreg s24  }
0xaf: {  	[dreg:$0x3] =	wrdreg $0x50000  }
0xb0: {  	[dreg:$0x4] =	wrdreg $0xA  }
0xb1: {  	_ =	task.clear_ibuf [dreg:s6], $0x5FFFF;
	_ =	strace $0x9000004C  }
0xb2: {  	s29 =	simm.s32 $0xA;
	_ =	strace $0x8000004E  }
0xb3: {  	_ =	swait.ge [sflag:s29], $0x1  }
0xb4: {  	[sflag:s29] =	ssyncadd.s32 $0xFFFFFFFF  }
0xb5: {  	_ =	strace $0x9000004E  }
0xb6: {  	_ =	sfence  }
0xb7: {  	s30 =	sld [smem:$0x0];
	_ =	sdelay $0x2  }
0xb8: {  	s31 =	sshll.u32 s1, $0xD;
	s1 =	sshrl.u32 s1, $0x2  }
0xb9: {  	s3 =	sand.u32 $0x4000, s31;
	s1 =	sadd.s32 s1, s30  }
0xba: {  	s0 =	sor.u32 s3, s0;
	s1 =	sshll.u32 s1, $0x11  }
0xbb: {  	s0 =	sor.u32 s1, s0  }
0xbc: {  	s0 =	sadd.s32 $0x8F2B, s0  }
0xbd: {  	[sflag:s0] =	ssyncadd.remote.s32 $0x1  }
0xbe: {  	_ =	sfence.sel $0xFFFF  }
0xbf: {  	[dreg:$0x0] =	wrdreg $0xFFFFFFFF;
	(pc) =	sbr.abs _section_cstart, $3  }
0xc0: {  	[dreg:$0x1] =	wrdreg $0xFFFFFFFF  }
0xc1: {  	_ =	task.clear_ibuf [dreg:s6], $0x2FFFF;
	_ =	strace $0x9FFFFFFF  }
0xc2: {  	(tm) =	ssettm $0x7FFFFFFF  }
0xc3: {  	_ =	shalt  }
tec
execute0_lowered:
.L_overlay_start_1:
0x0: {  	(tag) =	ssettag $0x1  }
0x1: {  	s6 =	rddreg [dreg:$0x0]  }
0x2: {  	s2 =	rddreg [dreg:$0x1]  }
0x3: {  	s0 =	rddreg [dreg:$0x2]  }
0x4: {  	s4 =	srdreg.scid;
	s3 =	simm.s32 $0x0;
	s1 =	stileid.u32  }
0x5: {  	s14 =	simm.s32 $0x80;
	s15 =	simm.s32 $0x1000;
	s16 =	simm.s32 $0x0  }
0x6: {  	s7 =	sand.u32 $0x1, s4;
	[smem:$0x7FF] =	sst s3;
	s5 =	sshll.u32 s1, $0x8  }
0x7: {  	s10 =	sshll.u32 s1, $0xB;
	s31 =	sshll.u32 s1, $0xE;
	s12 =	sshll.u32 s1, $0x6  }
0x8: {  	s4 =	sshll.u32 s7, $0xC;
	_ =	strace $0x8000004D;
	s9 =	ssub.s32 $0x2, s7  }
0x9: {  	s10 =	sadd.s32 s10, s6;
	s7 =	sshll.u32 s7, $0xF;
	s13 =	sadd.s32 s31, s2  }
0xa: {  	s12 =	sor.u32 $0x1C01, s12;
	s5 =	sor.u32 s5, s4;
	s4 =	sadd.s32 $0x21E00, s6  }
0xb: {  	s11 =	sshrl.u32 s9, $0x1;
	s10 =	sadd.s32 s7, s10;
	s13 =	sshrl.u32 s13, $0x3  }
0xc: {  	s8 =	sadd.s32 s5, s6;
	s5 =	sadd.s32 $0x1E600, s6;
	s9 =	ssub.s32 s9, s11  }
0xd: {  	s11 =	simm.s32 $0x800;
	s6 =	sadd.s32 $0x8600, s8;
	s7 =	sadd.s32 $0x6600, s8  }
0xe: {  	s8 =	sadd.s32 $0x50E00, s10;
	s9 =	smax.u32 s9, $0x1;
	s10 =	simm.s32 $0x1  }
.LBB2_1:
0xf: {  	[tilespmem:s3], [sflag:$0x1] =	stream.linear.gather [hbm4b:s6+s3], $0x800, $0x38;
	[tilespmem:$0x9000] =	vst v63  }
0x10: {  	_ =	swait.ge [sflag:s10], $0x800  }
0x11: {  	[sflag:s10] =	ssyncset.done $0x0  }
0x12: {  	[sflag:s10] =	ssyncadd.s32 $0xFFFFF800  }
0x13: {  	[tilespmem:s11], [sflag:$0x1] =	stream.linear.gather [hbm4b:s7+s3], $0x800, $0x38;
	[tilespmem:$0x9000] =	vst v63  }
0x14: {  	_ =	swait.ge [sflag:s10], $0x800  }
0x15: {  	[sflag:s10] =	ssyncset.done $0x0  }
0x16: {  	[sflag:s10] =	ssyncadd.s32 $0xFFFFF800  }
0x17: {  	[spmem:s13], [sflag:s12] =	dma.local [hbm:s5], $0x800  }
0x18: {  	_ =	swait.ge [sflag:s10], $0x800  }
0x19: {  	[sflag:s10] =	ssyncset.done $0x0  }
0x1a: {  	[sflag:s10] =	ssyncadd.s32 $0xFFFFF800  }
0x1b: {  	s17 =	simm.s32 $0x0;
	[bflag:$0x0] =	sbarrier.arrive $0xFFFF  }
0x1c: {  	[tilespmem:s15], [sflag:$0x1] =	stream.indirect.gather [hbm4b:s4+s14], $0x80, s17, s14, $0xb8;
	[tilespmem:$0x9000] =	vst v63  }
0x1d: {  	_ =	swait.ge [sflag:s10], $0x4000  }
0x1e: {  	[sflag:s10] =	ssyncset.done $0x0  }
0x1f: {  	s31 =	simm.s32 $0x800;
	[sflag:s10] =	ssyncadd.s32 $0xFFFFC000  }
0x20: {  	[spmem:s2] =	stream.indirect.scatter.add.f32 [tilespmem:s15], [sflag:$0x1], $0x80, s31, s14, $0xb8;
	[tilespmem:$0x9000] =	vst v63  }
0x21: {  	_ =	swait.ge [sflag:s10], $0x4000  }
0x22: {  	s18 =	simm.s32 $0x400;
	s17 =	simm.s32 $0x200;
	[sflag:s10] =	ssyncset.done $0x0  }
.LBB2_2:
0x23: {  	s19 =	sshra.s32 s17, $0x2  }
0x24: {  	[sflag:s10] =	ssyncadd.s32 $0xFFFFC000;
	s17 =	smov.u32 s18;
	s20 =	sadd.s32 $0x200, s18  }
0x25: {  	[tilespmem:s15], [sflag:$0x1] =	stream.indirect.gather [hbm4b:s4+s14], $0x80, s19, s14, $0xb8;
	[tilespmem:$0x9000] =	vst v63  }
0x26: {  	p0 =	sne.s32 s18, $0x1E00;
	_ =	swait.ge [sflag:s10], $0x4000  }
.Ltmp0:
0x27: {  	[sflag:s10] =	ssyncset.done $0x0;
	(pc) =	sbr.rel @p0 .LBB2_2-.Ltmp0, $4  }
0x28: {  	s18 =	sadd.s32 $0x800, s19;
	[sflag:s10] =	ssyncadd.s32 $0xFFFFC000  }
0x29: {  	[spmem:s2] =	stream.indirect.scatter.add.f32 [tilespmem:s15], [sflag:$0x1], $0x80, s18, s14, $0xb8;
	[tilespmem:$0x9000] =	vst v63  }
0x2a: {  	_ =	swait.ge [sflag:s10], $0x4000  }
0x2b: {  	s18 =	smov.u32 s20;
	[sflag:s10] =	ssyncset.done $0x0  }
0x2c: {  	s17 =	sshra.s32 s17, $0x2;
	[sflag:s10] =	ssyncadd.s32 $0xFFFFC000  }
0x2d: {  	[tilespmem:s15], [sflag:$0x1] =	stream.indirect.gather [hbm4b:s4+s14], $0x80, s17, s14, $0xb8;
	[tilespmem:$0x9000] =	vst v63  }
0x2e: {  	_ =	swait.ge [sflag:s10], $0x4000  }
0x2f: {  	[sflag:s10] =	ssyncset.done $0x0  }
0x30: {  	s17 =	sadd.s32 $0x800, s17;
	[sflag:s10] =	ssyncadd.s32 $0xFFFFC000  }
0x31: {  	[spmem:s2] =	stream.indirect.scatter.add.f32 [tilespmem:s15], [sflag:$0x1], $0x80, s17, s14, $0xb8;
	[tilespmem:$0x9000] =	vst v63  }
0x32: {  	_ =	swait.ge [sflag:s10], $0x4000  }
0x33: {  	s16 =	sadd.s32 $0x1, s16;
	[sflag:s10] =	ssyncset.done $0x0  }
0x34: {  	p0 =	sne.s32 s16, s9;
	[sflag:s10] =	ssyncadd.s32 $0xFFFFC000  }
.Ltmp1:
0x35: {  	[bflag:$0x0] =	sbarrier.arrive $0xFFFF;
	(pc) =	sbr.rel @p0 .LBB2_1-.Ltmp1, $4  }
0x36: {  	[hbm:s8], [sflag:s12] =	dma.local [spmem:s13], $0x800  }
0x37: {  	_ =	swait.ge [sflag:s10], $0x800  }
0x38: {  	[sflag:s10] =	ssyncset.done $0x0  }
0x39: {  	[sflag:s10] =	ssyncadd.s32 $0xFFFFF800  }
0x3a: {  	_ =	sfence.sel $0x180000  }
0x3b: {  	[bflag:$0x0] =	sbarrier.arrive $0xFFFF  }
0x3c: {  	p0 =	sne.s32 s1, $0x0;
	_ =	strace $0x9000004D  }
0x3d: {  	s0 =	sadd.s32 @!p0 $0x100000, s0;
	[bflag:$0x2] =	sbarrier.arrive $0xFFFF  }
0x3e: {  	[sflag:s0] =	ssyncadd.tile.s32 @!p0 $0x1;
	_ =	shalt  }
.Lfunc_end2:
_tile_overlayer_lowered:
.L_overlay_start_2:
0x3f: {  	(tag) =	ssettag $0x2  }
0x40: {  	s0 =	rddreg [dreg:$0x0];
	s2 =	stileid.u32  }
0x41: {  	s1 =	rddreg [dreg:$0x1];
	p0 =	sne.s32 s2, $0x0  }
0x42: {  	s3 =	rddreg [dreg:$0x2];
	[bflag:$0x3] =	sbarrier.arrive $0xFFFF;
	s2 =	simm.s32 @!p0 $0x1C01  }
0x43: {  	[timem:s3], [sflag:s2] =	dma.local @!p0 [hbm:s0], s1  }
0x44: {  	s0 =	simm.s32 @!p0 $0x1  }
0x45: {  	_ =	swait.ge @!p0 [sflag:s0], s1  }
0x46: {  	s1 =	ssub.s32 @!p0 $0x0, s1;
	[sflag:s0] =	ssyncset.done @!p0 $0x0  }
0x47: {  	[sflag:s0] =	ssyncadd.s32 @!p0 s1  }
0x48: {  	[bflag:$0x3] =	sbarrier.arrive $0xFFFF  }
0x49: {  	_ =	shalt  }

// kernel: kernel.24.cloned.1.call-start
scs
__scs_entry_jumppad:
0x0: {  	(pc) =	sbr.rel $0x88, $3  }
0x1: {  	(tag) =	ssettag $0x0;
	lr =	simm.s32 $0x1  }
0x2: {  	[smem:$0x3F83] =	sst lr;
	_ =	strace $0xD0000000  }
0x3: {  	_ = 	snop  }
0x4: {  	_ = 	snop  }
0x5: {  	_ = 	snop  }
0x6: {  	_ = 	snop  }
0x7: {  	_ = 	snop  }
__scs_overlays_trampoline_lowered:
0x8: {  	[smem:$0x3F92] =	sst s0  }
0x9: {  	[smem:$0x3F93] =	sst s1  }
0xa: {  	[smem:$0x3F94] =	sst s2  }
0xb: {  	[smem:$0x3F95] =	sst s3  }
0xc: {  	[smem:$0x3F96] =	sst s4  }
0xd: {  	[smem:$0x3F97] =	sst s5  }
0xe: {  	[smem:$0x3F98] =	sst s6  }
0xf: {  	[smem:$0x3F99] =	sst s7  }
0x10: {  	[smem:$0x3F9A] =	sst s8  }
0x11: {  	[smem:$0x3F9B] =	sst s9;
	s0 =	simm.s32 @!p0 $0x0  }
0x12: {  	s1 =	sld [smem:$0x3F81];
	s0 =	simm.s32 @p0 $0x1  }
0x13: {  	[smem:$0x3F9C] =	sst s0;
	s0 =	simm.s32 @!p1 $0x0  }
0x14: {  	s2 =	sld [smem:$0x3F80];
	s0 =	simm.s32 @p1 $0x1  }
0x15: {  	[smem:$0x3F9D] =	sst s0;
	s0 =	simm.s32 @!p2 $0x0  }
0x16: {  	s3 =	sld [smem:$0x3FDB];
	s0 =	simm.s32 @p2 $0x1  }
0x17: {  	s4 =	simm.s32 $0x1BF5;
	[smem:$0x3F9F] =	sst s0  }
0x18: {  	s0 =	sld [smem:$0x3F82];
	_ =	swait.ge [sflag:s4], $0x0  }
0x19: {  	s7 =	sld [smem:$0x3F83]  }
0x1a: {  	s8 =	sadd.s32 $0xFFFFE003, lr  }
0x1b: {  	s9 =	sadd.s32 $0xFFFFFEF7, lr;
	s5 =	simm.s32 $0xFFFFFFFF;
	p2 =	slt.u32 s8, $0xFFFFF086  }
0x1c: {  	p1 =	slt.u32 s9, $0xF7A;
	s5 =	simm.s32 @!p2 $0x0  }
0x1d: {  	s5 =	simm.s32 @p1 $0x1;
	p0 =	seq.s32 s7, s2  }
0x1e: {  	s7 =	smul.u32 @!p0 $0xF7A, s2;
	p2 =	seq.s32 @!p0 s5, $0x0  }
0x1f: {  	s9 =	smul.u32 $0xF7A, s1;
	s8 =	simm.s32 @!p0 $0x1BF5;
	p2 =	por !p2, p0  }
0x20: {  	[sflag:s8] =	ssyncset.s32 @!p0 $0xFFFFF086;
	s6 =	sadd.s32 @!p0 s3, s7;
	s7 =	simm.s32 @!p0 $0x108  }
0x21: {  	s3 =	sadd.s32 s3, s9;
	s6 =	sadd.s32 @!p0 $0x88, s6;
	s7 =	simm.s32 @p2 $0x1082  }
0x22: {  	[simem:s7], [sflag:s8] =	dma.local @!p0 [hbm:s6], $0xF7A  }
0x23: {  	s9 =	sor.u32 $0xD0000000, s2;
	s6 =	simm.s32 $0x108;
	_ =	swait.ge @!p0 [sflag:s8], $0x0  }
0x24: {  	s3 =	sadd.s32 $0x88, s3;
	s6 =	simm.s32 @!p1 $0x1082;
	[sflag:s4] =	ssyncset.s32 $0xFFFFF086  }
0x25: {  	[simem:s6], [sflag:s4] =	dma.local [hbm:s3], $0xF7A  }
0x26: {  	[smem:$0x3F83] =	sst s1;
	(tag) =	ssettag s2;
	_ =	strace s9  }
0x27: {  	s1 =	sld [smem:$0x3F93]  }
0x28: {  	s2 =	sld [smem:$0x3F94]  }
0x29: {  	s4 =	sld [smem:$0x3F96]  }
0x2a: {  	p0 =	seq.s32 s5, $0x0;
	s5 =	sld [smem:$0x3F97]  }
0x2b: {  	s6 =	sld [smem:$0x3F98]  }
0x2c: {  	s7 =	sld [smem:$0x3F99]  }
0x2d: {  	s3 =	simm.s32 $0x108;
	s8 =	sld [smem:$0x3F9A]  }
0x2e: {  	s3 =	simm.s32 @!p0 $0x1082;
	s9 =	sld [smem:$0x3F9B]  }
0x2f: {  	lr =	sadd.s32 s0, s3;
	s0 =	sld [smem:$0x3F92]  }
0x30: {  	s3 =	sld [smem:$0x3F95]  }
0x31: {  	[smem:$0x3F9E] =	sst s10  }
0x32: {  	s10 =	sld [smem:$0x3F9C];
	_ =	sdelay $0x3  }
0x33: {  	p0 =	seq.s32 s10, $0x1;
	s10 =	sld [smem:$0x3F9E];
	_ =	sdelay $0x3  }
0x34: {  	[smem:$0x3F9E] =	sst s10  }
0x35: {  	s10 =	sld [smem:$0x3F9D];
	_ =	sdelay $0x3  }
0x36: {  	p1 =	seq.s32 s10, $0x1;
	s10 =	sld [smem:$0x3F9E];
	_ =	sdelay $0x3  }
0x37: {  	[smem:$0x3F9E] =	sst s10  }
0x38: {  	s10 =	sld [smem:$0x3F9F]  }
0x39: {  	_ = 	snop;
	(pc) =	sbr.ind lr, $3  }
0x3a: {  	_ = 	snop  }
0x3b: {  	_ = 	snop  }
0x3c: {  	p2 =	seq.s32 s10, $0x1;
	s10 =	sld [smem:$0x3F9E]  }
0x3d: {  	_ =	shalt  }
0x3e: {  	_ =	shalt  }
0x3f: {  	_ =	shalt  }
0x40: {  	_ =	shalt  }
0x41: {  	_ =	shalt  }
0x42: {  	_ =	shalt  }
0x43: {  	_ =	shalt  }
0x44: {  	_ =	shalt  }
0x45: {  	_ =	shalt  }
0x46: {  	_ =	shalt  }
0x47: {  	_ =	shalt  }
0x48: {  	_ =	shalt  }
0x49: {  	_ =	shalt  }
0x4a: {  	_ =	shalt  }
0x4b: {  	_ =	shalt  }
0x4c: {  	_ =	shalt  }
0x4d: {  	_ =	shalt  }
0x4e: {  	_ =	shalt  }
0x4f: {  	_ =	shalt  }
0x50: {  	_ =	shalt  }
0x51: {  	_ =	shalt  }
0x52: {  	_ =	shalt  }
0x53: {  	_ =	shalt  }
0x54: {  	_ =	shalt  }
0x55: {  	_ =	shalt  }
0x56: {  	_ =	shalt  }
0x57: {  	_ =	shalt  }
0x58: {  	_ =	shalt  }
0x59: {  	_ =	shalt  }
0x5a: {  	_ =	shalt  }
0x5b: {  	_ =	shalt  }
0x5c: {  	_ =	shalt  }
0x5d: {  	_ =	shalt  }
0x5e: {  	_ =	shalt  }
0x5f: {  	_ =	shalt  }
0x60: {  	_ =	shalt  }
0x61: {  	_ =	shalt  }
0x62: {  	_ =	shalt  }
0x63: {  	_ =	shalt  }
0x64: {  	_ =	shalt  }
0x65: {  	_ =	shalt  }
0x66: {  	_ =	shalt  }
0x67: {  	_ =	shalt  }
0x68: {  	_ =	shalt  }
0x69: {  	_ =	shalt  }
0x6a: {  	_ =	shalt  }
0x6b: {  	_ =	shalt  }
0x6c: {  	_ =	shalt  }
0x6d: {  	_ =	shalt  }
0x6e: {  	_ =	shalt  }
0x6f: {  	_ =	shalt  }
0x70: {  	_ =	shalt  }
0x71: {  	_ =	shalt  }
0x72: {  	_ =	shalt  }
0x73: {  	_ =	shalt  }
0x74: {  	_ =	shalt  }
0x75: {  	_ =	shalt  }
0x76: {  	_ =	shalt  }
0x77: {  	_ =	shalt  }
0x78: {  	_ =	shalt  }
0x79: {  	_ =	shalt  }
0x7a: {  	_ =	shalt  }
0x7b: {  	_ =	shalt  }
0x7c: {  	_ =	shalt  }
0x7d: {  	_ =	shalt  }
0x7e: {  	_ =	shalt  }
0x7f: {  	_ =	shalt  }
0x80: {  	_ =	shalt  }
0x81: {  	_ =	shalt  }
0x82: {  	_ =	shalt  }
0x83: {  	_ =	shalt  }
0x84: {  	_ =	shalt  }
0x85: {  	_ =	shalt  }
0x86: {  	_ =	shalt  }
0x87: {  	_ =	shalt  }
.Lfunc_end0:
.L_simem_size_0:
called_computation.4_lowered:
.L_overlay_start_0:
0x88: {  	s2 =	sld [smem:$0x3FD9]  }
0x89: {  	s3 =	sld [smem:$0x3FFE];
	_ =	sdelay $0x1  }
0x8a: {  	s1 =	srdreg.scid  }
0x8b: {  	s0 =	sand.u32 $0x1, s1  }
0x8c: {  	s17 =	sshll.u32 s0, $0xA;
	s2 =	sadd.s32 s3, s2  }
0x8d: {  	s2 =	sadd.s32 s2, s17  }
0x8e: {  	[smem:$0x3FAA] =	sst s2  }
0x8f: {  	_ = 	snop  }
0x90: {  	s18 =	sld [smem:$0x3FD0];
	(tm) =	ssettm $0x1  }
0x91: {  	s19 =	sld [smem:$0x3FFB];
	_ =	sdelay $0x3  }
0x92: {  	_ =	strace s19  }
0x93: {  	s2 =	sld [smem:$0x3FFC];
	_ =	sdelay $0x3  }
0x94: {  	_ =	strace s2  }
0x95: {  	s2 =	sld [smem:$0x3FFD];
	_ =	sdelay $0x3  }
0x96: {  	_ =	strace s2  }
0x97: {  	_ =	strace $0x8FFFFFFF  }
0x98: {  	s20 =	sld [smem:$0x3FDB];
	_ =	sdelay $0x1  }
0x99: {  	s4 =	simm.s32 $_scs_section_size  }
0x9a: {  	s5 =	simm.s32 $_size__tile_overlayer_lowered;
	s6 =	simm.s32 $_tile_overlayer_lowered  }
0x9b: {  	s7 =	simm.s32 $0x1BFF;
	s21 =	sshll.u32 s6, $0x1;
	s4 =	sadd.s32 s4, s20  }
0x9c: {  	s22 =	simm.s32 $0x0;
	s5 =	sshll.u32 s5, $0x1;
	s6 =	sadd.s32 s21, s4  }
0x9d: {  	[timem:s22], [sflag:s7] =	dma.local [hbm:s6], s5  }
0x9e: {  	_ =	swait.ge [sflag:s7], s5  }
0x9f: {  	s5 =	ssub.s32 $0x0, s5;
	[sflag:s7] =	ssyncset.done $0x0  }
0xa0: {  	[sflag:s7] =	ssyncadd.s32 s5;
	_ =	sdelay $0x1  }
0xa1: {  	s23 =	simm.s32 $0x1B8B  }
0xa2: {  	_ =	swait.ge [sflag:s23], $0x1  }
0xa3: {  	[sflag:s23] =	ssyncset.done $0x0  }
0xa4: {  	[sflag:s23] =	ssyncadd.s32 $0xFFFFFFFF  }
0xa5: {  	s5 =	sld [smem:$0x0]  }
0xa6: {  	s6 =	sand.u32 $0xFFFFFFFE, s1  }
0xa7: {  	p0 =	sne.s32 s1, s6  }
0xa8: {  	s6 =	sshll.u32 @p0 s6, $0xE  }
0xa9: {  	s6 =	sadd.s32 @p0 $0x11B8D, s6;
	s7 =	sshll.u32 @p0 s5, $0x11  }
0xaa: {  	s6 =	sor.u32 @p0 s7, s6  }
0xab: {  	[sflag:s6] =	ssyncadd.remote.s32 @p0 $0x1;
	_ =	sdelay $0x1  }
0xac: {  	s6 =	simm.s32 @p0 $0x1B8D  }
0xad: {  	_ =	swait.eq @p0 [sflag:s6], $0x1  }
0xae: {  	[sflag:s6] =	ssyncadd.s32 @p0 $0xFFFFFFFF  }
0xaf: {  	s7 =	sshll.u32 @!p0 s1, $0xE  }
0xb0: {  	s7 =	sor.u32 @!p0 $0x4000, s7;
	s6 =	simm.s32 @!p0 $0x1B8D  }
0xb1: {  	s5 =	sshll.u32 @!p0 s5, $0x11;
	s7 =	sadd.s32 @!p0 $0x11B8D, s7;
	_ =	swait.eq @!p0 [sflag:s6], $0x1  }
0xb2: {  	s5 =	sor.u32 @!p0 s5, s7;
	[sflag:s6] =	ssyncadd.s32 @!p0 $0xFFFFFFFF  }
0xb3: {  	s25 =	simm.s32 $0x1B8E;
	s24 =	sld [smem:$0x3FFE];
	[sflag:s5] =	ssyncadd.remote.s32 @!p0 $0x1  }
0xb4: {  	s26 =	simm.s32 $execute0_lowered;
	[smem:$0x3FD2] =	sst s25  }
0xb5: {  	s6 =	sshll.u32 s26, $0x1;
	_ =	strace $0x80000055;
	[dreg:$0x1] =	wrdreg $0xFFFFFFFF  }
0xb6: {  	s28 =	simm.s32 $_size_execute0_lowered;
	s4 =	sadd.s32 s4, s6;
	[dreg:$0x0] =	wrdreg $0x0  }
0xb7: {  	s6 =	sshll.u32 s28, $0x1;
	[dreg:$0x2] =	wrdreg s4  }
0xb8: {  	[dreg:$0x3] =	wrdreg s6  }
0xb9: {  	[dreg:$0x4] =	wrdreg $0xC0  }
0xba: {  	_ =	task [dreg:s22], $0x5FFFF  }
0xbb: {  	[dreg:$0x1] =	wrdreg $0xFFFFFFFF  }
0xbc: {  	[dreg:$0x0] =	wrdreg $0x60  }
0xbd: {  	[dreg:$0x2] =	wrdreg s24  }
0xbe: {  	[dreg:$0x3] =	wrdreg s18  }
0xbf: {  	[dreg:$0x4] =	wrdreg $0x90000  }
0xc0: {  	[dreg:$0x5] =	wrdreg $0x9  }
0xc1: {  	_ =	task.clear_ibuf [dreg:s22], $0x6FFFF;
	_ =	strace $0x90000055  }
0xc2: {  	s29 =	simm.s32 $0x9;
	_ =	strace $0x80000057  }
0xc3: {  	_ =	swait.ge [sflag:s29], $0x1  }
0xc4: {  	[sflag:s29] =	ssyncadd.s32 $0xFFFFFFFF  }
0xc5: {  	_ =	strace $0x90000057  }
0xc6: {  	_ =	sfence  }
0xc7: {  	s30 =	sld [smem:$0x0];
	_ =	sdelay $0x2  }
0xc8: {  	s31 =	sshll.u32 s1, $0xD;
	s1 =	sshrl.u32 s1, $0x2  }
0xc9: {  	s4 =	sand.u32 $0x4000, s31;
	s1 =	sadd.s32 s1, s30  }
0xca: {  	s0 =	sor.u32 s4, s0;
	s1 =	sshll.u32 s1, $0x11  }
0xcb: {  	s0 =	sor.u32 s1, s0  }
0xcc: {  	s0 =	sadd.s32 $0x8F2B, s0  }
0xcd: {  	[sflag:s0] =	ssyncadd.remote.s32 $0x1  }
0xce: {  	_ =	sfence.sel $0xFFFF  }
0xcf: {  	[dreg:$0x0] =	wrdreg $0xFFFFFFFF;
	(pc) =	sbr.abs _section_cstart, $3  }
0xd0: {  	[dreg:$0x1] =	wrdreg $0xFFFFFFFF  }
0xd1: {  	_ =	task.clear_ibuf [dreg:s22], $0x2FFFF;
	_ =	strace $0x9FFFFFFF  }
0xd2: {  	(tm) =	ssettm $0x7FFFFFFF  }
0xd3: {  	_ =	shalt  }
tec
execute0_lowered:
.L_overlay_start_1:
0x0: {  	(tag) =	ssettag $0x1  }
0x1: {  	s5 =	rddreg [dreg:$0x0]  }
0x2: {  	s0 =	srdreg.scid;
	s8 =	rddreg [dreg:$0x1]  }
0x3: {  	s2 =	rddreg [dreg:$0x2];
	s1 =	stileid.u32  }
0x4: {  	s3 =	simm.s32 $0x0;
	s14 =	simm.s32 $0x80;
	s15 =	simm.s32 $0x5000  }
0x5: {  	s6 =	sand.u32 $0x1, s0;
	s0 =	rddreg [dreg:$0x3];
	s10 =	smul.u32 $0x13C00, s1  }
0x6: {  	s16 =	simm.s32 $0x0;
	[smem:$0x7FF] =	sst s3;
	s12 =	smul.u32 $0x4F000, s1  }
0x7: {  	s31 =	sshll.u32 s1, $0x6;
	s4 =	sshll.u32 s6, $0x4;
	_ =	strace $0x80000056  }
0x8: {  	s9 =	smul.u32 $0x13C000, s6;
	s6 =	ssub.s32 $0x2, s6;
	s4 =	sor.u32 s1, s4  }
0x9: {  	s11 =	sshrl.u32 s6, $0x1;
	s30 =	sshrl.u32 s12, $0x2;
	s12 =	sor.u32 $0x1C01, s31  }
0xa: {  	s7 =	smul.u32 $0x500, s4;
	s4 =	sadd.s32 $0x29C00, s5;
	s11 =	ssub.s32 s6, s11  }
0xb: {  	s9 =	sadd.s32 s10, s9;
	s13 =	sadd.s32 s30, s2;
	s10 =	simm.s32 $0x1  }
0xc: {  	s9 =	sshrl.u32 s9, $0x3;
	s13 =	sshrl.u32 s13, $0x3;
	s7 =	sadd.s32 s7, s5  }
0xd: {  	s5 =	sadd.s32 $0x1F600, s5;
	s8 =	sadd.s32 s8, s9;
	s9 =	smax.u32 s11, $0x1  }
0xe: {  	s11 =	simm.s32 $0x2800;
	s6 =	sadd.s32 $0x14600, s7;
	s7 =	sadd.s32 $0xA600, s7  }
.LBB2_1:
0xf: {  	[tilespmem:s3], [sflag:$0x1] =	stream.linear.gather [hbm4b:s6+s3], $0x2800, $0x38;
	[tilespmem:$0x1CC00] =	vst v63  }
0x10: {  	_ =	swait.ge [sflag:s10], $0x2800  }
0x11: {  	[sflag:s10] =	ssyncset.done $0x0  }
0x12: {  	[sflag:s10] =	ssyncadd.s32 $0xFFFFD800  }
0x13: {  	[tilespmem:s11], [sflag:$0x1] =	stream.linear.gather [hbm4b:s7+s3], $0x2800, $0x38;
	[tilespmem:$0x1CC00] =	vst v63  }
0x14: {  	_ =	swait.ge [sflag:s10], $0x2800  }
0x15: {  	[sflag:s10] =	ssyncset.done $0x0  }
0x16: {  	[sflag:s10] =	ssyncadd.s32 $0xFFFFD800  }
0x17: {  	[spmem:s13], [sflag:s12] =	dma.local [hbm:s5], $0x2780  }
0x18: {  	_ =	swait.ge [sflag:s10], $0x2780  }
0x19: {  	[sflag:s10] =	ssyncset.done $0x0  }
0x1a: {  	[sflag:s10] =	ssyncadd.s32 $0xFFFFD880  }
0x1b: {  	s17 =	simm.s32 $0x0;
	[bflag:$0x0] =	sbarrier.arrive $0xFFFF  }
0x1c: {  	[tilespmem:s15], [sflag:$0x1] =	stream.indirect.gather [hbm4b:s4+s14], $0x80, s17, s14, $0xb8;
	[tilespmem:$0x1CC00] =	vst v63  }
0x1d: {  	_ =	swait.ge [sflag:s10], $0x4000  }
0x1e: {  	[sflag:s10] =	ssyncset.done $0x0  }
0x1f: {  	s31 =	simm.s32 $0x2800;
	[sflag:s10] =	ssyncadd.s32 $0xFFFFC000  }
0x20: {  	[spmem:s2] =	stream.indirect.scatter.add.f32 [tilespmem:s15], [sflag:$0x1], $0x80, s31, s14, $0xb8;
	[tilespmem:$0x1CC00] =	vst v63  }
0x21: {  	_ =	swait.ge [sflag:s10], $0x4000  }
0x22: {  	s18 =	simm.s32 $0x400;
	s17 =	simm.s32 $0x200;
	[sflag:s10] =	ssyncset.done $0x0  }
.LBB2_2:
0x23: {  	s19 =	sshra.s32 s17, $0x2  }
0x24: {  	[sflag:s10] =	ssyncadd.s32 $0xFFFFC000;
	s17 =	smov.u32 s18;
	s20 =	sadd.s32 $0x200, s18  }
0x25: {  	[tilespmem:s15], [sflag:$0x1] =	stream.indirect.gather [hbm4b:s4+s14], $0x80, s19, s14, $0xb8;
	[tilespmem:$0x1CC00] =	vst v63  }
0x26: {  	p0 =	sne.s32 s18, $0x9E00;
	_ =	swait.ge [sflag:s10], $0x4000  }
.Ltmp0:
0x27: {  	[sflag:s10] =	ssyncset.done $0x0;
	(pc) =	sbr.rel @p0 .LBB2_2-.Ltmp0, $4  }
0x28: {  	s18 =	sadd.s32 $0x2800, s19;
	[sflag:s10] =	ssyncadd.s32 $0xFFFFC000  }
0x29: {  	[spmem:s2] =	stream.indirect.scatter.add.f32 [tilespmem:s15], [sflag:$0x1], $0x80, s18, s14, $0xb8;
	[tilespmem:$0x1CC00] =	vst v63  }
0x2a: {  	_ =	swait.ge [sflag:s10], $0x4000  }
0x2b: {  	s18 =	smov.u32 s20;
	[sflag:s10] =	ssyncset.done $0x0  }
0x2c: {  	s17 =	sshra.s32 s17, $0x2;
	[sflag:s10] =	ssyncadd.s32 $0xFFFFC000  }
0x2d: {  	[tilespmem:s15], [sflag:$0x1] =	stream.indirect.gather [hbm4b:s4+s14], $0x80, s17, s14, $0xb8;
	[tilespmem:$0x1CC00] =	vst v63  }
0x2e: {  	_ =	swait.ge [sflag:s10], $0x4000  }
0x2f: {  	[sflag:s10] =	ssyncset.done $0x0  }
0x30: {  	s17 =	sadd.s32 $0x2800, s17;
	[sflag:s10] =	ssyncadd.s32 $0xFFFFC000  }
0x31: {  	[spmem:s2] =	stream.indirect.scatter.add.f32 [tilespmem:s15], [sflag:$0x1], $0x80, s17, s14, $0xb8;
	[tilespmem:$0x1CC00] =	vst v63  }
0x32: {  	_ =	swait.ge [sflag:s10], $0x4000  }
0x33: {  	s16 =	sadd.s32 $0x1, s16;
	[sflag:s10] =	ssyncset.done $0x0  }
0x34: {  	p0 =	sne.s32 s16, s9;
	[sflag:s10] =	ssyncadd.s32 $0xFFFFC000  }
.Ltmp1:
0x35: {  	[bflag:$0x0] =	sbarrier.arrive $0xFFFF;
	(pc) =	sbr.rel @p0 .LBB2_1-.Ltmp1, $4  }
0x36: {  	[hbm:s8], [sflag:s12] =	dma.local [spmem:s13], $0x2780  }
0x37: {  	_ =	swait.ge [sflag:s10], $0x2780  }
0x38: {  	[sflag:s10] =	ssyncset.done $0x0  }
0x39: {  	[sflag:s10] =	ssyncadd.s32 $0xFFFFD880  }
0x3a: {  	_ =	sfence.sel $0x180000  }
0x3b: {  	[bflag:$0x0] =	sbarrier.arrive $0xFFFF  }
0x3c: {  	p0 =	sne.s32 s1, $0x0;
	_ =	strace $0x90000056  }
0x3d: {  	s0 =	sadd.s32 @!p0 $0x100000, s0;
	[bflag:$0x2] =	sbarrier.arrive $0xFFFF  }
0x3e: {  	[sflag:s0] =	ssyncadd.tile.s32 @!p0 $0x1;
	_ =	shalt  }
.Lfunc_end2:
_tile_overlayer_lowered:
.L_overlay_start_2:
0x3f: {  	(tag) =	ssettag $0x2  }
0x40: {  	s0 =	rddreg [dreg:$0x0];
	s2 =	stileid.u32  }
0x41: {  	s1 =	rddreg [dreg:$0x1];
	p0 =	sne.s32 s2, $0x0  }
0x42: {  	s3 =	rddreg [dreg:$0x2];
	[bflag:$0x3] =	sbarrier.arrive $0xFFFF;
	s2 =	simm.s32 @!p0 $0x1C01  }
0x43: {  	[timem:s3], [sflag:s2] =	dma.local @!p0 [hbm:s0], s1  }
0x44: {  	s0 =	simm.s32 @!p0 $0x1  }
0x45: {  	_ =	swait.ge @!p0 [sflag:s0], s1  }
0x46: {  	s1 =	ssub.s32 @!p0 $0x0, s1;
	[sflag:s0] =	ssyncset.done @!p0 $0x0  }
0x47: {  	[sflag:s0] =	ssyncadd.s32 @!p0 s1  }
0x48: {  	[bflag:$0x3] =	sbarrier.arrive $0xFFFF  }
0x49: {  	_ =	shalt  }

// kernel: kernel.27.cloned.1.call-start
scs
__scs_entry_jumppad:
0x0: {  	(pc) =	sbr.rel $0x88, $3  }
0x1: {  	(tag) =	ssettag $0x0;
	lr =	simm.s32 $0x1  }
0x2: {  	[smem:$0x3F83] =	sst lr;
	_ =	strace $0xD0000000  }
0x3: {  	_ = 	snop  }
0x4: {  	_ = 	snop  }
0x5: {  	_ = 	snop  }
0x6: {  	_ = 	snop  }
0x7: {  	_ = 	snop  }
__scs_overlays_trampoline_lowered:
0x8: {  	[smem:$0x3F92] =	sst s0  }
0x9: {  	[smem:$0x3F93] =	sst s1  }
0xa: {  	[smem:$0x3F94] =	sst s2  }
0xb: {  	[smem:$0x3F95] =	sst s3  }
0xc: {  	[smem:$0x3F96] =	sst s4  }
0xd: {  	[smem:$0x3F97] =	sst s5  }
0xe: {  	[smem:$0x3F98] =	sst s6  }
0xf: {  	[smem:$0x3F99] =	sst s7  }
0x10: {  	[smem:$0x3F9A] =	sst s8  }
0x11: {  	[smem:$0x3F9B] =	sst s9;
	s0 =	simm.s32 @!p0 $0x0  }
0x12: {  	s1 =	sld [smem:$0x3F81];
	s0 =	simm.s32 @p0 $0x1  }
0x13: {  	[smem:$0x3F9C] =	sst s0;
	s0 =	simm.s32 @!p1 $0x0  }
0x14: {  	s2 =	sld [smem:$0x3F80];
	s0 =	simm.s32 @p1 $0x1  }
0x15: {  	[smem:$0x3F9D] =	sst s0;
	s0 =	simm.s32 @!p2 $0x0  }
0x16: {  	s3 =	sld [smem:$0x3FDB];
	s0 =	simm.s32 @p2 $0x1  }
0x17: {  	s4 =	simm.s32 $0x1BF5;
	[smem:$0x3F9F] =	sst s0  }
0x18: {  	s0 =	sld [smem:$0x3F82];
	_ =	swait.ge [sflag:s4], $0x0  }
0x19: {  	s7 =	sld [smem:$0x3F83]  }
0x1a: {  	s8 =	sadd.s32 $0xFFFFE003, lr  }
0x1b: {  	s9 =	sadd.s32 $0xFFFFFEF7, lr;
	s5 =	simm.s32 $0xFFFFFFFF;
	p2 =	slt.u32 s8, $0xFFFFF086  }
0x1c: {  	p1 =	slt.u32 s9, $0xF7A;
	s5 =	simm.s32 @!p2 $0x0  }
0x1d: {  	s5 =	simm.s32 @p1 $0x1;
	p0 =	seq.s32 s7, s2  }
0x1e: {  	s7 =	smul.u32 @!p0 $0xF7A, s2;
	p2 =	seq.s32 @!p0 s5, $0x0  }
0x1f: {  	s9 =	smul.u32 $0xF7A, s1;
	s8 =	simm.s32 @!p0 $0x1BF5;
	p2 =	por !p2, p0  }
0x20: {  	[sflag:s8] =	ssyncset.s32 @!p0 $0xFFFFF086;
	s6 =	sadd.s32 @!p0 s3, s7;
	s7 =	simm.s32 @!p0 $0x108  }
0x21: {  	s3 =	sadd.s32 s3, s9;
	s6 =	sadd.s32 @!p0 $0x88, s6;
	s7 =	simm.s32 @p2 $0x1082  }
0x22: {  	[simem:s7], [sflag:s8] =	dma.local @!p0 [hbm:s6], $0xF7A  }
0x23: {  	s9 =	sor.u32 $0xD0000000, s2;
	s6 =	simm.s32 $0x108;
	_ =	swait.ge @!p0 [sflag:s8], $0x0  }
0x24: {  	s3 =	sadd.s32 $0x88, s3;
	s6 =	simm.s32 @!p1 $0x1082;
	[sflag:s4] =	ssyncset.s32 $0xFFFFF086  }
0x25: {  	[simem:s6], [sflag:s4] =	dma.local [hbm:s3], $0xF7A  }
0x26: {  	[smem:$0x3F83] =	sst s1;
	(tag) =	ssettag s2;
	_ =	strace s9  }
0x27: {  	s1 =	sld [smem:$0x3F93]  }
0x28: {  	s2 =	sld [smem:$0x3F94]  }
0x29: {  	s4 =	sld [smem:$0x3F96]  }
0x2a: {  	p0 =	seq.s32 s5, $0x0;
	s5 =	sld [smem:$0x3F97]  }
0x2b: {  	s6 =	sld [smem:$0x3F98]  }
0x2c: {  	s7 =	sld [smem:$0x3F99]  }
0x2d: {  	s3 =	simm.s32 $0x108;
	s8 =	sld [smem:$0x3F9A]  }
0x2e: {  	s3 =	simm.s32 @!p0 $0x1082;
	s9 =	sld [smem:$0x3F9B]  }
0x2f: {  	lr =	sadd.s32 s0, s3;
	s0 =	sld [smem:$0x3F92]  }
0x30: {  	s3 =	sld [smem:$0x3F95]  }
0x31: {  	[smem:$0x3F9E] =	sst s10  }
0x32: {  	s10 =	sld [smem:$0x3F9C];
	_ =	sdelay $0x3  }
0x33: {  	p0 =	seq.s32 s10, $0x1;
	s10 =	sld [smem:$0x3F9E];
	_ =	sdelay $0x3  }
0x34: {  	[smem:$0x3F9E] =	sst s10  }
0x35: {  	s10 =	sld [smem:$0x3F9D];
	_ =	sdelay $0x3  }
0x36: {  	p1 =	seq.s32 s10, $0x1;
	s10 =	sld [smem:$0x3F9E];
	_ =	sdelay $0x3  }
0x37: {  	[smem:$0x3F9E] =	sst s10  }
0x38: {  	s10 =	sld [smem:$0x3F9F]  }
0x39: {  	_ = 	snop;
	(pc) =	sbr.ind lr, $3  }
0x3a: {  	_ = 	snop  }
0x3b: {  	_ = 	snop  }
0x3c: {  	p2 =	seq.s32 s10, $0x1;
	s10 =	sld [smem:$0x3F9E]  }
0x3d: {  	_ =	shalt  }
0x3e: {  	_ =	shalt  }
0x3f: {  	_ =	shalt  }
0x40: {  	_ =	shalt  }
0x41: {  	_ =	shalt  }
0x42: {  	_ =	shalt  }
0x43: {  	_ =	shalt  }
0x44: {  	_ =	shalt  }
0x45: {  	_ =	shalt  }
0x46: {  	_ =	shalt  }
0x47: {  	_ =	shalt  }
0x48: {  	_ =	shalt  }
0x49: {  	_ =	shalt  }
0x4a: {  	_ =	shalt  }
0x4b: {  	_ =	shalt  }
0x4c: {  	_ =	shalt  }
0x4d: {  	_ =	shalt  }
0x4e: {  	_ =	shalt  }
0x4f: {  	_ =	shalt  }
0x50: {  	_ =	shalt  }
0x51: {  	_ =	shalt  }
0x52: {  	_ =	shalt  }
0x53: {  	_ =	shalt  }
0x54: {  	_ =	shalt  }
0x55: {  	_ =	shalt  }
0x56: {  	_ =	shalt  }
0x57: {  	_ =	shalt  }
0x58: {  	_ =	shalt  }
0x59: {  	_ =	shalt  }
0x5a: {  	_ =	shalt  }
0x5b: {  	_ =	shalt  }
0x5c: {  	_ =	shalt  }
0x5d: {  	_ =	shalt  }
0x5e: {  	_ =	shalt  }
0x5f: {  	_ =	shalt  }
0x60: {  	_ =	shalt  }
0x61: {  	_ =	shalt  }
0x62: {  	_ =	shalt  }
0x63: {  	_ =	shalt  }
0x64: {  	_ =	shalt  }
0x65: {  	_ =	shalt  }
0x66: {  	_ =	shalt  }
0x67: {  	_ =	shalt  }
0x68: {  	_ =	shalt  }
0x69: {  	_ =	shalt  }
0x6a: {  	_ =	shalt  }
0x6b: {  	_ =	shalt  }
0x6c: {  	_ =	shalt  }
0x6d: {  	_ =	shalt  }
0x6e: {  	_ =	shalt  }
0x6f: {  	_ =	shalt  }
0x70: {  	_ =	shalt  }
0x71: {  	_ =	shalt  }
0x72: {  	_ =	shalt  }
0x73: {  	_ =	shalt  }
0x74: {  	_ =	shalt  }
0x75: {  	_ =	shalt  }
0x76: {  	_ =	shalt  }
0x77: {  	_ =	shalt  }
0x78: {  	_ =	shalt  }
0x79: {  	_ =	shalt  }
0x7a: {  	_ =	shalt  }
0x7b: {  	_ =	shalt  }
0x7c: {  	_ =	shalt  }
0x7d: {  	_ =	shalt  }
0x7e: {  	_ =	shalt  }
0x7f: {  	_ =	shalt  }
0x80: {  	_ =	shalt  }
0x81: {  	_ =	shalt  }
0x82: {  	_ =	shalt  }
0x83: {  	_ =	shalt  }
0x84: {  	_ =	shalt  }
0x85: {  	_ =	shalt  }
0x86: {  	_ =	shalt  }
0x87: {  	_ =	shalt  }
.Lfunc_end0:
.L_simem_size_0:
called_computation.5_lowered:
.L_overlay_start_0:
0x88: {  	s2 =	sld [smem:$0x3FD9]  }
0x89: {  	s3 =	sld [smem:$0x3FFE];
	_ =	sdelay $0x1  }
0x8a: {  	s1 =	srdreg.scid  }
0x8b: {  	s0 =	sand.u32 $0x1, s1  }
0x8c: {  	s16 =	sshll.u32 s0, $0xA;
	s2 =	sadd.s32 s3, s2  }
0x8d: {  	s2 =	sadd.s32 s2, s16  }
0x8e: {  	[smem:$0x3FAA] =	sst s2  }
0x8f: {  	_ = 	snop  }
0x90: {  	(tm) =	ssettm $0x1  }
0x91: {  	s17 =	sld [smem:$0x3FFB];
	_ =	sdelay $0x3  }
0x92: {  	_ =	strace s17  }
0x93: {  	s2 =	sld [smem:$0x3FFC];
	_ =	sdelay $0x3  }
0x94: {  	_ =	strace s2  }
0x95: {  	s2 =	sld [smem:$0x3FFD];
	_ =	sdelay $0x3  }
0x96: {  	_ =	strace s2  }
0x97: {  	_ =	strace $0x8FFFFFFF  }
0x98: {  	s18 =	sld [smem:$0x3FDB];
	_ =	sdelay $0x1  }
0x99: {  	s19 =	simm.s32 $_scs_section_size  }
0x9a: {  	s4 =	simm.s32 $_size__tile_overlayer_lowered;
	s5 =	simm.s32 $_tile_overlayer_lowered  }
0x9b: {  	s22 =	simm.s32 $0x1BFF;
	s21 =	sshll.u32 s5, $0x1;
	s2 =	sadd.s32 s19, s18  }
0x9c: {  	s6 =	simm.s32 $0x0;
	s20 =	sshll.u32 s4, $0x1;
	s4 =	sadd.s32 s21, s2  }
0x9d: {  	[timem:s6], [sflag:s22] =	dma.local [hbm:s4], s20  }
0x9e: {  	_ =	swait.ge [sflag:s22], s20  }
0x9f: {  	s3 =	ssub.s32 $0x0, s20;
	[sflag:s22] =	ssyncset.done $0x0  }
0xa0: {  	[sflag:s22] =	ssyncadd.s32 s3;
	_ =	sdelay $0x1  }
0xa1: {  	s23 =	simm.s32 $0x1B8B  }
0xa2: {  	_ =	swait.ge [sflag:s23], $0x1  }
0xa3: {  	[sflag:s23] =	ssyncset.done $0x0  }
0xa4: {  	s25 =	simm.s32 $0x1B8E;
	s24 =	sld [smem:$0x3FFE];
	[sflag:s23] =	ssyncadd.s32 $0xFFFFFFFF  }
0xa5: {  	s26 =	simm.s32 $execute0_lowered;
	[smem:$0x3FD2] =	sst s25  }
0xa6: {  	s4 =	sshll.u32 s26, $0x1;
	_ =	strace $0x80000052;
	[dreg:$0x1] =	wrdreg $0xFFFFFFFF  }
0xa7: {  	s28 =	simm.s32 $_size_execute0_lowered;
	s2 =	sadd.s32 s2, s4;
	[dreg:$0x0] =	wrdreg $0x0  }
0xa8: {  	s4 =	sshll.u32 s28, $0x1;
	[dreg:$0x2] =	wrdreg s2  }
0xa9: {  	[dreg:$0x3] =	wrdreg s4  }
0xaa: {  	[dreg:$0x4] =	wrdreg $0xC0  }
0xab: {  	_ =	task [dreg:s6], $0x5FFFF  }
0xac: {  	[dreg:$0x1] =	wrdreg $0xFFFFFFFF  }
0xad: {  	[dreg:$0x0] =	wrdreg $0x60  }
0xae: {  	[dreg:$0x2] =	wrdreg s24  }
0xaf: {  	[dreg:$0x3] =	wrdreg $0x50000  }
0xb0: {  	[dreg:$0x4] =	wrdreg $0xA  }
0xb1: {  	_ =	task.clear_ibuf [dreg:s6], $0x5FFFF;
	_ =	strace $0x90000052  }
0xb2: {  	s29 =	simm.s32 $0xA;
	_ =	strace $0x80000054  }
0xb3: {  	_ =	swait.ge [sflag:s29], $0x1  }
0xb4: {  	[sflag:s29] =	ssyncadd.s32 $0xFFFFFFFF  }
0xb5: {  	_ =	strace $0x90000054  }
0xb6: {  	_ =	sfence  }
0xb7: {  	s30 =	sld [smem:$0x0];
	_ =	sdelay $0x2  }
0xb8: {  	s31 =	sshll.u32 s1, $0xD;
	s1 =	sshrl.u32 s1, $0x2  }
0xb9: {  	s3 =	sand.u32 $0x4000, s31;
	s1 =	sadd.s32 s1, s30  }
0xba: {  	s0 =	sor.u32 s3, s0;
	s1 =	sshll.u32 s1, $0x11  }
0xbb: {  	s0 =	sor.u32 s1, s0  }
0xbc: {  	s0 =	sadd.s32 $0x8F2B, s0  }
0xbd: {  	[sflag:s0] =	ssyncadd.remote.s32 $0x1  }
0xbe: {  	_ =	sfence.sel $0xFFFF  }
0xbf: {  	[dreg:$0x0] =	wrdreg $0xFFFFFFFF;
	(pc) =	sbr.abs _section_cstart, $3  }
0xc0: {  	[dreg:$0x1] =	wrdreg $0xFFFFFFFF  }
0xc1: {  	_ =	task.clear_ibuf [dreg:s6], $0x2FFFF;
	_ =	strace $0x9FFFFFFF  }
0xc2: {  	(tm) =	ssettm $0x7FFFFFFF  }
0xc3: {  	_ =	shalt  }
tec
execute0_lowered:
.L_overlay_start_1:
0x0: {  	(tag) =	ssettag $0x1  }
0x1: {  	s6 =	rddreg [dreg:$0x0]  }
0x2: {  	s2 =	rddreg [dreg:$0x1]  }
0x3: {  	s0 =	rddreg [dreg:$0x2]  }
0x4: {  	s4 =	srdreg.scid;
	s3 =	simm.s32 $0x0;
	s1 =	stileid.u32  }
0x5: {  	s14 =	simm.s32 $0x80;
	s15 =	simm.s32 $0x1000;
	s16 =	simm.s32 $0x0  }
0x6: {  	s7 =	sand.u32 $0x1, s4;
	[smem:$0x7FF] =	sst s3;
	s5 =	sshll.u32 s1, $0x8  }
0x7: {  	s10 =	sshll.u32 s1, $0xB;
	s31 =	sshll.u32 s1, $0xE;
	s12 =	sshll.u32 s1, $0x6  }
0x8: {  	s4 =	sshll.u32 s7, $0xC;
	_ =	strace $0x80000053;
	s9 =	ssub.s32 $0x2, s7  }
0x9: {  	s10 =	sadd.s32 s10, s6;
	s7 =	sshll.u32 s7, $0xF;
	s13 =	sadd.s32 s31, s2  }
0xa: {  	s12 =	sor.u32 $0x1C01, s12;
	s5 =	sor.u32 s5, s4;
	s4 =	sadd.s32 $0x21E00, s6  }
0xb: {  	s11 =	sshrl.u32 s9, $0x1;
	s10 =	sadd.s32 s7, s10;
	s13 =	sshrl.u32 s13, $0x3  }
0xc: {  	s8 =	sadd.s32 s5, s6;
	s5 =	sadd.s32 $0x1E600, s6;
	s9 =	ssub.s32 s9, s11  }
0xd: {  	s11 =	simm.s32 $0x800;
	s6 =	sadd.s32 $0x8600, s8;
	s7 =	sadd.s32 $0x6600, s8  }
0xe: {  	s8 =	sadd.s32 $0x50E00, s10;
	s9 =	smax.u32 s9, $0x1;
	s10 =	simm.s32 $0x1  }
.LBB2_1:
0xf: {  	[tilespmem:s3], [sflag:$0x1] =	stream.linear.gather [hbm4b:s6+s3], $0x800, $0x38;
	[tilespmem:$0x9000] =	vst v63  }
0x10: {  	_ =	swait.ge [sflag:s10], $0x800  }
0x11: {  	[sflag:s10] =	ssyncset.done $0x0  }
0x12: {  	[sflag:s10] =	ssyncadd.s32 $0xFFFFF800  }
0x13: {  	[tilespmem:s11], [sflag:$0x1] =	stream.linear.gather [hbm4b:s7+s3], $0x800, $0x38;
	[tilespmem:$0x9000] =	vst v63  }
0x14: {  	_ =	swait.ge [sflag:s10], $0x800  }
0x15: {  	[sflag:s10] =	ssyncset.done $0x0  }
0x16: {  	[sflag:s10] =	ssyncadd.s32 $0xFFFFF800  }
0x17: {  	[spmem:s13], [sflag:s12] =	dma.local [hbm:s5], $0x800  }
0x18: {  	_ =	swait.ge [sflag:s10], $0x800  }
0x19: {  	[sflag:s10] =	ssyncset.done $0x0  }
0x1a: {  	[sflag:s10] =	ssyncadd.s32 $0xFFFFF800  }
0x1b: {  	s17 =	simm.s32 $0x0;
	[bflag:$0x0] =	sbarrier.arrive $0xFFFF  }
0x1c: {  	[tilespmem:s15], [sflag:$0x1] =	stream.indirect.gather [hbm4b:s4+s14], $0x80, s17, s14, $0xb8;
	[tilespmem:$0x9000] =	vst v63  }
0x1d: {  	_ =	swait.ge [sflag:s10], $0x4000  }
0x1e: {  	[sflag:s10] =	ssyncset.done $0x0  }
0x1f: {  	s31 =	simm.s32 $0x800;
	[sflag:s10] =	ssyncadd.s32 $0xFFFFC000  }
0x20: {  	[spmem:s2] =	stream.indirect.scatter.add.f32 [tilespmem:s15], [sflag:$0x1], $0x80, s31, s14, $0xb8;
	[tilespmem:$0x9000] =	vst v63  }
0x21: {  	_ =	swait.ge [sflag:s10], $0x4000  }
0x22: {  	s18 =	simm.s32 $0x400;
	s17 =	simm.s32 $0x200;
	[sflag:s10] =	ssyncset.done $0x0  }
.LBB2_2:
0x23: {  	s19 =	sshra.s32 s17, $0x2  }
0x24: {  	[sflag:s10] =	ssyncadd.s32 $0xFFFFC000;
	s17 =	smov.u32 s18;
	s20 =	sadd.s32 $0x200, s18  }
0x25: {  	[tilespmem:s15], [sflag:$0x1] =	stream.indirect.gather [hbm4b:s4+s14], $0x80, s19, s14, $0xb8;
	[tilespmem:$0x9000] =	vst v63  }
0x26: {  	p0 =	sne.s32 s18, $0x1E00;
	_ =	swait.ge [sflag:s10], $0x4000  }
.Ltmp0:
0x27: {  	[sflag:s10] =	ssyncset.done $0x0;
	(pc) =	sbr.rel @p0 .LBB2_2-.Ltmp0, $4  }
0x28: {  	s18 =	sadd.s32 $0x800, s19;
	[sflag:s10] =	ssyncadd.s32 $0xFFFFC000  }
0x29: {  	[spmem:s2] =	stream.indirect.scatter.add.f32 [tilespmem:s15], [sflag:$0x1], $0x80, s18, s14, $0xb8;
	[tilespmem:$0x9000] =	vst v63  }
0x2a: {  	_ =	swait.ge [sflag:s10], $0x4000  }
0x2b: {  	s18 =	smov.u32 s20;
	[sflag:s10] =	ssyncset.done $0x0  }
0x2c: {  	s17 =	sshra.s32 s17, $0x2;
	[sflag:s10] =	ssyncadd.s32 $0xFFFFC000  }
0x2d: {  	[tilespmem:s15], [sflag:$0x1] =	stream.indirect.gather [hbm4b:s4+s14], $0x80, s17, s14, $0xb8;
	[tilespmem:$0x9000] =	vst v63  }
0x2e: {  	_ =	swait.ge [sflag:s10], $0x4000  }
0x2f: {  	[sflag:s10] =	ssyncset.done $0x0  }
0x30: {  	s17 =	sadd.s32 $0x800, s17;
	[sflag:s10] =	ssyncadd.s32 $0xFFFFC000  }
0x31: {  	[spmem:s2] =	stream.indirect.scatter.add.f32 [tilespmem:s15], [sflag:$0x1], $0x80, s17, s14, $0xb8;
	[tilespmem:$0x9000] =	vst v63  }
0x32: {  	_ =	swait.ge [sflag:s10], $0x4000  }
0x33: {  	s16 =	sadd.s32 $0x1, s16;
	[sflag:s10] =	ssyncset.done $0x0  }
0x34: {  	p0 =	sne.s32 s16, s9;
	[sflag:s10] =	ssyncadd.s32 $0xFFFFC000  }
.Ltmp1:
0x35: {  	[bflag:$0x0] =	sbarrier.arrive $0xFFFF;
	(pc) =	sbr.rel @p0 .LBB2_1-.Ltmp1, $4  }
0x36: {  	[hbm:s8], [sflag:s12] =	dma.local [spmem:s13], $0x800  }
0x37: {  	_ =	swait.ge [sflag:s10], $0x800  }
0x38: {  	[sflag:s10] =	ssyncset.done $0x0  }
0x39: {  	[sflag:s10] =	ssyncadd.s32 $0xFFFFF800  }
0x3a: {  	_ =	sfence.sel $0x180000  }
0x3b: {  	[bflag:$0x0] =	sbarrier.arrive $0xFFFF  }
0x3c: {  	p0 =	sne.s32 s1, $0x0;
	_ =	strace $0x90000053  }
0x3d: {  	s0 =	sadd.s32 @!p0 $0x100000, s0;
	[bflag:$0x2] =	sbarrier.arrive $0xFFFF  }
0x3e: {  	[sflag:s0] =	ssyncadd.tile.s32 @!p0 $0x1;
	_ =	shalt  }
.Lfunc_end2:
_tile_overlayer_lowered:
.L_overlay_start_2:
0x3f: {  	(tag) =	ssettag $0x2  }
0x40: {  	s0 =	rddreg [dreg:$0x0];
	s2 =	stileid.u32  }
0x41: {  	s1 =	rddreg [dreg:$0x1];
	p0 =	sne.s32 s2, $0x0  }
0x42: {  	s3 =	rddreg [dreg:$0x2];
	[bflag:$0x3] =	sbarrier.arrive $0xFFFF;
	s2 =	simm.s32 @!p0 $0x1C01  }
0x43: {  	[timem:s3], [sflag:s2] =	dma.local @!p0 [hbm:s0], s1  }
0x44: {  	s0 =	simm.s32 @!p0 $0x1  }
0x45: {  	_ =	swait.ge @!p0 [sflag:s0], s1  }
0x46: {  	s1 =	ssub.s32 @!p0 $0x0, s1;
	[sflag:s0] =	ssyncset.done @!p0 $0x0  }
0x47: {  	[sflag:s0] =	ssyncadd.s32 @!p0 s1  }
0x48: {  	[bflag:$0x3] =	sbarrier.arrive $0xFFFF  }
0x49: {  	_ =	shalt  }

// kernel: sparse-core-data-format-call.cloned.1.call-start
scs
called_computation_lowered:
.L_overlay_start_0:
0x0: {  	s2 =	sld [smem:$0x3FD9]  }
0x1: {  	s3 =	sld [smem:$0x3FFE];
	_ =	sdelay $0x1  }
0x2: {  	s1 =	srdreg.scid  }
0x3: {  	s0 =	sand.u32 $0x1, s1  }
0x4: {  	s18 =	sshll.u32 s0, $0xA;
	s2 =	sadd.s32 s3, s2  }
0x5: {  	s2 =	sadd.s32 s2, s18  }
0x6: {  	[smem:$0x3FAA] =	sst s2  }
0x7: {  	_ = 	snop  }
0x8: {  	s2 =	sld [smem:$0x3FD0];
	(tm) =	ssettm $0x1  }
0x9: {  	s19 =	sld [smem:$0x3FFB];
	_ =	sdelay $0x3  }
0xa: {  	_ =	strace s19  }
0xb: {  	s3 =	sld [smem:$0x3FFC];
	_ =	sdelay $0x3  }
0xc: {  	_ =	strace s3  }
0xd: {  	s3 =	sld [smem:$0x3FFD];
	_ =	sdelay $0x3  }
0xe: {  	_ =	strace s3  }
0xf: {  	_ =	strace $0x8FFFFFFF  }
0x10: {  	s20 =	sld [smem:$0x3FDB];
	_ =	sdelay $0x1  }
0x11: {  	s4 =	simm.s32 $_scs_section_size  }
0x12: {  	s5 =	simm.s32 $_size__tile_overlayer_lowered;
	s6 =	simm.s32 $_tile_overlayer_lowered  }
0x13: {  	s23 =	simm.s32 $0x1BFF;
	s22 =	sshll.u32 s6, $0x1;
	s3 =	sadd.s32 s4, s20  }
0x14: {  	s7 =	simm.s32 $0x0;
	s21 =	sshll.u32 s5, $0x1;
	s5 =	sadd.s32 s22, s3  }
0x15: {  	[timem:s7], [sflag:s23] =	dma.local [hbm:s5], s21  }
0x16: {  	_ =	swait.ge [sflag:s23], s21  }
0x17: {  	s4 =	ssub.s32 $0x0, s21;
	[sflag:s23] =	ssyncset.done $0x0  }
0x18: {  	[sflag:s23] =	ssyncadd.s32 s4;
	_ =	sdelay $0x1  }
0x19: {  	s24 =	simm.s32 $0x1B8B  }
0x1a: {  	_ =	swait.ge [sflag:s24], $0x1  }
0x1b: {  	[sflag:s24] =	ssyncset.done $0x0  }
0x1c: {  	s26 =	simm.s32 $0x1B8E;
	s25 =	sld [smem:$0x3FFE];
	[sflag:s24] =	ssyncadd.s32 $0xFFFFFFFF  }
0x1d: {  	s27 =	simm.s32 $execute0_lowered;
	[smem:$0x3FD2] =	sst s26  }
0x1e: {  	s5 =	sshll.u32 s27, $0x1;
	_ =	strace $0x80000046;
	[dreg:$0x1] =	wrdreg $0xFFFFFFFF  }
0x1f: {  	s28 =	simm.s32 $_size_execute0_lowered;
	s3 =	sadd.s32 s3, s5;
	[dreg:$0x0] =	wrdreg $0x0  }
0x20: {  	s5 =	sshll.u32 s28, $0x1;
	[dreg:$0x2] =	wrdreg s3  }
0x21: {  	[dreg:$0x3] =	wrdreg s5  }
0x22: {  	[dreg:$0x4] =	wrdreg $0xC0  }
0x23: {  	_ =	task [dreg:s7], $0x5FFFF  }
0x24: {  	[dreg:$0x1] =	wrdreg $0xFFFFFFFF  }
0x25: {  	[dreg:$0x0] =	wrdreg $0x60  }
0x26: {  	[dreg:$0x2] =	wrdreg s25  }
0x27: {  	[dreg:$0x3] =	wrdreg s2  }
0x28: {  	[dreg:$0x4] =	wrdreg $0x9  }
0x29: {  	_ =	task.clear_ibuf [dreg:s7], $0x5FFFF;
	_ =	strace $0x90000046  }
0x2a: {  	s29 =	simm.s32 $0x9;
	_ =	strace $0x80000048  }
0x2b: {  	_ =	swait.ge [sflag:s29], $0x1  }
0x2c: {  	[sflag:s29] =	ssyncadd.s32 $0xFFFFFFFF  }
0x2d: {  	_ =	strace $0x90000048  }
0x2e: {  	_ =	sfence  }
0x2f: {  	s30 =	sld [smem:$0x0];
	_ =	sdelay $0x2  }
0x30: {  	s31 =	sshll.u32 s1, $0xD;
	s1 =	sshrl.u32 s1, $0x2  }
0x31: {  	s3 =	sand.u32 $0x4000, s31;
	s1 =	sadd.s32 s1, s30  }
0x32: {  	s0 =	sor.u32 s3, s0;
	s1 =	sshll.u32 s1, $0x11  }
0x33: {  	s0 =	sor.u32 s1, s0  }
0x34: {  	s0 =	sadd.s32 $0x8F2B, s0  }
0x35: {  	[sflag:s0] =	ssyncadd.remote.s32 $0x1  }
0x36: {  	_ =	sfence.sel $0xFFFF  }
0x37: {  	[dreg:$0x0] =	wrdreg $0xFFFFFFFF;
	(pc) =	sbr.abs _section_cstart, $3  }
0x38: {  	[dreg:$0x1] =	wrdreg $0xFFFFFFFF  }
0x39: {  	_ =	task.clear_ibuf [dreg:s7], $0x2FFFF;
	_ =	strace $0x9FFFFFFF  }
0x3a: {  	(tm) =	ssettm $0x7FFFFFFF  }
0x3b: {  	_ =	shalt  }
tec
execute0_lowered:
.L_overlay_start_1:
0x0: {  	(tag) =	ssettag $0x1  }
0x1: {  	s0 =	rddreg [dreg:$0x0];
	_ =	strace $0x80000047;
	s2 =	stileid.u32  }
0x2: {  	s27 =	srdreg.scid;
	s28 =	simm.s32 $0x1;
	s30 =	simm.s32 $0x2  }
0x3: {  	s16 =	simm.s32 $0x0;
	s0 =	sadd.s32 $0x36EC00, s0;
	s1 =	sshll.u32 s2, $0x7  }
0x4: {  	s2 =	sshll.u32 s2, $0x6;
	[dreg:$0x3] =	wrdreg s0;
	s0 =	sshll.u32 s27, $0xA  }
0x5: {  	s8 =	simm.s32 $0x0;
	s13 =	sand.u32 $0x80, s1;
	s0 =	sor.u32 s2, s0  }
0x6: {  	s29 =	ssub.s32 $0x2700, s13;
	[dreg:$0x4] =	wrdreg s13;
	s2 =	sand.u32 $0x780, s0  }
.Ltmp0:
0x7: {  	s0 =	sshrl.u32 s29, $0x8;
	[dreg:$0x5] =	wrdreg s2;
	(pc) =	sbr.rel .LBB1_1-.Ltmp0, $4  }
0x8: {  	s7 =	simm.s32 $0x0;
	s2 =	sshll.u32 s2, $0x3;
	[dreg:$0x6] =	wrdreg s0  }
0x9: {  	s14 =	simm.s32 $0x0;
	s6 =	sadd.s32 $0x2, s0;
	[dreg:$0x7] =	wrdreg s2  }
0xa: {  	[sflag:s28] =	ssyncpa.u1 $0x0;
	s31 =	sand.u32 $0x400, s2;
	[dreg:$0x9] =	wrdreg s6  }
0xb: {  	s15 =	simm.s32 $0x0;
	[sflag:s30] =	ssyncpa.u1 $0x0;
	[dreg:$0x8] =	wrdreg s31  }
.LBB1_12:
0xc: {  	s7 =	rddreg [dreg:$0xa]  }
0xd: {  	s0 =	sshrl.u32 s7, $0x3  }
0xe: {  	s1 =	sshll.u32 s14, $0x3;
	s0 =	smul.u32 $0x13C00, s0  }
0xf: {  	s2 =	sand.u32 $0x7F, s14;
	s4 =	rddreg [dreg:$0xc];
	s1 =	sand.u32 $0xFFFFFC00, s1  }
0x10: {  	p0 =	sgt.s32 s14, $0x2700;
	s30 =	rddreg [dreg:$0x1];
	s0 =	sadd.s32 s1, s0  }
0x11: {  	s1 =	sor.u32 s2, s0;
	s0 =	smulhi.u32 $0xCF6474A9, s0;
	s2 =	smov.u32 s14  }
0x12: {  	s31 =	simm.s32 $0x13C00;
	s3 =	smulhi.u32 $0xCF6474A9, s1;
	s2 =	simm.s32 @!p0 $0x2700  }
0x13: {  	p0 =	sgt.s32 s7, $0x750;
	s0 =	sshrl.u32 s0, $0xD;
	s2 =	sadd.s32 s4, s2  }
0x14: {  	s3 =	sshrl.u32 s3, $0xD;
	s29 =	smulhi.u32 $0x20C49C, s0;
	s5 =	sadd.s32 $0xFFFFD900, s2  }
0x15: {  	s3 =	smul.u32 $0x2780, s3;
	p1 =	sgt.s32 s5, $0x7F;
	s5 =	smov.u32 s7  }
0x16: {  	s2 =	ssub.s32 $0x2780, s2;
	s5 =	simm.s32 @!p0 $0x750;
	s4 =	smul.u32 $0x7D0, s29  }
0x17: {  	s6 =	rddreg [dreg:$0x9];
	s2 =	simm.s32 @p1 $0x0;
	s5 =	ssub.s32 $0x7D0, s5  }
0x18: {  	s1 =	ssub.s32 s1, s3;
	s0 =	ssub.s32 s0, s4;
	s2 =	smul.u32 s5, s2  }
0x19: {  	s3 =	sshrl.u32 s1, $0x3;
	s1 =	sand.u32 $0x7, s1;
	s0 =	smul.u32 $0x4F0, s0  }
0x1a: {  	s8 =	rddreg [dreg:$0xb];
	s3 =	sadd.s32 s30, s3;
	s1 =	sshll.u32 s1, $0x12  }
0x1b: {  	s2 =	sand.u32 $0x3FFFFFF0, s2;
	s1 =	sor.u32 $0x400, s1;
	s0 =	sadd.s32 s0, s3  }
0x1c: {  	[hbm4b:s0+s1] =	stream.strided.scatter [tilespmem:s18], [sflag:$0x2], s2, s31, s1, $0x20;
	[tilespmem:$0x10100] =	vst v63  }
.LBB1_13:
0x1d: {  	p0 =	slt.u32 s15, $0x2  }
0x1e: {  	p1 =	sgt.s32 @!p0 s8, $0x2700  }
0x1f: {  	s0 =	smov.u32 s8;
	s1 =	sshra.s32 @!p0 s8, $0x1F;
	p1 =	por !p1, p0  }
0x20: {  	s1 =	sand.u32 @!p0 s1, s8;
	s0 =	simm.s32 @p1 $0x2700  }
0x21: {  	s0 =	ssub.s32 @!p0 s0, s1  }
0x22: {  	p1 =	sgt.s32 @!p0 s16, $0x750;
	s1 =	sadd.s32 @!p0 $0xFFFFD900, s0  }
0x23: {  	p1 =	por !p1, p0;
	p2 =	sgt.s32 @!p0 s1, $0x7F  }
0x24: {  	s16 =	simm.s32 @p1 $0x750;
	s0 =	ssub.s32 @!p0 $0x2780, s0;
	p1 =	por !p2, p0  }
0x25: {  	s1 =	ssub.s32 @!p0 $0x7D0, s16;
	s0 =	simm.s32 @!p1 $0x0  }
0x26: {  	s0 =	smul.u32 @!p0 s1, s0;
	_ =	sdelay $0x1  }
0x27: {  	s1 =	simm.s32 @!p0 $0x2;
	s0 =	sand.u32 @!p0 $0x3FFFFFFF, s0  }
0x28: {  	s2 =	sadd.s32 $0x100, s13;
	_ =	swait.ge @!p0 [sflag:s1], s0  }
0x29: {  	p1 =	sgt.s32 s2, $0x270F;
	s3 =	rddreg [dreg:$0x4]  }
0x2a: {  	s2 =	smov.u32 @p1 s3;
	p1 =	sne.s32 s15, s6  }
.Ltmp1:
0x2b: {  	_ = 	snop;
	(pc) =	sbr.rel @!p1 .LBB1_14-.Ltmp1, $4  }
0x2c: {  	s31 =	sadd.s32 $0x1, s15  }
0x2d: {  	s8 =	smov.u32 s14;
	s14 =	smov.u32 s13;
	s16 =	smov.u32 s7  }
0x2e: {  	s0 =	ssub.s32 @!p0 $0x0, s0;
	[sflag:s1] =	ssyncset.done @!p0 $0x0;
	s7 =	rddreg [dreg:$0x5]  }
0x2f: {  	[sflag:s1] =	ssyncadd.s32 @!p0 s0;
	s15 =	smov.u32 s31;
	s13 =	smov.u32 s2  }
.LBB1_1:
0x30: {  	s0 =	rddreg [dreg:$0x6]  }
0x31: {  	p0 =	sgt.u32 s15, s0  }
0x32: {  	s0 =	sshll.u32 @!p0 s13, $0xB  }
0x33: {  	s1 =	rddreg [dreg:$0x7];
	s3 =	smov.u32 s13;
	s0 =	sand.u32 @!p0 $0xFFFFC000, s0  }
0x34: {  	p1 =	sgt.s32 @!p0 s13, $0x2690;
	s2 =	sxor.u32 @!p0 $0xFFFFFFFF, s15;
	s0 =	sor.u32 @!p0 s1, s0  }
0x35: {  	s4 =	sshra.s32 @!p0 s13, $0x1F;
	p1 =	por !p1, p0;
	s0 =	sshrl.u32 @!p0 s0, $0xB  }
0x36: {  	s4 =	sand.u32 @!p0 s4, s13;
	s3 =	simm.s32 @p1 $0x2690;
	s1 =	smulhi.u32 @!p0 $0x1A36E3, s0  }
0x37: {  	s5 =	rddreg [dreg:$0x8];
	s2 =	sshll.u32 @!p0 s2, $0xE;
	s3 =	ssub.s32 @!p0 s3, s4  }
0x38: {  	s4 =	sshll.u32 @!p0 s13, $0x7;
	s3 =	sadd.s32 @!p0 $0xFFFFD970, s3;
	s1 =	sshrl.u32 @!p0 s1, $0x2  }
0x39: {  	s4 =	sand.u32 @!p0 $0x380, s4;
	p1 =	sgt.s32 @!p0 s3, $0x7F;
	s1 =	smul.u32 @!p0 $0x2710, s1  }
0x3a: {  	s2 =	sand.u32 @!p0 $0x4000, s2;
	s4 =	sor.u32 @!p0 s5, s4;
	p1 =	por !p1, p0  }
0x3b: {  	s0 =	ssub.s32 @!p0 s0, s1;
	s1 =	sshll.u32 @!p0 s3, $0x7;
	s3 =	sshrl.u32 @!p0 s4, $0x3  }
0x3c: {  	s4 =	rddreg [dreg:$0x3];
	s1 =	ssub.s32 @!p0 $0x4000, s1;
	s0 =	sshll.u32 @!p0 s0, $0x8  }
0x3d: {  	s3 =	sadd.s32 @!p0 s4, s3;
	s4 =	simm.s32 @!p0 $0x4000;
	s1 =	sand.u32 @!p0 $0x3FFFFF80, s1  }
0x3e: {  	s0 =	sadd.s32 @!p0 s0, s3;
	s3 =	simm.s32 @!p0 $0x400;
	s1 =	simm.s32 @!p1 $0x0  }
0x3f: {  	[tilespmem:s2], [sflag:$0x1] =	stream.strided.gather @!p0 [hbm4b:s0+s3], s1, s4, s3, $0x38;
	[tilespmem:$0x10100] =	vst v63  }
0x40: {  	p0 =	seq.s32 s15, $0x0  }
0x41: {  	p1 =	sge.u32 @!p0 s15, s6  }
0x42: {  	p0 =	por p0, p1  }
.Ltmp2:
0x43: {  	_ = 	snop;
	(pc) =	sbr.rel @p0 .LBB1_13-.Ltmp2, $1  }
0x44: {  	_ =	sdelay $0x3  }
0x45: {  	s0 =	ssub.s32 $0x0, s14  }
0x46: {  	s1 =	sshra.s32 s14, $0x1F;
	p0 =	sgt.s32 s14, $0x2690;
	s2 =	smov.u32 s14  }
0x47: {  	s0 =	sand.u32 s0, s1;
	s2 =	simm.s32 @!p0 $0x2690  }
0x48: {  	[dreg:$0xc] =	wrdreg s0;
	s0 =	sadd.s32 s0, s2  }
0x49: {  	s2 =	sadd.s32 $0x80, s14;
	s0 =	sadd.s32 $0xFFFFD970, s0  }
0x4a: {  	p1 =	slt.s32 s2, $0x2710;
	s31 =	sshll.u32 s0, $0x7  }
0x4b: {  	s2 =	simm.s32 @!p1 $0x2710;
	s1 =	ssub.s32 $0x4000, s31  }
0x4c: {  	p0 =	sgt.s32 s0, $0x7F;
	s20 =	ssub.s32 s2, s14;
	s1 =	sand.u32 $0x3FFFFF80, s1  }
0x4d: {  	s1 =	simm.s32 @p0 $0x0;
	p0 =	slt.s32 s20, $0x1  }
.Ltmp3:
0x4e: {  	[dreg:$0xb] =	wrdreg s8;
	(pc) =	sbr.rel @p0 .LBB1_12-.Ltmp3, $4  }
0x4f: {  	[dreg:$0xa] =	wrdreg s7;
	s4 =	simm.s32 $0x1;
	s0 =	sand.u32 $0x1, s15  }
0x50: {  	s3 =	smul.u32 $0x4080, s0;
	_ =	swait.ge [sflag:s4], s1  }
0x51: {  	s1 =	ssub.s32 $0x0, s1;
	[sflag:s4] =	ssyncset.done $0x0  }
0x52: {  	s18 =	sor.u32 $0x8000, s3;
	[sflag:s4] =	ssyncadd.s32 s1  }
0x53: {  	s2 =	rddreg [dreg:$0xa]  }
0x54: {  	p0 =	slt.s32 s2, $0x750;
	s1 =	smov.u32 s2  }
.Ltmp4:
0x55: {  	s1 =	simm.s32 @!p0 $0x750;
	(pc) =	sbr.rel .LBB1_4-.Ltmp4, $4  }
0x56: {  	s1 =	ssub.s32 s1, s2  }
0x57: {  	s23 =	sshll.u32 s0, $0xE;
	s25 =	simm.s32 $0x0;
	s21 =	sadd.s32 $0x80, s1  }
0x58: {  	s26 =	simm.s32 $0x400;
	s22 =	sand.u32 $0xFFFFFF00, s21;
	s31 =	sshll.u32 s21, $0x3  }
0x59: {  	p0 =	slt.s32 s1, $0x80;
	s24 =	sand.u32 $0xFFFFF800, s31;
	p1 =	seq.s32 s22, s21  }
.LBB1_11:
0x5a: {  	s25 =	sadd.s32 $0x1, s25  }
0x5b: {  	p2 =	sne.s32 s25, s20  }
.Ltmp5:
0x5c: {  	_ = 	snop;
	(pc) =	sbr.rel @!p2 .LBB1_12-.Ltmp5, $2  }
0x5d: {  	_ =	sdelay $0x2  }
0x5e: {  	s26 =	sadd.s32 $0x80, s26  }
.LBB1_4:
.Ltmp6:
0x5f: {  	(pc) =	sbr.rel @p0 .LBB1_8-.Ltmp6, $2  }
0x60: {  	_ =	sdelay $0x2  }
0x61: {  	s27 =	sshll.u32 s25, $0x7;
	s28 =	sand.u32 $0x7F, s25  }
0x62: {  	s2 =	sshll.u32 s25, $0x3  }
0x63: {  	s5 =	sand.u32 $0x380, s27;
	s4 =	sshrl.u32 s2, $0x7  }
0x64: {  	s1 =	sadd.s32 $0x800, s2;
	s6 =	sadd.s32 $0x1000, s2;
	s10 =	sadd.s32 s5, s23  }
0x65: {  	s11 =	sadd.s32 $0x1800, s2;
	s19 =	sadd.s32 $0x2800, s2;
	s7 =	sadd.s32 $0x3000, s2  }
0x66: {  	s2 =	sadd.s32 $0x3800, s2;
	s0 =	sand.u32 $0x78, s4;
	s1 =	sshrl.u32 s1, $0x7  }
0x67: {  	s9 =	sshrl.u32 s6, $0x7;
	s3 =	smul.u32 $0x204, s0;
	s1 =	sand.u32 $0x78, s1  }
0x68: {  	s6 =	sshrl.u32 s11, $0x7;
	s5 =	sand.u32 $0x78, s9;
	s1 =	smul.u32 $0x204, s1  }
0x69: {  	s8 =	sshrl.u32 s2, $0x7;
	s11 =	sadd.s32 $0x10, s4;
	s5 =	smul.u32 $0x204, s5  }
0x6a: {  	s12 =	sand.u32 $0x78, s6;
	s6 =	sshrl.u32 s19, $0x7;
	s3 =	sshrl.u32 s3, $0x2  }
0x6b: {  	s3 =	sadd.s32 s3, s18;
	s1 =	sshrl.u32 s1, $0x2;
	s17 =	sshrl.u32 s5, $0x2  }
0x6c: {  	s5 =	sshrl.u32 s7, $0x7;
	s7 =	sadd.s32 $0x20, s4;
	s1 =	sadd.s32 s1, s18  }
0x6d: {  	s29 =	sadd.s32 s28, s3;
	s3 =	sadd.s32 s17, s18;
	s5 =	sand.u32 $0x78, s5  }
0x6e: {  	v0 =	vmov s10;
	s17 =	sadd.s32 $0x30, s4;
	s30 =	sadd.s32 s28, s1;
	s1 =	smul.u32 $0x204, s12  }
0x6f: {  	s31 =	sadd.s32 s28, s3;
	s3 =	sand.u32 $0x78, s6;
	s5 =	smul.u32 $0x204, s5  }
0x70: {  	s12 =	sand.u32 $0x78, s7;
	s7 =	sand.u32 $0x78, s17;
	s3 =	smul.u32 $0x204, s3  }
0x71: {  	s10 =	sand.u32 $0x3C00, s26;
	s9 =	sand.u32 $0x78, s8;
	s7 =	smul.u32 $0x204, s7  }
0x72: {  	s6 =	sand.u32 $0x78, s11;
	s5 =	sshrl.u32 s5, $0x2;
	s3 =	sshrl.u32 s3, $0x2  }
0x73: {  	v1 =	vld.idx.msk [tilespmem:v0+s10+$0x0 ss:$0x1], $0xffff;
	s5 =	sadd.s32 s5, s18;
	s7 =	sshrl.u32 s7, $0x2;
	s3 =	sadd.s32 s3, s18  }
0x74: {  	s2 =	sadd.s32 s28, s3;
	s3 =	smul.u32 $0x204, s9;
	s9 =	sadd.s32 $0x60, s4  }
0x75: {  	s11 =	sadd.s32 s28, s5;
	s5 =	smul.u32 $0x204, s12;
	s9 =	sand.u32 $0x78, s9  }
0x76: {  	s19 =	sadd.s32 s7, s18;
	s12 =	smul.u32 $0x204, s9  }
0x77: {  	s9 =	sadd.s32 s28, s19;
	s19 =	sadd.s32 $0xFFFFFC00, s26  }
0x78: {  	[tilespmem:s29+$0x0 ss:$0x81] =	vst.msk $0xffff, v1;
	v1 =	vld.idx.msk [tilespmem:v0+s10+$0x20 ss:$0x1], $0xffff;
	s17 =	sshrl.u32 s12, $0x2;
	s12 =	sand.u32 $0x3C00, s19  }
0x79: {  	s0 =	sxor.u32 $0x40, s0;
	s8 =	sadd.s32 $0x50, s4;
	v2 =	vld.idx.msk [tilespmem:v0+s12+$0x70 ss:$0x1], $0xffff  }
0x7a: {  	s0 =	smul.u32 $0x204, s0;
	s8 =	sand.u32 $0x78, s8;
	v3 =	vld.idx.msk [tilespmem:v0+s12+$0x0 ss:$0x1], $0xffff  }
0x7b: {  	s8 =	smul.u32 $0x204, s8;
	s3 =	sshrl.u32 s3, $0x2;
	v4 =	vld.idx.msk [tilespmem:v0+s12+$0x10 ss:$0x1], $0xffff  }
0x7c: {  	p2 =	sgt.s32 s22, $0x100;
	s0 =	sshrl.u32 s0, $0x2;
	s3 =	sadd.s32 s3, s18;
	v5 =	vld.idx.msk [tilespmem:v0+s12+$0x20 ss:$0x1], $0xffff  }
0x7d: {  	s0 =	sadd.s32 s0, s18;
	s8 =	sshrl.u32 s8, $0x2;
	s3 =	sadd.s32 s28, s3;
	v6 =	vld.idx.msk [tilespmem:v0+s12+$0x30 ss:$0x1], $0xffff  }
0x7e: {  	s6 =	smul.u32 $0x204, s6;
	s1 =	sshrl.u32 s1, $0x2;
	s4 =	sadd.s32 $0x70, s4;
	v7 =	vld.idx.msk [tilespmem:v0+s12+$0x40 ss:$0x1], $0xffff;
	[tilespmem:s3+$0x0 ss:$0x81] =	vst.msk $0xffff, v2  }
0x7f: {  	s0 =	sadd.s32 s28, s0;
	s1 =	sadd.s32 s1, s18;
	s4 =	sand.u32 $0x78, s4;
	v8 =	vld.idx.msk [tilespmem:v0+s12+$0x50 ss:$0x1], $0xffff;
	[tilespmem:s29+$0x0 ss:$0x81] =	vst.msk $0xffff, v3  }
0x80: {  	s6 =	sshrl.u32 s6, $0x2;
	s1 =	sadd.s32 s28, s1;
	s4 =	smul.u32 $0x204, s4;
	v9 =	vld.idx.msk [tilespmem:v0+s12+$0x60 ss:$0x1], $0xffff;
	[tilespmem:s30+$0x0 ss:$0x81] =	vst.msk $0xffff, v4  }
.Ltmp7:
0x81: {  	s6 =	sadd.s32 s6, s18;
	s5 =	sshrl.u32 s5, $0x2;
	v4 =	vld.idx.msk [tilespmem:v0+s10+$0x10 ss:$0x1], $0xffff;
	[tilespmem:s31+$0x0 ss:$0x81] =	vst.msk $0xffff, v5;
	(pc) =	sbr.rel @!p2 .LBB1_7-.Ltmp7, $4  }
0x82: {  	s7 =	sadd.s32 s28, s6;
	s6 =	sadd.s32 s8, s18;
	s5 =	sadd.s32 s5, s18;
	[tilespmem:s1+$0x0 ss:$0x81] =	vst.msk $0xffff, v6;
	v2 =	vld.idx.msk [tilespmem:v0+s10+$0x30 ss:$0x1], $0xffff  }
0x83: {  	s6 =	sadd.s32 s28, s6;
	s5 =	sadd.s32 s28, s5;
	s4 =	sshrl.u32 s4, $0x2;
	[tilespmem:s0+$0x0 ss:$0x81] =	vst.msk $0xffff, v7;
	v3 =	vld.idx.msk [tilespmem:v0+s10+$0x40 ss:$0x1], $0xffff  }
0x84: {  	s19 =	simm.s32 $0x100;
	s8 =	sadd.s32 s17, s18;
	s4 =	sadd.s32 s4, s18;
	[tilespmem:s2+$0x0 ss:$0x81] =	vst.msk $0xffff, v8;
	v5 =	vld.idx.msk [tilespmem:v0+s10+$0x50 ss:$0x1], $0xffff  }
0x85: {  	s12 =	sadd.s32 $0x800, s26;
	s8 =	sadd.s32 s28, s8;
	s4 =	sadd.s32 s28, s4;
	[tilespmem:s11+$0x0 ss:$0x81] =	vst.msk $0xffff, v9;
	v6 =	vld.idx.msk [tilespmem:v0+s10+$0x60 ss:$0x1], $0xffff  }
.LBB1_6:
0x86: {  	s17 =	sadd.s32 $0xFFFFFC00, s12;
	s19 =	sadd.s32 $0x100, s19;
	[tilespmem:s7+$0x0 ss:$0x81] =	vst.msk $0xffff, v4;
	v4 =	vld.idx.msk [tilespmem:v0+s10+$0x70 ss:$0x1], $0xffff;
	s10 =	sand.u32 $0x3C00, s12  }
0x87: {  	s17 =	sand.u32 $0x3C00, s17;
	v7 =	vld.idx.msk [tilespmem:v0+s10+$0x0 ss:$0x1], $0xffff;
	p2 =	slt.s32 s19, s22;
	[tilespmem:s5+$0x0 ss:$0x81] =	vst.msk $0xffff, v1  }
0x88: {  	v1 =	vld.idx.msk [tilespmem:v0+s17+$0x70 ss:$0x1], $0xffff;
	[tilespmem:s9+$0x0 ss:$0x81] =	vst.msk $0xffff, v2  }
0x89: {  	v2 =	vld.idx.msk [tilespmem:v0+s17+$0x0 ss:$0x1], $0xffff;
	[tilespmem:s0+$0x0 ss:$0x81] =	vst.msk $0xffff, v3  }
0x8a: {  	v3 =	vld.idx.msk [tilespmem:v0+s17+$0x10 ss:$0x1], $0xffff;
	[tilespmem:s6+$0x0 ss:$0x81] =	vst.msk $0xffff, v5  }
0x8b: {  	v5 =	vld.idx.msk [tilespmem:v0+s17+$0x20 ss:$0x1], $0xffff;
	[tilespmem:s8+$0x0 ss:$0x81] =	vst.msk $0xffff, v6  }
0x8c: {  	v6 =	vld.idx.msk [tilespmem:v0+s17+$0x30 ss:$0x1], $0xffff;
	[tilespmem:s4+$0x0 ss:$0x81] =	vst.msk $0xffff, v4  }
0x8d: {  	v8 =	vld.idx.msk [tilespmem:v0+s17+$0x40 ss:$0x1], $0xffff;
	[tilespmem:s29+$0x0 ss:$0x81] =	vst.msk $0xffff, v7  }
0x8e: {  	v7 =	vld.idx.msk [tilespmem:v0+s17+$0x50 ss:$0x1], $0xffff;
	[tilespmem:s3+$0x0 ss:$0x81] =	vst.msk $0xffff, v1  }
0x8f: {  	[tilespmem:s29+$0x0 ss:$0x81] =	vst.msk $0xffff, v2;
	v9 =	vld.idx.msk [tilespmem:v0+s17+$0x60 ss:$0x1], $0xffff  }
0x90: {  	[tilespmem:s30+$0x0 ss:$0x81] =	vst.msk $0xffff, v3;
	v4 =	vld.idx.msk [tilespmem:v0+s10+$0x10 ss:$0x1], $0xffff  }
.Ltmp8:
0x91: {  	[tilespmem:s31+$0x0 ss:$0x81] =	vst.msk $0xffff, v5;
	v1 =	vld.idx.msk [tilespmem:v0+s10+$0x20 ss:$0x1], $0xffff;
	(pc) =	sbr.rel @p2 .LBB1_6-.Ltmp8, $4  }
0x92: {  	[tilespmem:s1+$0x0 ss:$0x81] =	vst.msk $0xffff, v6;
	v2 =	vld.idx.msk [tilespmem:v0+s10+$0x30 ss:$0x1], $0xffff  }
0x93: {  	[tilespmem:s0+$0x0 ss:$0x81] =	vst.msk $0xffff, v8;
	v3 =	vld.idx.msk [tilespmem:v0+s10+$0x40 ss:$0x1], $0xffff  }
0x94: {  	[tilespmem:s2+$0x0 ss:$0x81] =	vst.msk $0xffff, v7;
	v5 =	vld.idx.msk [tilespmem:v0+s10+$0x50 ss:$0x1], $0xffff  }
0x95: {  	s12 =	sadd.s32 $0x800, s12;
	[tilespmem:s11+$0x0 ss:$0x81] =	vst.msk $0xffff, v9;
	v6 =	vld.idx.msk [tilespmem:v0+s10+$0x60 ss:$0x1], $0xffff  }
.LBB1_7:
0x96: {  	_ =	sdelay $0x2  }
0x97: {  	[tilespmem:s7+$0x0 ss:$0x81] =	vst.msk $0xffff, v4  }
0x98: {  	v0 =	vld.idx.msk [tilespmem:v0+s10+$0x70 ss:$0x1], $0xffff;
	[tilespmem:s5+$0x0 ss:$0x81] =	vst.msk $0xffff, v1  }
0x99: {  	[tilespmem:s9+$0x0 ss:$0x81] =	vst.msk $0xffff, v2  }
0x9a: {  	[tilespmem:s0+$0x0 ss:$0x81] =	vst.msk $0xffff, v3  }
0x9b: {  	[tilespmem:s6+$0x0 ss:$0x81] =	vst.msk $0xffff, v5  }
0x9c: {  	[tilespmem:s8+$0x0 ss:$0x81] =	vst.msk $0xffff, v6  }
0x9d: {  	[tilespmem:s4+$0x0 ss:$0x81] =	vst.msk $0xffff, v0  }
.LBB1_8:
.Ltmp9:
0x9e: {  	(pc) =	sbr.rel @p1 .LBB1_11-.Ltmp9, $1  }
0x9f: {  	_ =	sdelay $0x3  }
0xa0: {  	s1 =	sand.u32 $0x380, s27;
	s0 =	sshrl.u32 s25, $0x4;
	s2 =	sadd.s32 s28, s18  }
0xa1: {  	s3 =	smov.u32 s24;
	s4 =	smov.u32 s22;
	s1 =	sadd.s32 s1, s23  }
.LBB1_10:
0xa2: {  	s5 =	sand.u32 $0x3C00, s3  }
0xa3: {  	s5 =	sadd.s32 s27, s5  }
0xa4: {  	s5 =	sand.u32 $0x3C00, s5  }
0xa5: {  	s6 =	sand.u32 $0x70, s4;
	s30 =	sadd.s32 s4, s0;
	s5 =	sadd.s32 s5, s1  }
0xa6: {  	s4 =	sadd.s32 $0x10, s4;
	s31 =	sand.u32 $0x78, s30;
	s5 =	sadd.s32 s6, s5  }
0xa7: {  	p2 =	slt.s32 s4, s21;
	v0 =	vld [tilespmem:s5+$0x0];
	s5 =	smul.u32 $0x204, s31  }
.Ltmp10:
0xa8: {  	_ = 	snop;
	(pc) =	sbr.rel @p2 .LBB1_10-.Ltmp10, $4  }
0xa9: {  	_ = 	snop  }
0xaa: {  	s5 =	sshrl.u32 s5, $0x2  }
0xab: {  	s5 =	sadd.s32 s5, s2  }
0xac: {  	s3 =	sadd.s32 $0x80, s3;
	[tilespmem:s5+$0x0 ss:$0x81] =	vst.msk $0xffff, v0  }
.Ltmp11:
0xad: {  	_ = 	snop;
	(pc) =	sbr.rel .LBB1_11-.Ltmp11, $1  }
0xae: {  	_ =	sdelay $0x3  }
.LBB1_14:
0xaf: {  	_ =	sfence.sel $0x180000  }
0xb0: {  	s0 =	simm.s32 $0x1;
	[bflag:$0x0] =	sbarrier.arrive $0xFFFF  }
0xb1: {  	s30 =	simm.s32 $0x2;
	[sflag:s0] =	ssyncpa.u1 $0x1  }
0xb2: {  	[sflag:s30] =	ssyncpa.u1 $0x1  }
0xb3: {  	_ =	strace $0x90000047  }
0xb4: {  	s31 =	stileid.u32;
	[bflag:$0x2] =	sbarrier.arrive $0xFFFF  }
0xb5: {  	p0 =	sne.s32 s31, $0x0;
	s0 =	rddreg [dreg:$0x2]  }
0xb6: {  	s0 =	sadd.s32 @!p0 $0x100000, s0  }
0xb7: {  	[sflag:s0] =	ssyncadd.tile.s32 @!p0 $0x1;
	_ =	shalt  }
.Lfunc_end1:
_tile_overlayer_lowered:
.L_overlay_start_2:
0xb8: {  	(tag) =	ssettag $0x2  }
0xb9: {  	s0 =	rddreg [dreg:$0x0];
	s2 =	stileid.u32  }
0xba: {  	s1 =	rddreg [dreg:$0x1];
	p0 =	sne.s32 s2, $0x0  }
0xbb: {  	s3 =	rddreg [dreg:$0x2];
	[bflag:$0x3] =	sbarrier.arrive $0xFFFF;
	s2 =	simm.s32 @!p0 $0x1C01  }
0xbc: {  	[timem:s3], [sflag:s2] =	dma.local @!p0 [hbm:s0], s1  }
0xbd: {  	s0 =	simm.s32 @!p0 $0x1  }
0xbe: {  	_ =	swait.ge @!p0 [sflag:s0], s1  }
0xbf: {  	s1 =	ssub.s32 @!p0 $0x0, s1;
	[sflag:s0] =	ssyncset.done @!p0 $0x0  }
0xc0: {  	[sflag:s0] =	ssyncadd.s32 @!p0 s1  }
0xc1: {  	[bflag:$0x3] =	sbarrier.arrive $0xFFFF  }
0xc2: {  	_ =	shalt  }

</sc_bundles>
